<compile_context>
chip_gen: v7x
topology: tpu7x:2x2x1
jax: 0.10.2.dev20260603
libtpu: 0.0.44.dev20260713+nightly
codegen_flags: <defaults>
</compile_context>

<pallas_src>
import functools

import jax
import jax.numpy as jnp
from jax import lax
from jax.experimental import pallas as pl
from jax.experimental.pallas import tpu as pltpu
from jax.experimental.pallas import tpu_sc as plsc

GROUP = 8
NBUF = 4


@functools.lru_cache(maxsize=None)
def _make_gather(B: int, V: int, D: int):
  info = plsc.get_sparse_core_info()
  nw = info.num_cores * info.num_subcores
  assert B % (8 * nw) == 0
  b_per_w = B // nw
  n_groups = b_per_w // GROUP
  n_outer = n_groups // NBUF
  per_outer = NBUF * GROUP
  mesh = plsc.VectorSubcoreMesh(core_axis_name="c", subcore_axis_name="s")

  @functools.partial(
      pl.kernel,
      mesh=mesh,
      out_type=jax.ShapeDtypeStruct((D, B), jnp.float32),
      scratch_types=[
          pltpu.VMEM((b_per_w + NBUF * GROUP,), jnp.int32),
          pltpu.VMEM((D, GROUP * 128), jnp.float32),
          pltpu.VMEM((D, GROUP * 128), jnp.float32),
          pltpu.VMEM((D, GROUP * 128), jnp.float32),
          pltpu.VMEM((D, GROUP * 128), jnp.float32),
          pltpu.VMEM((D, b_per_w), jnp.float32),
          pltpu.SemaphoreType.DMA,
          pltpu.SemaphoreType.DMA,
          pltpu.SemaphoreType.DMA,
          pltpu.SemaphoreType.DMA,
      ],
      compiler_params=pltpu.CompilerParams(
          use_tc_tiling_on_sc=True,
          needs_layout_passes=False,
          disable_bounds_checks=True,
          disable_semaphore_checks=True,
          skip_device_barrier=True,
      ),
  )
  def gather_kernel(table_t_hbm, idx_hbm, out_t_hbm, idx_v, blk0, blk1,
                    blk2, blk3, cols_v, sem0, sem1, sem2, sem3):
    wid = lax.axis_index("s") * info.num_cores + lax.axis_index("c")
    base = wid * b_per_w
    pltpu.sync_copy(idx_hbm.at[pl.ds(base, b_per_w)],
                    idx_v.at[pl.ds(0, b_per_w)])

    lane = lax.iota(jnp.int32, 16)
    blks = (blk0, blk1, blk2, blk3)
    sems = (sem0, sem1, sem2, sem3)

    def windows(t):
      return [idx_v[pl.ds(t * per_outer + 16 * w, 16)]
              for w in range(per_outer // 16)]

    def fire(b, win, off):
      for k in range(GROUP):
        i0 = pl.multiple_of((win[off + k] >> 7) << 7, 128)
        pltpu.async_copy(
            table_t_hbm.at[:, pl.ds(i0, 128)],
            blks[b].at[:, pl.ds(k * 128, 128)],
            sems[b],
        )

    def drain(b):
      pltpu.make_async_copy(
          table_t_hbm.at[:, pl.ds(0, GROUP * 128)], blks[b], sems[b]
      ).wait()

    def pack(g, b, win, off):
      for k in range(GROUP):
        i = win[off + k]
        col = jnp.full((16,), i & 127, jnp.int32) + k * 128
        v = plsc.load_gather(blks[b], [lane, col])
        plsc.store_scatter(
            cols_v, [lane, jnp.full((16,), g * GROUP + k, jnp.int32)], v)

    w_first = windows(0)
    for b in range(NBUF):
      fire(b, w_first[(b * GROUP) // 16], (b * GROUP) % 16)

    def outer(t):
      cur = windows(t)
      nxt = windows(t + 1)
      for b in range(NBUF):
        g = t * NBUF + b
        w, off = (b * GROUP) // 16, (b * GROUP) % 16
        drain(b)
        pack(g, b, cur[w], off)

        @pl.when(t < n_outer - 1)
        def _():
          fire(b, nxt[w], off)

    pl.loop(0, n_outer)(outer)

    pltpu.sync_copy(cols_v, out_t_hbm.at[:, pl.ds(base, b_per_w)])

  return gather_kernel


def kernel(hw_ids, table):
  B, = hw_ids.shape
  V, D = table.shape
  out_t = _make_gather(B, V, D)(table.T, hw_ids.astype(jnp.int32))
  return out_t.T

# --- scband reference (transcript-rebuilt; emitter-appended) ---
"""Pipeline reference for scband-hardware-embedding-28389733827002 (READ-ONLY COPY).

The authoritative reference and input builder live on the scoring server;
editing this copy changes nothing except your own understanding.
"""

import jax, jax.numpy as jnp
import numpy as np

N_CONFIGS = 1000000
D_HW = 16
BATCH = 16384

def setup_inputs(seed: int = 0) -> dict:
    key = jax.random.key(seed)
    k_idx, k_tab = jax.random.split(key)
    hw_ids = jax.random.randint(k_idx, (BATCH,), 0, N_CONFIGS, dtype=jnp.int64 if jax.config.jax_enable_x64 else jnp.int32)
    table = jax.random.normal(k_tab, (N_CONFIGS, D_HW), dtype=jnp.float32)
    return {"hw_ids": hw_ids, "table": table}

def reference(hw_ids, table):
    # nn.Embedding forward: gather rows of the table by index
    return jnp.take(table, hw_ids, axis=0)

if __name__ == "__main__":
    import jax
    _d = setup_inputs()
    print(jax.jit(kernel)(*tuple(_d.values())))

</pallas_src>

<mosaic_0001>
#map = affine_map<(d0, d1) -> (0, 0)>
#map1 = affine_map<(d0, d1) -> (0)>
module attributes {stable_mosaic.version = 14 : i64} {
  func.func @gather_kernel(%arg0: i32, %arg1: i32, %arg2: memref<16x1000000xf32, #tpu.memory_space<hbm>>, %arg3: memref<16384xi32, #tpu.memory_space<hbm>>, %arg4: memref<16x16384xf32, #tpu.memory_space<hbm>>, %arg5: memref<544xi32, #tpu.memory_space<vmem>>, %arg6: memref<16x1024xf32, #tpu.memory_space<vmem>>, %arg7: memref<16x1024xf32, #tpu.memory_space<vmem>>, %arg8: memref<16x1024xf32, #tpu.memory_space<vmem>>, %arg9: memref<16x1024xf32, #tpu.memory_space<vmem>>, %arg10: memref<16x512xf32, #tpu.memory_space<vmem>>, %arg11: memref<!tpu.dma_semaphore, #tpu.memory_space<semaphore_mem>>, %arg12: memref<!tpu.dma_semaphore, #tpu.memory_space<semaphore_mem>>, %arg13: memref<!tpu.dma_semaphore, #tpu.memory_space<semaphore_mem>>, %arg14: memref<!tpu.dma_semaphore, #tpu.memory_space<semaphore_mem>>) attributes {dimension_semantics = [#tpu.dimension_semantics<core_parallel>, #tpu.dimension_semantics<subcore_parallel>], iteration_bounds = array<i64: 2, 16>, scalar_prefetch = 0 : i64, scratch_operands = 10 : i64, tpu.core_type = #tpu.core_type<sc_vector_subcore>, window_params = [{transform_indices = #map}, {transform_indices = #map1}, {transform_indices = #map}]} {
    %mul3A = arith.constant 2 : i32
    %mul3A_0 = arith.muli %arg1, %mul3A : i32
    %add3A = arith.addi %mul3A_0, %arg0 : i32
    %mul3A_1 = arith.constant 512 : i32
    %mul3A_2 = arith.muli %add3A, %mul3A_1 : i32
    "tpu.region"() ({
      %run_scoped3A = tpu.sem_alloc : memref<!tpu.dma_semaphore, #tpu.memory_space<semaphore_mem>>
      %dma_start3A_548 = arith.constant 0 : i32
      %dma_start3A_549 = tpu.memref_slice %arg5[%dma_start3A_548] : memref<544xi32, #tpu.memory_space<vmem>> -> memref<512xi32, #tpu.memory_space<vmem>>
      %dma_start3A_550 = tpu.memref_slice %arg3[%mul3A_2] : memref<16384xi32, #tpu.memory_space<hbm>> -> memref<512xi32, #tpu.memory_space<hbm>>
      %dma_start3A_551 = arith.constant 0 : i32
      %dma_start3A_552 = tpu.memref_slice %arg5[%dma_start3A_551] : memref<544xi32, #tpu.memory_space<vmem>> -> memref<512xi32, #tpu.memory_space<vmem>>
      %dma_start3A_553 = tpu.memref_slice %arg3[%mul3A_2] : memref<16384xi32, #tpu.memory_space<hbm>> -> memref<512xi32, #tpu.memory_space<hbm>>
      tpu.enqueue_dma source(%dma_start3A_553 : memref<512xi32, #tpu.memory_space<hbm>>) target(%dma_start3A_552 : memref<512xi32, #tpu.memory_space<vmem>>) target_semaphore(%run_scoped3A : memref<!tpu.dma_semaphore, #tpu.memory_space<semaphore_mem>>)
      %dma_wait3A = arith.constant 0 : i32
      %dma_wait3A_554 = tpu.memref_slice %arg5[%dma_wait3A] : memref<544xi32, #tpu.memory_space<vmem>> -> memref<512xi32, #tpu.memory_space<vmem>>
      %dma_wait3A_555 = tpu.memref_slice %arg3[%mul3A_2] : memref<16384xi32, #tpu.memory_space<hbm>> -> memref<512xi32, #tpu.memory_space<hbm>>
      %dma_wait3A_556 = arith.constant 0 : i32
      %dma_wait3A_557 = tpu.memref_slice %arg5[%dma_wait3A_556] : memref<544xi32, #tpu.memory_space<vmem>> -> memref<512xi32, #tpu.memory_space<vmem>>
      %dma_wait3A_558 = tpu.memref_slice %arg3[%mul3A_2] : memref<16384xi32, #tpu.memory_space<hbm>> -> memref<512xi32, #tpu.memory_space<hbm>>
      tpu.wait_dma2 semaphore(%run_scoped3A : memref<!tpu.dma_semaphore, #tpu.memory_space<semaphore_mem>>) src(%dma_wait3A_558 : memref<512xi32, #tpu.memory_space<hbm>>) dst(%dma_wait3A_557 : memref<512xi32, #tpu.memory_space<vmem>>)
      tpu.yield
    }) : () -> ()
    %iota3A = tpu.iota {dimensions = array<i32: 0>} : vector<16xi32>
    %get3A = arith.constant 0 : index
    %get3A_3 = tpu.vector_load %arg5[%get3A] {strides = array<i32>} : memref<544xi32, #tpu.memory_space<vmem>>, vector<16xi32>,
    %get3A_4 = arith.constant 16 : index
    %get3A_5 = tpu.vector_load %arg5[%get3A_4] {strides = array<i32>} : memref<544xi32, #tpu.memory_space<vmem>>, vector<16xi32>,
    %slice3A = vector.extract_strided_slice %get3A_3 {offsets = [0], sizes = [1], strides = [1]} : vector<16xi32> to vector<1xi32>
    %squeeze3A = vector.extract %slice3A[0] : i32 from vector<1xi32>
    %shift_right_arithmetic3A = arith.constant 7 : i32
    %shift_right_arithmetic3A_6 = arith.shrsi %squeeze3A, %shift_right_arithmetic3A : i32
    %shift_left3A = arith.constant 7 : i32
    %shift_left3A_7 = arith.shli %shift_right_arithmetic3A_6, %shift_left3A : i32
    %multiple_of3A = tpu.assume_multiple %shift_left3A_7, 128 : i32
    %dma_start3A = arith.constant 0 : i32
    %dma_start3A_8 = arith.constant 0 : i32
    %dma_start3A_9 = tpu.memref_slice %arg6[%dma_start3A, %dma_start3A_8] : memref<16x1024xf32, #tpu.memory_space<vmem>> -> memref<16x128xf32, #tpu.memory_space<vmem>>
    %dma_start3A_10 = arith.constant 0 : i32
    %dma_start3A_11 = tpu.memref_slice %arg2[%dma_start3A_10, %multiple_of3A] : memref<16x1000000xf32, #tpu.memory_space<hbm>> -> memref<16x128xf32, #tpu.memory_space<hbm>>
    %dma_start3A_12 = arith.constant 0 : i32
    %dma_start3A_13 = arith.constant 0 : i32
    %dma_start3A_14 = tpu.memref_slice %arg6[%dma_start3A_12, %dma_start3A_13] : memref<16x1024xf32, #tpu.memory_space<vmem>> -> memref<16x128xf32, #tpu.memory_space<vmem>>
    %dma_start3A_15 = arith.constant 0 : i32
    %dma_start3A_16 = tpu.memref_slice %arg2[%dma_start3A_15, %multiple_of3A] : memref<16x1000000xf32, #tpu.memory_space<hbm>> -> memref<16x128xf32, #tpu.memory_space<hbm>>
    tpu.enqueue_dma source(%dma_start3A_16 : memref<16x128xf32, #tpu.memory_space<hbm>>) target(%dma_start3A_14 : memref<16x128xf32, #tpu.memory_space<vmem>>) target_semaphore(%arg11 : memref<!tpu.dma_semaphore, #tpu.memory_space<semaphore_mem>>)
    %slice3A_17 = vector.extract_strided_slice %get3A_3 {offsets = [1], sizes = [1], strides = [1]} : vector<16xi32> to vector<1xi32>
    %squeeze3A_18 = vector.extract %slice3A_17[0] : i32 from vector<1xi32>
    %shift_right_arithmetic3A_19 = arith.constant 7 : i32
    %shift_right_arithmetic3A_20 = arith.shrsi %squeeze3A_18, %shift_right_arithmetic3A_19 : i32
    %shift_left3A_21 = arith.constant 7 : i32
    %shift_left3A_22 = arith.shli %shift_right_arithmetic3A_20, %shift_left3A_21 : i32
    %multiple_of3A_23 = tpu.assume_multiple %shift_left3A_22, 128 : i32
    %dma_start3A_24 = arith.constant 0 : i32
    %dma_start3A_25 = arith.constant 128 : i32
    %dma_start3A_26 = tpu.memref_slice %arg6[%dma_start3A_24, %dma_start3A_25] : memref<16x1024xf32, #tpu.memory_space<vmem>> -> memref<16x128xf32, #tpu.memory_space<vmem>>
    %dma_start3A_27 = arith.constant 0 : i32
    %dma_start3A_28 = tpu.memref_slice %arg2[%dma_start3A_27, %multiple_of3A_23] : memref<16x1000000xf32, #tpu.memory_space<hbm>> -> memref<16x128xf32, #tpu.memory_space<hbm>>
    %dma_start3A_29 = arith.constant 0 : i32
    %dma_start3A_30 = arith.constant 128 : i32
    %dma_start3A_31 = tpu.memref_slice %arg6[%dma_start3A_29, %dma_start3A_30] : memref<16x1024xf32, #tpu.memory_space<vmem>> -> memref<16x128xf32, #tpu.memory_space<vmem>>
    %dma_start3A_32 = arith.constant 0 : i32
    %dma_start3A_33 = tpu.memref_slice %arg2[%dma_start3A_32, %multiple_of3A_23] : memref<16x1000000xf32, #tpu.memory_space<hbm>> -> memref<16x128xf32, #tpu.memory_space<hbm>>
    tpu.enqueue_dma source(%dma_start3A_33 : memref<16x128xf32, #tpu.memory_space<hbm>>) target(%dma_start3A_31 : memref<16x128xf32, #tpu.memory_space<vmem>>) target_semaphore(%arg11 : memref<!tpu.dma_semaphore, #tpu.memory_space<semaphore_mem>>)
    %slice3A_34 = vector.extract_strided_slice %get3A_3 {offsets = [2], sizes = [1], strides = [1]} : vector<16xi32> to vector<1xi32>
    %squeeze3A_35 = vector.extract %slice3A_34[0] : i32 from vector<1xi32>
    %shift_right_arithmetic3A_36 = arith.constant 7 : i32
    %shift_right_arithmetic3A_37 = arith.shrsi %squeeze3A_35, %shift_right_arithmetic3A_36 : i32
    %shift_left3A_38 = arith.constant 7 : i32
    %shift_left3A_39 = arith.shli %shift_right_arithmetic3A_37, %shift_left3A_38 : i32
    %multiple_of3A_40 = tpu.assume_multiple %shift_left3A_39, 128 : i32
    %dma_start3A_41 = arith.constant 0 : i32
    %dma_start3A_42 = arith.constant 256 : i32
    %dma_start3A_43 = tpu.memref_slice %arg6[%dma_start3A_41, %dma_start3A_42] : memref<16x1024xf32, #tpu.memory_space<vmem>> -> memref<16x128xf32, #tpu.memory_space<vmem>>
    %dma_start3A_44 = arith.constant 0 : i32
    %dma_start3A_45 = tpu.memref_slice %arg2[%dma_start3A_44, %multiple_of3A_40] : memref<16x1000000xf32, #tpu.memory_space<hbm>> -> memref<16x128xf32, #tpu.memory_space<hbm>>
    %dma_start3A_46 = arith.constant 0 : i32
    %dma_start3A_47 = arith.constant 256 : i32
    %dma_start3A_48 = tpu.memref_slice %arg6[%dma_start3A_46, %dma_start3A_47] : memref<16x1024xf32, #tpu.memory_space<vmem>> -> memref<16x128xf32, #tpu.memory_space<vmem>>
    %dma_start3A_49 = arith.constant 0 : i32
    %dma_start3A_50 = tpu.memref_slice %arg2[%dma_start3A_49, %multiple_of3A_40] : memref<16x1000000xf32, #tpu.memory_space<hbm>> -> memref<16x128xf32, #tpu.memory_space<hbm>>
    tpu.enqueue_dma source(%dma_start3A_50 : memref<16x128xf32, #tpu.memory_space<hbm>>) target(%dma_start3A_48 : memref<16x128xf32, #tpu.memory_space<vmem>>) target_semaphore(%arg11 : memref<!tpu.dma_semaphore, #tpu.memory_space<semaphore_mem>>)
    %slice3A_51 = vector.extract_strided_slice %get3A_3 {offsets = [3], sizes = [1], strides = [1]} : vector<16xi32> to vector<1xi32>
    %squeeze3A_52 = vector.extract %slice3A_51[0] : i32 from vector<1xi32>
    %shift_right_arithmetic3A_53 = arith.constant 7 : i32
    %shift_right_arithmetic3A_54 = arith.shrsi %squeeze3A_52, %shift_right_arithmetic3A_53 : i32
    %shift_left3A_55 = arith.constant 7 : i32
    %shift_left3A_56 = arith.shli %shift_right_arithmetic3A_54, %shift_left3A_55 : i32
    %multiple_of3A_57 = tpu.assume_multiple %shift_left3A_56, 128 : i32
    %dma_start3A_58 = arith.constant 0 : i32
    %dma_start3A_59 = arith.constant 384 : i32
    %dma_start3A_60 = tpu.memref_slice %arg6[%dma_start3A_58, %dma_start3A_59] : memref<16x1024xf32, #tpu.memory_space<vmem>> -> memref<16x128xf32, #tpu.memory_space<vmem>>
    %dma_start3A_61 = arith.constant 0 : i32
    %dma_start3A_62 = tpu.memref_slice %arg2[%dma_start3A_61, %multiple_of3A_57] : memref<16x1000000xf32, #tpu.memory_space<hbm>> -> memref<16x128xf32, #tpu.memory_space<hbm>>
    %dma_start3A_63 = arith.constant 0 : i32
    %dma_start3A_64 = arith.constant 384 : i32
    %dma_start3A_65 = tpu.memref_slice %arg6[%dma_start3A_63, %dma_start3A_64] : memref<16x1024xf32, #tpu.memory_space<vmem>> -> memref<16x128xf32, #tpu.memory_space<vmem>>
    %dma_start3A_66 = arith.constant 0 : i32
    %dma_start3A_67 = tpu.memref_slice %arg2[%dma_start3A_66, %multiple_of3A_57] : memref<16x1000000xf32, #tpu.memory_space<hbm>> -> memref<16x128xf32, #tpu.memory_space<hbm>>
    tpu.enqueue_dma source(%dma_start3A_67 : memref<16x128xf32, #tpu.memory_space<hbm>>) target(%dma_start3A_65 : memref<16x128xf32, #tpu.memory_space<vmem>>) target_semaphore(%arg11 : memref<!tpu.dma_semaphore, #tpu.memory_space<semaphore_mem>>)
    %slice3A_68 = vector.extract_strided_slice %get3A_3 {offsets = [4], sizes = [1], strides = [1]} : vector<16xi32> to vector<1xi32>
    %squeeze3A_69 = vector.extract %slice3A_68[0] : i32 from vector<1xi32>
    %shift_right_arithmetic3A_70 = arith.constant 7 : i32
    %shift_right_arithmetic3A_71 = arith.shrsi %squeeze3A_69, %shift_right_arithmetic3A_70 : i32
    %shift_left3A_72 = arith.constant 7 : i32
    %shift_left3A_73 = arith.shli %shift_right_arithmetic3A_71, %shift_left3A_72 : i32
    %multiple_of3A_74 = tpu.assume_multiple %shift_left3A_73, 128 : i32
    %dma_start3A_75 = arith.constant 0 : i32
    %dma_start3A_76 = arith.constant 512 : i32
    %dma_start3A_77 = tpu.memref_slice %arg6[%dma_start3A_75, %dma_start3A_76] : memref<16x1024xf32, #tpu.memory_space<vmem>> -> memref<16x128xf32, #tpu.memory_space<vmem>>
    %dma_start3A_78 = arith.constant 0 : i32
    %dma_start3A_79 = tpu.memref_slice %arg2[%dma_start3A_78, %multiple_of3A_74] : memref<16x1000000xf32, #tpu.memory_space<hbm>> -> memref<16x128xf32, #tpu.memory_space<hbm>>
    %dma_start3A_80 = arith.constant 0 : i32
    %dma_start3A_81 = arith.constant 512 : i32
    %dma_start3A_82 = tpu.memref_slice %arg6[%dma_start3A_80, %dma_start3A_81] : memref<16x1024xf32, #tpu.memory_space<vmem>> -> memref<16x128xf32, #tpu.memory_space<vmem>>
    %dma_start3A_83 = arith.constant 0 : i32
    %dma_start3A_84 = tpu.memref_slice %arg2[%dma_start3A_83, %multiple_of3A_74] : memref<16x1000000xf32, #tpu.memory_space<hbm>> -> memref<16x128xf32, #tpu.memory_space<hbm>>
    tpu.enqueue_dma source(%dma_start3A_84 : memref<16x128xf32, #tpu.memory_space<hbm>>) target(%dma_start3A_82 : memref<16x128xf32, #tpu.memory_space<vmem>>) target_semaphore(%arg11 : memref<!tpu.dma_semaphore, #tpu.memory_space<semaphore_mem>>)
    %slice3A_85 = vector.extract_strided_slice %get3A_3 {offsets = [5], sizes = [1], strides = [1]} : vector<16xi32> to vector<1xi32>
    %squeeze3A_86 = vector.extract %slice3A_85[0] : i32 from vector<1xi32>
    %shift_right_arithmetic3A_87 = arith.constant 7 : i32
    %shift_right_arithmetic3A_88 = arith.shrsi %squeeze3A_86, %shift_right_arithmetic3A_87 : i32
    %shift_left3A_89 = arith.constant 7 : i32
    %shift_left3A_90 = arith.shli %shift_right_arithmetic3A_88, %shift_left3A_89 : i32
    %multiple_of3A_91 = tpu.assume_multiple %shift_left3A_90, 128 : i32
    %dma_start3A_92 = arith.constant 0 : i32
    %dma_start3A_93 = arith.constant 640 : i32
    %dma_start3A_94 = tpu.memref_slice %arg6[%dma_start3A_92, %dma_start3A_93] : memref<16x1024xf32, #tpu.memory_space<vmem>> -> memref<16x128xf32, #tpu.memory_space<vmem>>
    %dma_start3A_95 = arith.constant 0 : i32
    %dma_start3A_96 = tpu.memref_slice %arg2[%dma_start3A_95, %multiple_of3A_91] : memref<16x1000000xf32, #tpu.memory_space<hbm>> -> memref<16x128xf32, #tpu.memory_space<hbm>>
    %dma_start3A_97 = arith.constant 0 : i32
    %dma_start3A_98 = arith.constant 640 : i32
    %dma_start3A_99 = tpu.memref_slice %arg6[%dma_start3A_97, %dma_start3A_98] : memref<16x1024xf32, #tpu.memory_space<vmem>> -> memref<16x128xf32, #tpu.memory_space<vmem>>
    %dma_start3A_100 = arith.constant 0 : i32
    %dma_start3A_101 = tpu.memref_slice %arg2[%dma_start3A_100, %multiple_of3A_91] : memref<16x1000000xf32, #tpu.memory_space<hbm>> -> memref<16x128xf32, #tpu.memory_space<hbm>>
    tpu.enqueue_dma source(%dma_start3A_101 : memref<16x128xf32, #tpu.memory_space<hbm>>) target(%dma_start3A_99 : memref<16x128xf32, #tpu.memory_space<vmem>>) target_semaphore(%arg11 : memref<!tpu.dma_semaphore, #tpu.memory_space<semaphore_mem>>)
    %slice3A_102 = vector.extract_strided_slice %get3A_3 {offsets = [6], sizes = [1], strides = [1]} : vector<16xi32> to vector<1xi32>
    %squeeze3A_103 = vector.extract %slice3A_102[0] : i32 from vector<1xi32>
    %shift_right_arithmetic3A_104 = arith.constant 7 : i32
    %shift_right_arithmetic3A_105 = arith.shrsi %squeeze3A_103, %shift_right_arithmetic3A_104 : i32
    %shift_left3A_106 = arith.constant 7 : i32
    %shift_left3A_107 = arith.shli %shift_right_arithmetic3A_105, %shift_left3A_106 : i32
    %multiple_of3A_108 = tpu.assume_multiple %shift_left3A_107, 128 : i32
    %dma_start3A_109 = arith.constant 0 : i32
    %dma_start3A_110 = arith.constant 768 : i32
    %dma_start3A_111 = tpu.memref_slice %arg6[%dma_start3A_109, %dma_start3A_110] : memref<16x1024xf32, #tpu.memory_space<vmem>> -> memref<16x128xf32, #tpu.memory_space<vmem>>
    %dma_start3A_112 = arith.constant 0 : i32
    %dma_start3A_113 = tpu.memref_slice %arg2[%dma_start3A_112, %multiple_of3A_108] : memref<16x1000000xf32, #tpu.memory_space<hbm>> -> memref<16x128xf32, #tpu.memory_space<hbm>>
    %dma_start3A_114 = arith.constant 0 : i32
    %dma_start3A_115 = arith.constant 768 : i32
    %dma_start3A_116 = tpu.memref_slice %arg6[%dma_start3A_114, %dma_start3A_115] : memref<16x1024xf32, #tpu.memory_space<vmem>> -> memref<16x128xf32, #tpu.memory_space<vmem>>
    %dma_start3A_117 = arith.constant 0 : i32
    %dma_start3A_118 = tpu.memref_slice %arg2[%dma_start3A_117, %multiple_of3A_108] : memref<16x1000000xf32, #tpu.memory_space<hbm>> -> memref<16x128xf32, #tpu.memory_space<hbm>>
    tpu.enqueue_dma source(%dma_start3A_118 : memref<16x128xf32, #tpu.memory_space<hbm>>) target(%dma_start3A_116 : memref<16x128xf32, #tpu.memory_space<vmem>>) target_semaphore(%arg11 : memref<!tpu.dma_semaphore, #tpu.memory_space<semaphore_mem>>)
    %slice3A_119 = vector.extract_strided_slice %get3A_3 {offsets = [7], sizes = [1], strides = [1]} : vector<16xi32> to vector<1xi32>
    %squeeze3A_120 = vector.extract %slice3A_119[0] : i32 from vector<1xi32>
    %shift_right_arithmetic3A_121 = arith.constant 7 : i32
    %shift_right_arithmetic3A_122 = arith.shrsi %squeeze3A_120, %shift_right_arithmetic3A_121 : i32
    %shift_left3A_123 = arith.constant 7 : i32
    %shift_left3A_124 = arith.shli %shift_right_arithmetic3A_122, %shift_left3A_123 : i32
    %multiple_of3A_125 = tpu.assume_multiple %shift_left3A_124, 128 : i32
    %dma_start3A_126 = arith.constant 0 : i32
    %dma_start3A_127 = arith.constant 896 : i32
    %dma_start3A_128 = tpu.memref_slice %arg6[%dma_start3A_126, %dma_start3A_127] : memref<16x1024xf32, #tpu.memory_space<vmem>> -> memref<16x128xf32, #tpu.memory_space<vmem>>
    %dma_start3A_129 = arith.constant 0 : i32
    %dma_start3A_130 = tpu.memref_slice %arg2[%dma_start3A_129, %multiple_of3A_125] : memref<16x1000000xf32, #tpu.memory_space<hbm>> -> memref<16x128xf32, #tpu.memory_space<hbm>>
    %dma_start3A_131 = arith.constant 0 : i32
    %dma_start3A_132 = arith.constant 896 : i32
    %dma_start3A_133 = tpu.memref_slice %arg6[%dma_start3A_131, %dma_start3A_132] : memref<16x1024xf32, #tpu.memory_space<vmem>> -> memref<16x128xf32, #tpu.memory_space<vmem>>
    %dma_start3A_134 = arith.constant 0 : i32
    %dma_start3A_135 = tpu.memref_slice %arg2[%dma_start3A_134, %multiple_of3A_125] : memref<16x1000000xf32, #tpu.memory_space<hbm>> -> memref<16x128xf32, #tpu.memory_space<hbm>>
    tpu.enqueue_dma source(%dma_start3A_135 : memref<16x128xf32, #tpu.memory_space<hbm>>) target(%dma_start3A_133 : memref<16x128xf32, #tpu.memory_space<vmem>>) target_semaphore(%arg11 : memref<!tpu.dma_semaphore, #tpu.memory_space<semaphore_mem>>)
    %slice3A_136 = vector.extract_strided_slice %get3A_3 {offsets = [8], sizes = [1], strides = [1]} : vector<16xi32> to vector<1xi32>
    %squeeze3A_137 = vector.extract %slice3A_136[0] : i32 from vector<1xi32>
    %shift_right_arithmetic3A_138 = arith.constant 7 : i32
    %shift_right_arithmetic3A_139 = arith.shrsi %squeeze3A_137, %shift_right_arithmetic3A_138 : i32
    %shift_left3A_140 = arith.constant 7 : i32
    %shift_left3A_141 = arith.shli %shift_right_arithmetic3A_139, %shift_left3A_140 : i32
    %multiple_of3A_142 = tpu.assume_multiple %shift_left3A_141, 128 : i32
    %dma_start3A_143 = arith.constant 0 : i32
    %dma_start3A_144 = arith.constant 0 : i32
    %dma_start3A_145 = tpu.memref_slice %arg7[%dma_start3A_143, %dma_start3A_144] : memref<16x1024xf32, #tpu.memory_space<vmem>> -> memref<16x128xf32, #tpu.memory_space<vmem>>
    %dma_start3A_146 = arith.constant 0 : i32
    %dma_start3A_147 = tpu.memref_slice %arg2[%dma_start3A_146, %multiple_of3A_142] : memref<16x1000000xf32, #tpu.memory_space<hbm>> -> memref<16x128xf32, #tpu.memory_space<hbm>>
    %dma_start3A_148 = arith.constant 0 : i32
    %dma_start3A_149 = arith.constant 0 : i32
    %dma_start3A_150 = tpu.memref_slice %arg7[%dma_start3A_148, %dma_start3A_149] : memref<16x1024xf32, #tpu.memory_space<vmem>> -> memref<16x128xf32, #tpu.memory_space<vmem>>
    %dma_start3A_151 = arith.constant 0 : i32
    %dma_start3A_152 = tpu.memref_slice %arg2[%dma_start3A_151, %multiple_of3A_142] : memref<16x1000000xf32, #tpu.memory_space<hbm>> -> memref<16x128xf32, #tpu.memory_space<hbm>>
    tpu.enqueue_dma source(%dma_start3A_152 : memref<16x128xf32, #tpu.memory_space<hbm>>) target(%dma_start3A_150 : memref<16x128xf32, #tpu.memory_space<vmem>>) target_semaphore(%arg12 : memref<!tpu.dma_semaphore, #tpu.memory_space<semaphore_mem>>)
    %slice3A_153 = vector.extract_strided_slice %get3A_3 {offsets = [9], sizes = [1], strides = [1]} : vector<16xi32> to vector<1xi32>
    %squeeze3A_154 = vector.extract %slice3A_153[0] : i32 from vector<1xi32>
    %shift_right_arithmetic3A_155 = arith.constant 7 : i32
    %shift_right_arithmetic3A_156 = arith.shrsi %squeeze3A_154, %shift_right_arithmetic3A_155 : i32
    %shift_left3A_157 = arith.constant 7 : i32
    %shift_left3A_158 = arith.shli %shift_right_arithmetic3A_156, %shift_left3A_157 : i32
    %multiple_of3A_159 = tpu.assume_multiple %shift_left3A_158, 128 : i32
    %dma_start3A_160 = arith.constant 0 : i32
    %dma_start3A_161 = arith.constant 128 : i32
    %dma_start3A_162 = tpu.memref_slice %arg7[%dma_start3A_160, %dma_start3A_161] : memref<16x1024xf32, #tpu.memory_space<vmem>> -> memref<16x128xf32, #tpu.memory_space<vmem>>
    %dma_start3A_163 = arith.constant 0 : i32
    %dma_start3A_164 = tpu.memref_slice %arg2[%dma_start3A_163, %multiple_of3A_159] : memref<16x1000000xf32, #tpu.memory_space<hbm>> -> memref<16x128xf32, #tpu.memory_space<hbm>>
    %dma_start3A_165 = arith.constant 0 : i32
    %dma_start3A_166 = arith.constant 128 : i32
    %dma_start3A_167 = tpu.memref_slice %arg7[%dma_start3A_165, %dma_start3A_166] : memref<16x1024xf32, #tpu.memory_space<vmem>> -> memref<16x128xf32, #tpu.memory_space<vmem>>
    %dma_start3A_168 = arith.constant 0 : i32
    %dma_start3A_169 = tpu.memref_slice %arg2[%dma_start3A_168, %multiple_of3A_159] : memref<16x1000000xf32, #tpu.memory_space<hbm>> -> memref<16x128xf32, #tpu.memory_space<hbm>>
    tpu.enqueue_dma source(%dma_start3A_169 : memref<16x128xf32, #tpu.memory_space<hbm>>) target(%dma_start3A_167 : memref<16x128xf32, #tpu.memory_space<vmem>>) target_semaphore(%arg12 : memref<!tpu.dma_semaphore, #tpu.memory_space<semaphore_mem>>)
    %slice3A_170 = vector.extract_strided_slice %get3A_3 {offsets = [10], sizes = [1], strides = [1]} : vector<16xi32> to vector<1xi32>
    %squeeze3A_171 = vector.extract %slice3A_170[0] : i32 from vector<1xi32>
    %shift_right_arithmetic3A_172 = arith.constant 7 : i32
    %shift_right_arithmetic3A_173 = arith.shrsi %squeeze3A_171, %shift_right_arithmetic3A_172 : i32
    %shift_left3A_174 = arith.constant 7 : i32
    %shift_left3A_175 = arith.shli %shift_right_arithmetic3A_173, %shift_left3A_174 : i32
    %multiple_of3A_176 = tpu.assume_multiple %shift_left3A_175, 128 : i32
    %dma_start3A_177 = arith.constant 0 : i32
    %dma_start3A_178 = arith.constant 256 : i32
    %dma_start3A_179 = tpu.memref_slice %arg7[%dma_start3A_177, %dma_start3A_178] : memref<16x1024xf32, #tpu.memory_space<vmem>> -> memref<16x128xf32, #tpu.memory_space<vmem>>
    %dma_start3A_180 = arith.constant 0 : i32
    %dma_start3A_181 = tpu.memref_slice %arg2[%dma_start3A_180, %multiple_of3A_176] : memref<16x1000000xf32, #tpu.memory_space<hbm>> -> memref<16x128xf32, #tpu.memory_space<hbm>>
    %dma_start3A_182 = arith.constant 0 : i32
    %dma_start3A_183 = arith.constant 256 : i32
    %dma_start3A_184 = tpu.memref_slice %arg7[%dma_start3A_182, %dma_start3A_183] : memref<16x1024xf32, #tpu.memory_space<vmem>> -> memref<16x128xf32, #tpu.memory_space<vmem>>
    %dma_start3A_185 = arith.constant 0 : i32
    %dma_start3A_186 = tpu.memref_slice %arg2[%dma_start3A_185, %multiple_of3A_176] : memref<16x1000000xf32, #tpu.memory_space<hbm>> -> memref<16x128xf32, #tpu.memory_space<hbm>>
    tpu.enqueue_dma source(%dma_start3A_186 : memref<16x128xf32, #tpu.memory_space<hbm>>) target(%dma_start3A_184 : memref<16x128xf32, #tpu.memory_space<vmem>>) target_semaphore(%arg12 : memref<!tpu.dma_semaphore, #tpu.memory_space<semaphore_mem>>)
    %slice3A_187 = vector.extract_strided_slice %get3A_3 {offsets = [11], sizes = [1], strides = [1]} : vector<16xi32> to vector<1xi32>
    %squeeze3A_188 = vector.extract %slice3A_187[0] : i32 from vector<1xi32>
    %shift_right_arithmetic3A_189 = arith.constant 7 : i32
    %shift_right_arithmetic3A_190 = arith.shrsi %squeeze3A_188, %shift_right_arithmetic3A_189 : i32
    %shift_left3A_191 = arith.constant 7 : i32
    %shift_left3A_192 = arith.shli %shift_right_arithmetic3A_190, %shift_left3A_191 : i32
    %multiple_of3A_193 = tpu.assume_multiple %shift_left3A_192, 128 : i32
    %dma_start3A_194 = arith.constant 0 : i32
    %dma_start3A_195 = arith.constant 384 : i32
    %dma_start3A_196 = tpu.memref_slice %arg7[%dma_start3A_194, %dma_start3A_195] : memref<16x1024xf32, #tpu.memory_space<vmem>> -> memref<16x128xf32, #tpu.memory_space<vmem>>
    %dma_start3A_197 = arith.constant 0 : i32
    %dma_start3A_198 = tpu.memref_slice %arg2[%dma_start3A_197, %multiple_of3A_193] : memref<16x1000000xf32, #tpu.memory_space<hbm>> -> memref<16x128xf32, #tpu.memory_space<hbm>>
    %dma_start3A_199 = arith.constant 0 : i32
    %dma_start3A_200 = arith.constant 384 : i32
    %dma_start3A_201 = tpu.memref_slice %arg7[%dma_start3A_199, %dma_start3A_200] : memref<16x1024xf32, #tpu.memory_space<vmem>> -> memref<16x128xf32, #tpu.memory_space<vmem>>
    %dma_start3A_202 = arith.constant 0 : i32
    %dma_start3A_203 = tpu.memref_slice %arg2[%dma_start3A_202, %multiple_of3A_193] : memref<16x1000000xf32, #tpu.memory_space<hbm>> -> memref<16x128xf32, #tpu.memory_space<hbm>>
    tpu.enqueue_dma source(%dma_start3A_203 : memref<16x128xf32, #tpu.memory_space<hbm>>) target(%dma_start3A_201 : memref<16x128xf32, #tpu.memory_space<vmem>>) target_semaphore(%arg12 : memref<!tpu.dma_semaphore, #tpu.memory_space<semaphore_mem>>)
    %slice3A_204 = vector.extract_strided_slice %get3A_3 {offsets = [12], sizes = [1], strides = [1]} : vector<16xi32> to vector<1xi32>
    %squeeze3A_205 = vector.extract %slice3A_204[0] : i32 from vector<1xi32>
    %shift_right_arithmetic3A_206 = arith.constant 7 : i32
    %shift_right_arithmetic3A_207 = arith.shrsi %squeeze3A_205, %shift_right_arithmetic3A_206 : i32
    %shift_left3A_208 = arith.constant 7 : i32
    %shift_left3A_209 = arith.shli %shift_right_arithmetic3A_207, %shift_left3A_208 : i32
    %multiple_of3A_210 = tpu.assume_multiple %shift_left3A_209, 128 : i32
    %dma_start3A_211 = arith.constant 0 : i32
    %dma_start3A_212 = arith.constant 512 : i32
    %dma_start3A_213 = tpu.memref_slice %arg7[%dma_start3A_211, %dma_start3A_212] : memref<16x1024xf32, #tpu.memory_space<vmem>> -> memref<16x128xf32, #tpu.memory_space<vmem>>
    %dma_start3A_214 = arith.constant 0 : i32
    %dma_start3A_215 = tpu.memref_slice %arg2[%dma_start3A_214, %multiple_of3A_210] : memref<16x1000000xf32, #tpu.memory_space<hbm>> -> memref<16x128xf32, #tpu.memory_space<hbm>>
    %dma_start3A_216 = arith.constant 0 : i32
    %dma_start3A_217 = arith.constant 512 : i32
    %dma_start3A_218 = tpu.memref_slice %arg7[%dma_start3A_216, %dma_start3A_217] : memref<16x1024xf32, #tpu.memory_space<vmem>> -> memref<16x128xf32, #tpu.memory_space<vmem>>
    %dma_start3A_219 = arith.constant 0 : i32
    %dma_start3A_220 = tpu.memref_slice %arg2[%dma_start3A_219, %multiple_of3A_210] : memref<16x1000000xf32, #tpu.memory_space<hbm>> -> memref<16x128xf32, #tpu.memory_space<hbm>>
    tpu.enqueue_dma source(%dma_start3A_220 : memref<16x128xf32, #tpu.memory_space<hbm>>) target(%dma_start3A_218 : memref<16x128xf32, #tpu.memory_space<vmem>>) target_semaphore(%arg12 : memref<!tpu.dma_semaphore, #tpu.memory_space<semaphore_mem>>)
    %slice3A_221 = vector.extract_strided_slice %get3A_3 {offsets = [13], sizes = [1], strides = [1]} : vector<16xi32> to vector<1xi32>
    %squeeze3A_222 = vector.extract %slice3A_221[0] : i32 from vector<1xi32>
    %shift_right_arithmetic3A_223 = arith.constant 7 : i32
    %shift_right_arithmetic3A_224 = arith.shrsi %squeeze3A_222, %shift_right_arithmetic3A_223 : i32
    %shift_left3A_225 = arith.constant 7 : i32
    %shift_left3A_226 = arith.shli %shift_right_arithmetic3A_224, %shift_left3A_225 : i32
    %multiple_of3A_227 = tpu.assume_multiple %shift_left3A_226, 128 : i32
    %dma_start3A_228 = arith.constant 0 : i32
    %dma_start3A_229 = arith.constant 640 : i32
    %dma_start3A_230 = tpu.memref_slice %arg7[%dma_start3A_228, %dma_start3A_229] : memref<16x1024xf32, #tpu.memory_space<vmem>> -> memref<16x128xf32, #tpu.memory_space<vmem>>
    %dma_start3A_231 = arith.constant 0 : i32
    %dma_start3A_232 = tpu.memref_slice %arg2[%dma_start3A_231, %multiple_of3A_227] : memref<16x1000000xf32, #tpu.memory_space<hbm>> -> memref<16x128xf32, #tpu.memory_space<hbm>>
    %dma_start3A_233 = arith.constant 0 : i32
    %dma_start3A_234 = arith.constant 640 : i32
    %dma_start3A_235 = tpu.memref_slice %arg7[%dma_start3A_233, %dma_start3A_234] : memref<16x1024xf32, #tpu.memory_space<vmem>> -> memref<16x128xf32, #tpu.memory_space<vmem>>
    %dma_start3A_236 = arith.constant 0 : i32
    %dma_start3A_237 = tpu.memref_slice %arg2[%dma_start3A_236, %multiple_of3A_227] : memref<16x1000000xf32, #tpu.memory_space<hbm>> -> memref<16x128xf32, #tpu.memory_space<hbm>>
    tpu.enqueue_dma source(%dma_start3A_237 : memref<16x128xf32, #tpu.memory_space<hbm>>) target(%dma_start3A_235 : memref<16x128xf32, #tpu.memory_space<vmem>>) target_semaphore(%arg12 : memref<!tpu.dma_semaphore, #tpu.memory_space<semaphore_mem>>)
    %slice3A_238 = vector.extract_strided_slice %get3A_3 {offsets = [14], sizes = [1], strides = [1]} : vector<16xi32> to vector<1xi32>
    %squeeze3A_239 = vector.extract %slice3A_238[0] : i32 from vector<1xi32>
    %shift_right_arithmetic3A_240 = arith.constant 7 : i32
    %shift_right_arithmetic3A_241 = arith.shrsi %squeeze3A_239, %shift_right_arithmetic3A_240 : i32
    %shift_left3A_242 = arith.constant 7 : i32
    %shift_left3A_243 = arith.shli %shift_right_arithmetic3A_241, %shift_left3A_242 : i32
    %multiple_of3A_244 = tpu.assume_multiple %shift_left3A_243, 128 : i32
    %dma_start3A_245 = arith.constant 0 : i32
    %dma_start3A_246 = arith.constant 768 : i32
    %dma_start3A_247 = tpu.memref_slice %arg7[%dma_start3A_245, %dma_start3A_246] : memref<16x1024xf32, #tpu.memory_space<vmem>> -> memref<16x128xf32, #tpu.memory_space<vmem>>
    %dma_start3A_248 = arith.constant 0 : i32
    %dma_start3A_249 = tpu.memref_slice %arg2[%dma_start3A_248, %multiple_of3A_244] : memref<16x1000000xf32, #tpu.memory_space<hbm>> -> memref<16x128xf32, #tpu.memory_space<hbm>>
    %dma_start3A_250 = arith.constant 0 : i32
    %dma_start3A_251 = arith.constant 768 : i32
    %dma_start3A_252 = tpu.memref_slice %arg7[%dma_start3A_250, %dma_start3A_251] : memref<16x1024xf32, #tpu.memory_space<vmem>> -> memref<16x128xf32, #tpu.memory_space<vmem>>
    %dma_start3A_253 = arith.constant 0 : i32
    %dma_start3A_254 = tpu.memref_slice %arg2[%dma_start3A_253, %multiple_of3A_244] : memref<16x1000000xf32, #tpu.memory_space<hbm>> -> memref<16x128xf32, #tpu.memory_space<hbm>>
    tpu.enqueue_dma source(%dma_start3A_254 : memref<16x128xf32, #tpu.memory_space<hbm>>) target(%dma_start3A_252 : memref<16x128xf32, #tpu.memory_space<vmem>>) target_semaphore(%arg12 : memref<!tpu.dma_semaphore, #tpu.memory_space<semaphore_mem>>)
    %slice3A_255 = vector.extract_strided_slice %get3A_3 {offsets = [15], sizes = [1], strides = [1]} : vector<16xi32> to vector<1xi32>
    %squeeze3A_256 = vector.extract %slice3A_255[0] : i32 from vector<1xi32>
    %shift_right_arithmetic3A_257 = arith.constant 7 : i32
    %shift_right_arithmetic3A_258 = arith.shrsi %squeeze3A_256, %shift_right_arithmetic3A_257 : i32
    %shift_left3A_259 = arith.constant 7 : i32
    %shift_left3A_260 = arith.shli %shift_right_arithmetic3A_258, %shift_left3A_259 : i32
    %multiple_of3A_261 = tpu.assume_multiple %shift_left3A_260, 128 : i32
    %dma_start3A_262 = arith.constant 0 : i32
    %dma_start3A_263 = arith.constant 896 : i32
    %dma_start3A_264 = tpu.memref_slice %arg7[%dma_start3A_262, %dma_start3A_263] : memref<16x1024xf32, #tpu.memory_space<vmem>> -> memref<16x128xf32, #tpu.memory_space<vmem>>
    %dma_start3A_265 = arith.constant 0 : i32
    %dma_start3A_266 = tpu.memref_slice %arg2[%dma_start3A_265, %multiple_of3A_261] : memref<16x1000000xf32, #tpu.memory_space<hbm>> -> memref<16x128xf32, #tpu.memory_space<hbm>>
    %dma_start3A_267 = arith.constant 0 : i32
    %dma_start3A_268 = arith.constant 896 : i32
    %dma_start3A_269 = tpu.memref_slice %arg7[%dma_start3A_267, %dma_start3A_268] : memref<16x1024xf32, #tpu.memory_space<vmem>> -> memref<16x128xf32, #tpu.memory_space<vmem>>
    %dma_start3A_270 = arith.constant 0 : i32
    %dma_start3A_271 = tpu.memref_slice %arg2[%dma_start3A_270, %multiple_of3A_261] : memref<16x1000000xf32, #tpu.memory_space<hbm>> -> memref<16x128xf32, #tpu.memory_space<hbm>>
    tpu.enqueue_dma source(%dma_start3A_271 : memref<16x128xf32, #tpu.memory_space<hbm>>) target(%dma_start3A_269 : memref<16x128xf32, #tpu.memory_space<vmem>>) target_semaphore(%arg12 : memref<!tpu.dma_semaphore, #tpu.memory_space<semaphore_mem>>)
    %slice3A_272 = vector.extract_strided_slice %get3A_5 {offsets = [0], sizes = [1], strides = [1]} : vector<16xi32> to vector<1xi32>
    %squeeze3A_273 = vector.extract %slice3A_272[0] : i32 from vector<1xi32>
    %shift_right_arithmetic3A_274 = arith.constant 7 : i32
    %shift_right_arithmetic3A_275 = arith.shrsi %squeeze3A_273, %shift_right_arithmetic3A_274 : i32
    %shift_left3A_276 = arith.constant 7 : i32
    %shift_left3A_277 = arith.shli %shift_right_arithmetic3A_275, %shift_left3A_276 : i32
    %multiple_of3A_278 = tpu.assume_multiple %shift_left3A_277, 128 : i32
    %dma_start3A_279 = arith.constant 0 : i32
    %dma_start3A_280 = arith.constant 0 : i32
    %dma_start3A_281 = tpu.memref_slice %arg8[%dma_start3A_279, %dma_start3A_280] : memref<16x1024xf32, #tpu.memory_space<vmem>> -> memref<16x128xf32, #tpu.memory_space<vmem>>
    %dma_start3A_282 = arith.constant 0 : i32
    %dma_start3A_283 = tpu.memref_slice %arg2[%dma_start3A_282, %multiple_of3A_278] : memref<16x1000000xf32, #tpu.memory_space<hbm>> -> memref<16x128xf32, #tpu.memory_space<hbm>>
    %dma_start3A_284 = arith.constant 0 : i32
    %dma_start3A_285 = arith.constant 0 : i32
    %dma_start3A_286 = tpu.memref_slice %arg8[%dma_start3A_284, %dma_start3A_285] : memref<16x1024xf32, #tpu.memory_space<vmem>> -> memref<16x128xf32, #tpu.memory_space<vmem>>
    %dma_start3A_287 = arith.constant 0 : i32
    %dma_start3A_288 = tpu.memref_slice %arg2[%dma_start3A_287, %multiple_of3A_278] : memref<16x1000000xf32, #tpu.memory_space<hbm>> -> memref<16x128xf32, #tpu.memory_space<hbm>>
    tpu.enqueue_dma source(%dma_start3A_288 : memref<16x128xf32, #tpu.memory_space<hbm>>) target(%dma_start3A_286 : memref<16x128xf32, #tpu.memory_space<vmem>>) target_semaphore(%arg13 : memref<!tpu.dma_semaphore, #tpu.memory_space<semaphore_mem>>)
    %slice3A_289 = vector.extract_strided_slice %get3A_5 {offsets = [1], sizes = [1], strides = [1]} : vector<16xi32> to vector<1xi32>
    %squeeze3A_290 = vector.extract %slice3A_289[0] : i32 from vector<1xi32>
    %shift_right_arithmetic3A_291 = arith.constant 7 : i32
    %shift_right_arithmetic3A_292 = arith.shrsi %squeeze3A_290, %shift_right_arithmetic3A_291 : i32
    %shift_left3A_293 = arith.constant 7 : i32
    %shift_left3A_294 = arith.shli %shift_right_arithmetic3A_292, %shift_left3A_293 : i32
    %multiple_of3A_295 = tpu.assume_multiple %shift_left3A_294, 128 : i32
    %dma_start3A_296 = arith.constant 0 : i32
    %dma_start3A_297 = arith.constant 128 : i32
    %dma_start3A_298 = tpu.memref_slice %arg8[%dma_start3A_296, %dma_start3A_297] : memref<16x1024xf32, #tpu.memory_space<vmem>> -> memref<16x128xf32, #tpu.memory_space<vmem>>
    %dma_start3A_299 = arith.constant 0 : i32
    %dma_start3A_300 = tpu.memref_slice %arg2[%dma_start3A_299, %multiple_of3A_295] : memref<16x1000000xf32, #tpu.memory_space<hbm>> -> memref<16x128xf32, #tpu.memory_space<hbm>>
    %dma_start3A_301 = arith.constant 0 : i32
    %dma_start3A_302 = arith.constant 128 : i32
    %dma_start3A_303 = tpu.memref_slice %arg8[%dma_start3A_301, %dma_start3A_302] : memref<16x1024xf32, #tpu.memory_space<vmem>> -> memref<16x128xf32, #tpu.memory_space<vmem>>
    %dma_start3A_304 = arith.constant 0 : i32
    %dma_start3A_305 = tpu.memref_slice %arg2[%dma_start3A_304, %multiple_of3A_295] : memref<16x1000000xf32, #tpu.memory_space<hbm>> -> memref<16x128xf32, #tpu.memory_space<hbm>>
    tpu.enqueue_dma source(%dma_start3A_305 : memref<16x128xf32, #tpu.memory_space<hbm>>) target(%dma_start3A_303 : memref<16x128xf32, #tpu.memory_space<vmem>>) target_semaphore(%arg13 : memref<!tpu.dma_semaphore, #tpu.memory_space<semaphore_mem>>)
    %slice3A_306 = vector.extract_strided_slice %get3A_5 {offsets = [2], sizes = [1], strides = [1]} : vector<16xi32> to vector<1xi32>
    %squeeze3A_307 = vector.extract %slice3A_306[0] : i32 from vector<1xi32>
    %shift_right_arithmetic3A_308 = arith.constant 7 : i32
    %shift_right_arithmetic3A_309 = arith.shrsi %squeeze3A_307, %shift_right_arithmetic3A_308 : i32
    %shift_left3A_310 = arith.constant 7 : i32
    %shift_left3A_311 = arith.shli %shift_right_arithmetic3A_309, %shift_left3A_310 : i32
    %multiple_of3A_312 = tpu.assume_multiple %shift_left3A_311, 128 : i32
    %dma_start3A_313 = arith.constant 0 : i32
    %dma_start3A_314 = arith.constant 256 : i32
    %dma_start3A_315 = tpu.memref_slice %arg8[%dma_start3A_313, %dma_start3A_314] : memref<16x1024xf32, #tpu.memory_space<vmem>> -> memref<16x128xf32, #tpu.memory_space<vmem>>
    %dma_start3A_316 = arith.constant 0 : i32
    %dma_start3A_317 = tpu.memref_slice %arg2[%dma_start3A_316, %multiple_of3A_312] : memref<16x1000000xf32, #tpu.memory_space<hbm>> -> memref<16x128xf32, #tpu.memory_space<hbm>>
    %dma_start3A_318 = arith.constant 0 : i32
    %dma_start3A_319 = arith.constant 256 : i32
    %dma_start3A_320 = tpu.memref_slice %arg8[%dma_start3A_318, %dma_start3A_319] : memref<16x1024xf32, #tpu.memory_space<vmem>> -> memref<16x128xf32, #tpu.memory_space<vmem>>
    %dma_start3A_321 = arith.constant 0 : i32
    %dma_start3A_322 = tpu.memref_slice %arg2[%dma_start3A_321, %multiple_of3A_312] : memref<16x1000000xf32, #tpu.memory_space<hbm>> -> memref<16x128xf32, #tpu.memory_space<hbm>>
    tpu.enqueue_dma source(%dma_start3A_322 : memref<16x128xf32, #tpu.memory_space<hbm>>) target(%dma_start3A_320 : memref<16x128xf32, #tpu.memory_space<vmem>>) target_semaphore(%arg13 : memref<!tpu.dma_semaphore, #tpu.memory_space<semaphore_mem>>)
    %slice3A_323 = vector.extract_strided_slice %get3A_5 {offsets = [3], sizes = [1], strides = [1]} : vector<16xi32> to vector<1xi32>
    %squeeze3A_324 = vector.extract %slice3A_323[0] : i32 from vector<1xi32>
    %shift_right_arithmetic3A_325 = arith.constant 7 : i32
    %shift_right_arithmetic3A_326 = arith.shrsi %squeeze3A_324, %shift_right_arithmetic3A_325 : i32
    %shift_left3A_327 = arith.constant 7 : i32
    %shift_left3A_328 = arith.shli %shift_right_arithmetic3A_326, %shift_left3A_327 : i32
    %multiple_of3A_329 = tpu.assume_multiple %shift_left3A_328, 128 : i32
    %dma_start3A_330 = arith.constant 0 : i32
    %dma_start3A_331 = arith.constant 384 : i32
    %dma_start3A_332 = tpu.memref_slice %arg8[%dma_start3A_330, %dma_start3A_331] : memref<16x1024xf32, #tpu.memory_space<vmem>> -> memref<16x128xf32, #tpu.memory_space<vmem>>
    %dma_start3A_333 = arith.constant 0 : i32
    %dma_start3A_334 = tpu.memref_slice %arg2[%dma_start3A_333, %multiple_of3A_329] : memref<16x1000000xf32, #tpu.memory_space<hbm>> -> memref<16x128xf32, #tpu.memory_space<hbm>>
    %dma_start3A_335 = arith.constant 0 : i32
    %dma_start3A_336 = arith.constant 384 : i32
    %dma_start3A_337 = tpu.memref_slice %arg8[%dma_start3A_335, %dma_start3A_336] : memref<16x1024xf32, #tpu.memory_space<vmem>> -> memref<16x128xf32, #tpu.memory_space<vmem>>
    %dma_start3A_338 = arith.constant 0 : i32
    %dma_start3A_339 = tpu.memref_slice %arg2[%dma_start3A_338, %multiple_of3A_329] : memref<16x1000000xf32, #tpu.memory_space<hbm>> -> memref<16x128xf32, #tpu.memory_space<hbm>>
    tpu.enqueue_dma source(%dma_start3A_339 : memref<16x128xf32, #tpu.memory_space<hbm>>) target(%dma_start3A_337 : memref<16x128xf32, #tpu.memory_space<vmem>>) target_semaphore(%arg13 : memref<!tpu.dma_semaphore, #tpu.memory_space<semaphore_mem>>)
    %slice3A_340 = vector.extract_strided_slice %get3A_5 {offsets = [4], sizes = [1], strides = [1]} : vector<16xi32> to vector<1xi32>
    %squeeze3A_341 = vector.extract %slice3A_340[0] : i32 from vector<1xi32>
    %shift_right_arithmetic3A_342 = arith.constant 7 : i32
    %shift_right_arithmetic3A_343 = arith.shrsi %squeeze3A_341, %shift_right_arithmetic3A_342 : i32
    %shift_left3A_344 = arith.constant 7 : i32
    %shift_left3A_345 = arith.shli %shift_right_arithmetic3A_343, %shift_left3A_344 : i32
    %multiple_of3A_346 = tpu.assume_multiple %shift_left3A_345, 128 : i32
    %dma_start3A_347 = arith.constant 0 : i32
    %dma_start3A_348 = arith.constant 512 : i32
    %dma_start3A_349 = tpu.memref_slice %arg8[%dma_start3A_347, %dma_start3A_348] : memref<16x1024xf32, #tpu.memory_space<vmem>> -> memref<16x128xf32, #tpu.memory_space<vmem>>
    %dma_start3A_350 = arith.constant 0 : i32
    %dma_start3A_351 = tpu.memref_slice %arg2[%dma_start3A_350, %multiple_of3A_346] : memref<16x1000000xf32, #tpu.memory_space<hbm>> -> memref<16x128xf32, #tpu.memory_space<hbm>>
    %dma_start3A_352 = arith.constant 0 : i32
    %dma_start3A_353 = arith.constant 512 : i32
    %dma_start3A_354 = tpu.memref_slice %arg8[%dma_start3A_352, %dma_start3A_353] : memref<16x1024xf32, #tpu.memory_space<vmem>> -> memref<16x128xf32, #tpu.memory_space<vmem>>
    %dma_start3A_355 = arith.constant 0 : i32
    %dma_start3A_356 = tpu.memref_slice %arg2[%dma_start3A_355, %multiple_of3A_346] : memref<16x1000000xf32, #tpu.memory_space<hbm>> -> memref<16x128xf32, #tpu.memory_space<hbm>>
    tpu.enqueue_dma source(%dma_start3A_356 : memref<16x128xf32, #tpu.memory_space<hbm>>) target(%dma_start3A_354 : memref<16x128xf32, #tpu.memory_space<vmem>>) target_semaphore(%arg13 : memref<!tpu.dma_semaphore, #tpu.memory_space<semaphore_mem>>)
    %slice3A_357 = vector.extract_strided_slice %get3A_5 {offsets = [5], sizes = [1], strides = [1]} : vector<16xi32> to vector<1xi32>
    %squeeze3A_358 = vector.extract %slice3A_357[0] : i32 from vector<1xi32>
    %shift_right_arithmetic3A_359 = arith.constant 7 : i32
    %shift_right_arithmetic3A_360 = arith.shrsi %squeeze3A_358, %shift_right_arithmetic3A_359 : i32
    %shift_left3A_361 = arith.constant 7 : i32
    %shift_left3A_362 = arith.shli %shift_right_arithmetic3A_360, %shift_left3A_361 : i32
    %multiple_of3A_363 = tpu.assume_multiple %shift_left3A_362, 128 : i32
    %dma_start3A_364 = arith.constant 0 : i32
    %dma_start3A_365 = arith.constant 640 : i32
    %dma_start3A_366 = tpu.memref_slice %arg8[%dma_start3A_364, %dma_start3A_365] : memref<16x1024xf32, #tpu.memory_space<vmem>> -> memref<16x128xf32, #tpu.memory_space<vmem>>
    %dma_start3A_367 = arith.constant 0 : i32
    %dma_start3A_368 = tpu.memref_slice %arg2[%dma_start3A_367, %multiple_of3A_363] : memref<16x1000000xf32, #tpu.memory_space<hbm>> -> memref<16x128xf32, #tpu.memory_space<hbm>>
    %dma_start3A_369 = arith.constant 0 : i32
    %dma_start3A_370 = arith.constant 640 : i32
    %dma_start3A_371 = tpu.memref_slice %arg8[%dma_start3A_369, %dma_start3A_370] : memref<16x1024xf32, #tpu.memory_space<vmem>> -> memref<16x128xf32, #tpu.memory_space<vmem>>
    %dma_start3A_372 = arith.constant 0 : i32
    %dma_start3A_373 = tpu.memref_slice %arg2[%dma_start3A_372, %multiple_of3A_363] : memref<16x1000000xf32, #tpu.memory_space<hbm>> -> memref<16x128xf32, #tpu.memory_space<hbm>>
    tpu.enqueue_dma source(%dma_start3A_373 : memref<16x128xf32, #tpu.memory_space<hbm>>) target(%dma_start3A_371 : memref<16x128xf32, #tpu.memory_space<vmem>>) target_semaphore(%arg13 : memref<!tpu.dma_semaphore, #tpu.memory_space<semaphore_mem>>)
    %slice3A_374 = vector.extract_strided_slice %get3A_5 {offsets = [6], sizes = [1], strides = [1]} : vector<16xi32> to vector<1xi32>
    %squeeze3A_375 = vector.extract %slice3A_374[0] : i32 from vector<1xi32>
    %shift_right_arithmetic3A_376 = arith.constant 7 : i32
    %shift_right_arithmetic3A_377 = arith.shrsi %squeeze3A_375, %shift_right_arithmetic3A_376 : i32
    %shift_left3A_378 = arith.constant 7 : i32
    %shift_left3A_379 = arith.shli %shift_right_arithmetic3A_377, %shift_left3A_378 : i32
    %multiple_of3A_380 = tpu.assume_multiple %shift_left3A_379, 128 : i32
    %dma_start3A_381 = arith.constant 0 : i32
    %dma_start3A_382 = arith.constant 768 : i32
    %dma_start3A_383 = tpu.memref_slice %arg8[%dma_start3A_381, %dma_start3A_382] : memref<16x1024xf32, #tpu.memory_space<vmem>> -> memref<16x128xf32, #tpu.memory_space<vmem>>
    %dma_start3A_384 = arith.constant 0 : i32
    %dma_start3A_385 = tpu.memref_slice %arg2[%dma_start3A_384, %multiple_of3A_380] : memref<16x1000000xf32, #tpu.memory_space<hbm>> -> memref<16x128xf32, #tpu.memory_space<hbm>>
    %dma_start3A_386 = arith.constant 0 : i32
    %dma_start3A_387 = arith.constant 768 : i32
    %dma_start3A_388 = tpu.memref_slice %arg8[%dma_start3A_386, %dma_start3A_387] : memref<16x1024xf32, #tpu.memory_space<vmem>> -> memref<16x128xf32, #tpu.memory_space<vmem>>
    %dma_start3A_389 = arith.constant 0 : i32
    %dma_start3A_390 = tpu.memref_slice %arg2[%dma_start3A_389, %multiple_of3A_380] : memref<16x1000000xf32, #tpu.memory_space<hbm>> -> memref<16x128xf32, #tpu.memory_space<hbm>>
    tpu.enqueue_dma source(%dma_start3A_390 : memref<16x128xf32, #tpu.memory_space<hbm>>) target(%dma_start3A_388 : memref<16x128xf32, #tpu.memory_space<vmem>>) target_semaphore(%arg13 : memref<!tpu.dma_semaphore, #tpu.memory_space<semaphore_mem>>)
    %slice3A_391 = vector.extract_strided_slice %get3A_5 {offsets = [7], sizes = [1], strides = [1]} : vector<16xi32> to vector<1xi32>
    %squeeze3A_392 = vector.extract %slice3A_391[0] : i32 from vector<1xi32>
    %shift_right_arithmetic3A_393 = arith.constant 7 : i32
    %shift_right_arithmetic3A_394 = arith.shrsi %squeeze3A_392, %shift_right_arithmetic3A_393 : i32
    %shift_left3A_395 = arith.constant 7 : i32
    %shift_left3A_396 = arith.shli %shift_right_arithmetic3A_394, %shift_left3A_395 : i32
    %multiple_of3A_397 = tpu.assume_multiple %shift_left3A_396, 128 : i32
    %dma_start3A_398 = arith.constant 0 : i32
    %dma_start3A_399 = arith.constant 896 : i32
    %dma_start3A_400 = tpu.memref_slice %arg8[%dma_start3A_398, %dma_start3A_399] : memref<16x1024xf32, #tpu.memory_space<vmem>> -> memref<16x128xf32, #tpu.memory_space<vmem>>
    %dma_start3A_401 = arith.constant 0 : i32
    %dma_start3A_402 = tpu.memref_slice %arg2[%dma_start3A_401, %multiple_of3A_397] : memref<16x1000000xf32, #tpu.memory_space<hbm>> -> memref<16x128xf32, #tpu.memory_space<hbm>>
    %dma_start3A_403 = arith.constant 0 : i32
    %dma_start3A_404 = arith.constant 896 : i32
    %dma_start3A_405 = tpu.memref_slice %arg8[%dma_start3A_403, %dma_start3A_404] : memref<16x1024xf32, #tpu.memory_space<vmem>> -> memref<16x128xf32, #tpu.memory_space<vmem>>
    %dma_start3A_406 = arith.constant 0 : i32
    %dma_start3A_407 = tpu.memref_slice %arg2[%dma_start3A_406, %multiple_of3A_397] : memref<16x1000000xf32, #tpu.memory_space<hbm>> -> memref<16x128xf32, #tpu.memory_space<hbm>>
    tpu.enqueue_dma source(%dma_start3A_407 : memref<16x128xf32, #tpu.memory_space<hbm>>) target(%dma_start3A_405 : memref<16x128xf32, #tpu.memory_space<vmem>>) target_semaphore(%arg13 : memref<!tpu.dma_semaphore, #tpu.memory_space<semaphore_mem>>)
    %slice3A_408 = vector.extract_strided_slice %get3A_5 {offsets = [8], sizes = [1], strides = [1]} : vector<16xi32> to vector<1xi32>
    %squeeze3A_409 = vector.extract %slice3A_408[0] : i32 from vector<1xi32>
    %shift_right_arithmetic3A_410 = arith.constant 7 : i32
    %shift_right_arithmetic3A_411 = arith.shrsi %squeeze3A_409, %shift_right_arithmetic3A_410 : i32
    %shift_left3A_412 = arith.constant 7 : i32
    %shift_left3A_413 = arith.shli %shift_right_arithmetic3A_411, %shift_left3A_412 : i32
    %multiple_of3A_414 = tpu.assume_multiple %shift_left3A_413, 128 : i32
    %dma_start3A_415 = arith.constant 0 : i32
    %dma_start3A_416 = arith.constant 0 : i32
    %dma_start3A_417 = tpu.memref_slice %arg9[%dma_start3A_415, %dma_start3A_416] : memref<16x1024xf32, #tpu.memory_space<vmem>> -> memref<16x128xf32, #tpu.memory_space<vmem>>
    %dma_start3A_418 = arith.constant 0 : i32
    %dma_start3A_419 = tpu.memref_slice %arg2[%dma_start3A_418, %multiple_of3A_414] : memref<16x1000000xf32, #tpu.memory_space<hbm>> -> memref<16x128xf32, #tpu.memory_space<hbm>>
    %dma_start3A_420 = arith.constant 0 : i32
    %dma_start3A_421 = arith.constant 0 : i32
    %dma_start3A_422 = tpu.memref_slice %arg9[%dma_start3A_420, %dma_start3A_421] : memref<16x1024xf32, #tpu.memory_space<vmem>> -> memref<16x128xf32, #tpu.memory_space<vmem>>
    %dma_start3A_423 = arith.constant 0 : i32
    %dma_start3A_424 = tpu.memref_slice %arg2[%dma_start3A_423, %multiple_of3A_414] : memref<16x1000000xf32, #tpu.memory_space<hbm>> -> memref<16x128xf32, #tpu.memory_space<hbm>>
    tpu.enqueue_dma source(%dma_start3A_424 : memref<16x128xf32, #tpu.memory_space<hbm>>) target(%dma_start3A_422 : memref<16x128xf32, #tpu.memory_space<vmem>>) target_semaphore(%arg14 : memref<!tpu.dma_semaphore, #tpu.memory_space<semaphore_mem>>)
    %slice3A_425 = vector.extract_strided_slice %get3A_5 {offsets = [9], sizes = [1], strides = [1]} : vector<16xi32> to vector<1xi32>
    %squeeze3A_426 = vector.extract %slice3A_425[0] : i32 from vector<1xi32>
    %shift_right_arithmetic3A_427 = arith.constant 7 : i32
    %shift_right_arithmetic3A_428 = arith.shrsi %squeeze3A_426, %shift_right_arithmetic3A_427 : i32
    %shift_left3A_429 = arith.constant 7 : i32
    %shift_left3A_430 = arith.shli %shift_right_arithmetic3A_428, %shift_left3A_429 : i32
    %multiple_of3A_431 = tpu.assume_multiple %shift_left3A_430, 128 : i32
    %dma_start3A_432 = arith.constant 0 : i32
    %dma_start3A_433 = arith.constant 128 : i32
    %dma_start3A_434 = tpu.memref_slice %arg9[%dma_start3A_432, %dma_start3A_433] : memref<16x1024xf32, #tpu.memory_space<vmem>> -> memref<16x128xf32, #tpu.memory_space<vmem>>
    %dma_start3A_435 = arith.constant 0 : i32
    %dma_start3A_436 = tpu.memref_slice %arg2[%dma_start3A_435, %multiple_of3A_431] : memref<16x1000000xf32, #tpu.memory_space<hbm>> -> memref<16x128xf32, #tpu.memory_space<hbm>>
    %dma_start3A_437 = arith.constant 0 : i32
    %dma_start3A_438 = arith.constant 128 : i32
    %dma_start3A_439 = tpu.memref_slice %arg9[%dma_start3A_437, %dma_start3A_438] : memref<16x1024xf32, #tpu.memory_space<vmem>> -> memref<16x128xf32, #tpu.memory_space<vmem>>
    %dma_start3A_440 = arith.constant 0 : i32
    %dma_start3A_441 = tpu.memref_slice %arg2[%dma_start3A_440, %multiple_of3A_431] : memref<16x1000000xf32, #tpu.memory_space<hbm>> -> memref<16x128xf32, #tpu.memory_space<hbm>>
    tpu.enqueue_dma source(%dma_start3A_441 : memref<16x128xf32, #tpu.memory_space<hbm>>) target(%dma_start3A_439 : memref<16x128xf32, #tpu.memory_space<vmem>>) target_semaphore(%arg14 : memref<!tpu.dma_semaphore, #tpu.memory_space<semaphore_mem>>)
    %slice3A_442 = vector.extract_strided_slice %get3A_5 {offsets = [10], sizes = [1], strides = [1]} : vector<16xi32> to vector<1xi32>
    %squeeze3A_443 = vector.extract %slice3A_442[0] : i32 from vector<1xi32>
    %shift_right_arithmetic3A_444 = arith.constant 7 : i32
    %shift_right_arithmetic3A_445 = arith.shrsi %squeeze3A_443, %shift_right_arithmetic3A_444 : i32
    %shift_left3A_446 = arith.constant 7 : i32
    %shift_left3A_447 = arith.shli %shift_right_arithmetic3A_445, %shift_left3A_446 : i32
    %multiple_of3A_448 = tpu.assume_multiple %shift_left3A_447, 128 : i32
    %dma_start3A_449 = arith.constant 0 : i32
    %dma_start3A_450 = arith.constant 256 : i32
    %dma_start3A_451 = tpu.memref_slice %arg9[%dma_start3A_449, %dma_start3A_450] : memref<16x1024xf32, #tpu.memory_space<vmem>> -> memref<16x128xf32, #tpu.memory_space<vmem>>
    %dma_start3A_452 = arith.constant 0 : i32
    %dma_start3A_453 = tpu.memref_slice %arg2[%dma_start3A_452, %multiple_of3A_448] : memref<16x1000000xf32, #tpu.memory_space<hbm>> -> memref<16x128xf32, #tpu.memory_space<hbm>>
    %dma_start3A_454 = arith.constant 0 : i32
    %dma_start3A_455 = arith.constant 256 : i32
    %dma_start3A_456 = tpu.memref_slice %arg9[%dma_start3A_454, %dma_start3A_455] : memref<16x1024xf32, #tpu.memory_space<vmem>> -> memref<16x128xf32, #tpu.memory_space<vmem>>
    %dma_start3A_457 = arith.constant 0 : i32
    %dma_start3A_458 = tpu.memref_slice %arg2[%dma_start3A_457, %multiple_of3A_448] : memref<16x1000000xf32, #tpu.memory_space<hbm>> -> memref<16x128xf32, #tpu.memory_space<hbm>>
    tpu.enqueue_dma source(%dma_start3A_458 : memref<16x128xf32, #tpu.memory_space<hbm>>) target(%dma_start3A_456 : memref<16x128xf32, #tpu.memory_space<vmem>>) target_semaphore(%arg14 : memref<!tpu.dma_semaphore, #tpu.memory_space<semaphore_mem>>)
    %slice3A_459 = vector.extract_strided_slice %get3A_5 {offsets = [11], sizes = [1], strides = [1]} : vector<16xi32> to vector<1xi32>
    %squeeze3A_460 = vector.extract %slice3A_459[0] : i32 from vector<1xi32>
    %shift_right_arithmetic3A_461 = arith.constant 7 : i32
    %shift_right_arithmetic3A_462 = arith.shrsi %squeeze3A_460, %shift_right_arithmetic3A_461 : i32
    %shift_left3A_463 = arith.constant 7 : i32
    %shift_left3A_464 = arith.shli %shift_right_arithmetic3A_462, %shift_left3A_463 : i32
    %multiple_of3A_465 = tpu.assume_multiple %shift_left3A_464, 128 : i32
    %dma_start3A_466 = arith.constant 0 : i32
    %dma_start3A_467 = arith.constant 384 : i32
    %dma_start3A_468 = tpu.memref_slice %arg9[%dma_start3A_466, %dma_start3A_467] : memref<16x1024xf32, #tpu.memory_space<vmem>> -> memref<16x128xf32, #tpu.memory_space<vmem>>
    %dma_start3A_469 = arith.constant 0 : i32
    %dma_start3A_470 = tpu.memref_slice %arg2[%dma_start3A_469, %multiple_of3A_465] : memref<16x1000000xf32, #tpu.memory_space<hbm>> -> memref<16x128xf32, #tpu.memory_space<hbm>>
    %dma_start3A_471 = arith.constant 0 : i32
    %dma_start3A_472 = arith.constant 384 : i32
    %dma_start3A_473 = tpu.memref_slice %arg9[%dma_start3A_471, %dma_start3A_472] : memref<16x1024xf32, #tpu.memory_space<vmem>> -> memref<16x128xf32, #tpu.memory_space<vmem>>
    %dma_start3A_474 = arith.constant 0 : i32
    %dma_start3A_475 = tpu.memref_slice %arg2[%dma_start3A_474, %multiple_of3A_465] : memref<16x1000000xf32, #tpu.memory_space<hbm>> -> memref<16x128xf32, #tpu.memory_space<hbm>>
    tpu.enqueue_dma source(%dma_start3A_475 : memref<16x128xf32, #tpu.memory_space<hbm>>) target(%dma_start3A_473 : memref<16x128xf32, #tpu.memory_space<vmem>>) target_semaphore(%arg14 : memref<!tpu.dma_semaphore, #tpu.memory_space<semaphore_mem>>)
    %slice3A_476 = vector.extract_strided_slice %get3A_5 {offsets = [12], sizes = [1], strides = [1]} : vector<16xi32> to vector<1xi32>
    %squeeze3A_477 = vector.extract %slice3A_476[0] : i32 from vector<1xi32>
    %shift_right_arithmetic3A_478 = arith.constant 7 : i32
    %shift_right_arithmetic3A_479 = arith.shrsi %squeeze3A_477, %shift_right_arithmetic3A_478 : i32
    %shift_left3A_480 = arith.constant 7 : i32
    %shift_left3A_481 = arith.shli %shift_right_arithmetic3A_479, %shift_left3A_480 : i32
    %multiple_of3A_482 = tpu.assume_multiple %shift_left3A_481, 128 : i32
    %dma_start3A_483 = arith.constant 0 : i32
    %dma_start3A_484 = arith.constant 512 : i32
    %dma_start3A_485 = tpu.memref_slice %arg9[%dma_start3A_483, %dma_start3A_484] : memref<16x1024xf32, #tpu.memory_space<vmem>> -> memref<16x128xf32, #tpu.memory_space<vmem>>
    %dma_start3A_486 = arith.constant 0 : i32
    %dma_start3A_487 = tpu.memref_slice %arg2[%dma_start3A_486, %multiple_of3A_482] : memref<16x1000000xf32, #tpu.memory_space<hbm>> -> memref<16x128xf32, #tpu.memory_space<hbm>>
    %dma_start3A_488 = arith.constant 0 : i32
    %dma_start3A_489 = arith.constant 512 : i32
    %dma_start3A_490 = tpu.memref_slice %arg9[%dma_start3A_488, %dma_start3A_489] : memref<16x1024xf32, #tpu.memory_space<vmem>> -> memref<16x128xf32, #tpu.memory_space<vmem>>
    %dma_start3A_491 = arith.constant 0 : i32
    %dma_start3A_492 = tpu.memref_slice %arg2[%dma_start3A_491, %multiple_of3A_482] : memref<16x1000000xf32, #tpu.memory_space<hbm>> -> memref<16x128xf32, #tpu.memory_space<hbm>>
    tpu.enqueue_dma source(%dma_start3A_492 : memref<16x128xf32, #tpu.memory_space<hbm>>) target(%dma_start3A_490 : memref<16x128xf32, #tpu.memory_space<vmem>>) target_semaphore(%arg14 : memref<!tpu.dma_semaphore, #tpu.memory_space<semaphore_mem>>)
    %slice3A_493 = vector.extract_strided_slice %get3A_5 {offsets = [13], sizes = [1], strides = [1]} : vector<16xi32> to vector<1xi32>
    %squeeze3A_494 = vector.extract %slice3A_493[0] : i32 from vector<1xi32>
    %shift_right_arithmetic3A_495 = arith.constant 7 : i32
    %shift_right_arithmetic3A_496 = arith.shrsi %squeeze3A_494, %shift_right_arithmetic3A_495 : i32
    %shift_left3A_497 = arith.constant 7 : i32
    %shift_left3A_498 = arith.shli %shift_right_arithmetic3A_496, %shift_left3A_497 : i32
    %multiple_of3A_499 = tpu.assume_multiple %shift_left3A_498, 128 : i32
    %dma_start3A_500 = arith.constant 0 : i32
    %dma_start3A_501 = arith.constant 640 : i32
    %dma_start3A_502 = tpu.memref_slice %arg9[%dma_start3A_500, %dma_start3A_501] : memref<16x1024xf32, #tpu.memory_space<vmem>> -> memref<16x128xf32, #tpu.memory_space<vmem>>
    %dma_start3A_503 = arith.constant 0 : i32
    %dma_start3A_504 = tpu.memref_slice %arg2[%dma_start3A_503, %multiple_of3A_499] : memref<16x1000000xf32, #tpu.memory_space<hbm>> -> memref<16x128xf32, #tpu.memory_space<hbm>>
    %dma_start3A_505 = arith.constant 0 : i32
    %dma_start3A_506 = arith.constant 640 : i32
    %dma_start3A_507 = tpu.memref_slice %arg9[%dma_start3A_505, %dma_start3A_506] : memref<16x1024xf32, #tpu.memory_space<vmem>> -> memref<16x128xf32, #tpu.memory_space<vmem>>
    %dma_start3A_508 = arith.constant 0 : i32
    %dma_start3A_509 = tpu.memref_slice %arg2[%dma_start3A_508, %multiple_of3A_499] : memref<16x1000000xf32, #tpu.memory_space<hbm>> -> memref<16x128xf32, #tpu.memory_space<hbm>>
    tpu.enqueue_dma source(%dma_start3A_509 : memref<16x128xf32, #tpu.memory_space<hbm>>) target(%dma_start3A_507 : memref<16x128xf32, #tpu.memory_space<vmem>>) target_semaphore(%arg14 : memref<!tpu.dma_semaphore, #tpu.memory_space<semaphore_mem>>)
    %slice3A_510 = vector.extract_strided_slice %get3A_5 {offsets = [14], sizes = [1], strides = [1]} : vector<16xi32> to vector<1xi32>
    %squeeze3A_511 = vector.extract %slice3A_510[0] : i32 from vector<1xi32>
    %shift_right_arithmetic3A_512 = arith.constant 7 : i32
    %shift_right_arithmetic3A_513 = arith.shrsi %squeeze3A_511, %shift_right_arithmetic3A_512 : i32
    %shift_left3A_514 = arith.constant 7 : i32
    %shift_left3A_515 = arith.shli %shift_right_arithmetic3A_513, %shift_left3A_514 : i32
    %multiple_of3A_516 = tpu.assume_multiple %shift_left3A_515, 128 : i32
    %dma_start3A_517 = arith.constant 0 : i32
    %dma_start3A_518 = arith.constant 768 : i32
    %dma_start3A_519 = tpu.memref_slice %arg9[%dma_start3A_517, %dma_start3A_518] : memref<16x1024xf32, #tpu.memory_space<vmem>> -> memref<16x128xf32, #tpu.memory_space<vmem>>
    %dma_start3A_520 = arith.constant 0 : i32
    %dma_start3A_521 = tpu.memref_slice %arg2[%dma_start3A_520, %multiple_of3A_516] : memref<16x1000000xf32, #tpu.memory_space<hbm>> -> memref<16x128xf32, #tpu.memory_space<hbm>>
    %dma_start3A_522 = arith.constant 0 : i32
    %dma_start3A_523 = arith.constant 768 : i32
    %dma_start3A_524 = tpu.memref_slice %arg9[%dma_start3A_522, %dma_start3A_523] : memref<16x1024xf32, #tpu.memory_space<vmem>> -> memref<16x128xf32, #tpu.memory_space<vmem>>
    %dma_start3A_525 = arith.constant 0 : i32
    %dma_start3A_526 = tpu.memref_slice %arg2[%dma_start3A_525, %multiple_of3A_516] : memref<16x1000000xf32, #tpu.memory_space<hbm>> -> memref<16x128xf32, #tpu.memory_space<hbm>>
    tpu.enqueue_dma source(%dma_start3A_526 : memref<16x128xf32, #tpu.memory_space<hbm>>) target(%dma_start3A_524 : memref<16x128xf32, #tpu.memory_space<vmem>>) target_semaphore(%arg14 : memref<!tpu.dma_semaphore, #tpu.memory_space<semaphore_mem>>)
    %slice3A_527 = vector.extract_strided_slice %get3A_5 {offsets = [15], sizes = [1], strides = [1]} : vector<16xi32> to vector<1xi32>
    %squeeze3A_528 = vector.extract %slice3A_527[0] : i32 from vector<1xi32>
    %shift_right_arithmetic3A_529 = arith.constant 7 : i32
    %shift_right_arithmetic3A_530 = arith.shrsi %squeeze3A_528, %shift_right_arithmetic3A_529 : i32
    %shift_left3A_531 = arith.constant 7 : i32
    %shift_left3A_532 = arith.shli %shift_right_arithmetic3A_530, %shift_left3A_531 : i32
    %multiple_of3A_533 = tpu.assume_multiple %shift_left3A_532, 128 : i32
    %dma_start3A_534 = arith.constant 0 : i32
    %dma_start3A_535 = arith.constant 896 : i32
    %dma_start3A_536 = tpu.memref_slice %arg9[%dma_start3A_534, %dma_start3A_535] : memref<16x1024xf32, #tpu.memory_space<vmem>> -> memref<16x128xf32, #tpu.memory_space<vmem>>
    %dma_start3A_537 = arith.constant 0 : i32
    %dma_start3A_538 = tpu.memref_slice %arg2[%dma_start3A_537, %multiple_of3A_533] : memref<16x1000000xf32, #tpu.memory_space<hbm>> -> memref<16x128xf32, #tpu.memory_space<hbm>>
    %dma_start3A_539 = arith.constant 0 : i32
    %dma_start3A_540 = arith.constant 896 : i32
    %dma_start3A_541 = tpu.memref_slice %arg9[%dma_start3A_539, %dma_start3A_540] : memref<16x1024xf32, #tpu.memory_space<vmem>> -> memref<16x128xf32, #tpu.memory_space<vmem>>
    %dma_start3A_542 = arith.constant 0 : i32
    %dma_start3A_543 = tpu.memref_slice %arg2[%dma_start3A_542, %multiple_of3A_533] : memref<16x1000000xf32, #tpu.memory_space<hbm>> -> memref<16x128xf32, #tpu.memory_space<hbm>>
    tpu.enqueue_dma source(%dma_start3A_543 : memref<16x128xf32, #tpu.memory_space<hbm>>) target(%dma_start3A_541 : memref<16x128xf32, #tpu.memory_space<vmem>>) target_semaphore(%arg14 : memref<!tpu.dma_semaphore, #tpu.memory_space<semaphore_mem>>)
    %scan3A = arith.constant 0 : i32
    %scan3A_544 = arith.constant 16 : i32
    %scan3A_545 = arith.addi %scan3A, %scan3A_544 : i32
    %scan3A_546 = arith.constant 1 : i32
    scf.for %scan3A_548 = %scan3A to %scan3A_545 step %scan3A_546  : i32 {
      %mul3A_549 = arith.constant 1 : i32
      %mul3A_550 = arith.muli %scan3A_548, %mul3A_549 : i32
      %add3A_551 = arith.constant 0 : i32
      %add3A_552 = arith.addi %add3A_551, %mul3A_550 : i32
      %mul3A_553 = arith.constant 32 : i32
      %mul3A_554 = arith.muli %add3A_552, %mul3A_553 : i32
      %add3A_555 = arith.constant 0 : i32
      %add3A_556 = arith.addi %mul3A_554, %add3A_555 : i32
      %get3A_557 = arith.index_cast %add3A_556 : i32 to index
      %get3A_558 = tpu.vector_load %arg5[%get3A_557] {strides = array<i32>} : memref<544xi32, #tpu.memory_space<vmem>>, vector<16xi32>,
      %mul3A_559 = arith.constant 32 : i32
      %mul3A_560 = arith.muli %add3A_552, %mul3A_559 : i32
      %add3A_561 = arith.constant 16 : i32
      %add3A_562 = arith.addi %mul3A_560, %add3A_561 : i32
      %get3A_563 = arith.index_cast %add3A_562 : i32 to index
      %get3A_564 = tpu.vector_load %arg5[%get3A_563] {strides = array<i32>} : memref<544xi32, #tpu.memory_space<vmem>>, vector<16xi32>,
      %add3A_565 = arith.constant 1 : i32
      %add3A_566 = arith.addi %add3A_552, %add3A_565 : i32
      %mul3A_567 = arith.constant 32 : i32
      %mul3A_568 = arith.muli %add3A_566, %mul3A_567 : i32
      %add3A_569 = arith.constant 0 : i32
      %add3A_570 = arith.addi %mul3A_568, %add3A_569 : i32
      %get3A_571 = arith.index_cast %add3A_570 : i32 to index
      %get3A_572 = tpu.vector_load %arg5[%get3A_571] {strides = array<i32>} : memref<544xi32, #tpu.memory_space<vmem>>, vector<16xi32>,
      %mul3A_573 = arith.constant 32 : i32
      %mul3A_574 = arith.muli %add3A_566, %mul3A_573 : i32
      %add3A_575 = arith.constant 16 : i32
      %add3A_576 = arith.addi %mul3A_574, %add3A_575 : i32
      %get3A_577 = arith.index_cast %add3A_576 : i32 to index
      %get3A_578 = tpu.vector_load %arg5[%get3A_577] {strides = array<i32>} : memref<544xi32, #tpu.memory_space<vmem>>, vector<16xi32>,
      %mul3A_579 = arith.constant 4 : i32
      %mul3A_580 = arith.muli %add3A_552, %mul3A_579 : i32
      %add3A_581 = arith.constant 0 : i32
      %add3A_582 = arith.addi %mul3A_580, %add3A_581 : i32
      %dma_wait3A = arith.constant 0 : i32
      %dma_wait3A_583 = arith.constant 0 : i32
      %dma_wait3A_584 = tpu.memref_slice %arg2[%dma_wait3A, %dma_wait3A_583] : memref<16x1000000xf32, #tpu.memory_space<hbm>> -> memref<16x1024xf32, #tpu.memory_space<hbm>>
      %dma_wait3A_585 = arith.constant 0 : i32
      %dma_wait3A_586 = arith.constant 0 : i32
      %dma_wait3A_587 = tpu.memref_slice %arg2[%dma_wait3A_585, %dma_wait3A_586] : memref<16x1000000xf32, #tpu.memory_space<hbm>> -> memref<16x1024xf32, #tpu.memory_space<hbm>>
      tpu.wait_dma2 semaphore(%arg11 : memref<!tpu.dma_semaphore, #tpu.memory_space<semaphore_mem>>) src(%dma_wait3A_587 : memref<16x1024xf32, #tpu.memory_space<hbm>>) dst(%arg6 : memref<16x1024xf32, #tpu.memory_space<vmem>>)
      %slice3A_588 = vector.extract_strided_slice %get3A_558 {offsets = [0], sizes = [1], strides = [1]} : vector<16xi32> to vector<1xi32>
      %squeeze3A_589 = vector.extract %slice3A_588[0] : i32 from vector<1xi32>
      %and3A = arith.constant 127 : i32
      %and3A_590 = arith.andi %squeeze3A_589, %and3A : i32
      %broadcast_in_dim3A = vector.broadcast %and3A_590 : i32 to vector<16xi32>
      %add3A_591 = arith.constant 0 : i32
      %add3A_592 = vector.broadcast %add3A_591 : i32 to vector<16xi32>
      %add3A_593 = arith.addi %broadcast_in_dim3A, %add3A_592 : vector<16xi32>
      %gather3A = tpu.vector_load_idx %arg6[%iota3A, %add3A_593] : memref<16x1024xf32, #tpu.memory_space<vmem>>[vector<16xi32>, vector<16xi32>], vector<16xf32>,
      %mul3A_594 = arith.constant 8 : i32
      %mul3A_595 = arith.muli %add3A_582, %mul3A_594 : i32
      %add3A_596 = arith.constant 0 : i32
      %add3A_597 = arith.addi %mul3A_595, %add3A_596 : i32
      %broadcast_in_dim3A_598 = vector.broadcast %add3A_597 : i32 to vector<16xi32>
      tpu.vector_store_idx %arg10[%iota3A, %broadcast_in_dim3A_598], %gather3A : memref<16x512xf32, #tpu.memory_space<vmem>>[vector<16xi32>, vector<16xi32>], vector<16xf32>,
      %slice3A_599 = vector.extract_strided_slice %get3A_558 {offsets = [1], sizes = [1], strides = [1]} : vector<16xi32> to vector<1xi32>
      %squeeze3A_600 = vector.extract %slice3A_599[0] : i32 from vector<1xi32>
      %and3A_601 = arith.constant 127 : i32
      %and3A_602 = arith.andi %squeeze3A_600, %and3A_601 : i32
      %broadcast_in_dim3A_603 = vector.broadcast %and3A_602 : i32 to vector<16xi32>
      %add3A_604 = arith.constant 128 : i32
      %add3A_605 = vector.broadcast %add3A_604 : i32 to vector<16xi32>
      %add3A_606 = arith.addi %broadcast_in_dim3A_603, %add3A_605 : vector<16xi32>
      %gather3A_607 = tpu.vector_load_idx %arg6[%iota3A, %add3A_606] : memref<16x1024xf32, #tpu.memory_space<vmem>>[vector<16xi32>, vector<16xi32>], vector<16xf32>,
      %mul3A_608 = arith.constant 8 : i32
      %mul3A_609 = arith.muli %add3A_582, %mul3A_608 : i32
      %add3A_610 = arith.constant 1 : i32
      %add3A_611 = arith.addi %mul3A_609, %add3A_610 : i32
      %broadcast_in_dim3A_612 = vector.broadcast %add3A_611 : i32 to vector<16xi32>
      tpu.vector_store_idx %arg10[%iota3A, %broadcast_in_dim3A_612], %gather3A_607 : memref<16x512xf32, #tpu.memory_space<vmem>>[vector<16xi32>, vector<16xi32>], vector<16xf32>,
      %slice3A_613 = vector.extract_strided_slice %get3A_558 {offsets = [2], sizes = [1], strides = [1]} : vector<16xi32> to vector<1xi32>
      %squeeze3A_614 = vector.extract %slice3A_613[0] : i32 from vector<1xi32>
      %and3A_615 = arith.constant 127 : i32
      %and3A_616 = arith.andi %squeeze3A_614, %and3A_615 : i32
      %broadcast_in_dim3A_617 = vector.broadcast %and3A_616 : i32 to vector<16xi32>
      %add3A_618 = arith.constant 256 : i32
      %add3A_619 = vector.broadcast %add3A_618 : i32 to vector<16xi32>
      %add3A_620 = arith.addi %broadcast_in_dim3A_617, %add3A_619 : vector<16xi32>
      %gather3A_621 = tpu.vector_load_idx %arg6[%iota3A, %add3A_620] : memref<16x1024xf32, #tpu.memory_space<vmem>>[vector<16xi32>, vector<16xi32>], vector<16xf32>,
      %mul3A_622 = arith.constant 8 : i32
      %mul3A_623 = arith.muli %add3A_582, %mul3A_622 : i32
      %add3A_624 = arith.constant 2 : i32
      %add3A_625 = arith.addi %mul3A_623, %add3A_624 : i32
      %broadcast_in_dim3A_626 = vector.broadcast %add3A_625 : i32 to vector<16xi32>
      tpu.vector_store_idx %arg10[%iota3A, %broadcast_in_dim3A_626], %gather3A_621 : memref<16x512xf32, #tpu.memory_space<vmem>>[vector<16xi32>, vector<16xi32>], vector<16xf32>,
      %slice3A_627 = vector.extract_strided_slice %get3A_558 {offsets = [3], sizes = [1], strides = [1]} : vector<16xi32> to vector<1xi32>
      %squeeze3A_628 = vector.extract %slice3A_627[0] : i32 from vector<1xi32>
      %and3A_629 = arith.constant 127 : i32
      %and3A_630 = arith.andi %squeeze3A_628, %and3A_629 : i32
      %broadcast_in_dim3A_631 = vector.broadcast %and3A_630 : i32 to vector<16xi32>
      %add3A_632 = arith.constant 384 : i32
      %add3A_633 = vector.broadcast %add3A_632 : i32 to vector<16xi32>
      %add3A_634 = arith.addi %broadcast_in_dim3A_631, %add3A_633 : vector<16xi32>
      %gather3A_635 = tpu.vector_load_idx %arg6[%iota3A, %add3A_634] : memref<16x1024xf32, #tpu.memory_space<vmem>>[vector<16xi32>, vector<16xi32>], vector<16xf32>,
      %mul3A_636 = arith.constant 8 : i32
      %mul3A_637 = arith.muli %add3A_582, %mul3A_636 : i32
      %add3A_638 = arith.constant 3 : i32
      %add3A_639 = arith.addi %mul3A_637, %add3A_638 : i32
      %broadcast_in_dim3A_640 = vector.broadcast %add3A_639 : i32 to vector<16xi32>
      tpu.vector_store_idx %arg10[%iota3A, %broadcast_in_dim3A_640], %gather3A_635 : memref<16x512xf32, #tpu.memory_space<vmem>>[vector<16xi32>, vector<16xi32>], vector<16xf32>,
      %slice3A_641 = vector.extract_strided_slice %get3A_558 {offsets = [4], sizes = [1], strides = [1]} : vector<16xi32> to vector<1xi32>
      %squeeze3A_642 = vector.extract %slice3A_641[0] : i32 from vector<1xi32>
      %and3A_643 = arith.constant 127 : i32
      %and3A_644 = arith.andi %squeeze3A_642, %and3A_643 : i32
      %broadcast_in_dim3A_645 = vector.broadcast %and3A_644 : i32 to vector<16xi32>
      %add3A_646 = arith.constant 512 : i32
      %add3A_647 = vector.broadcast %add3A_646 : i32 to vector<16xi32>
      %add3A_648 = arith.addi %broadcast_in_dim3A_645, %add3A_647 : vector<16xi32>
      %gather3A_649 = tpu.vector_load_idx %arg6[%iota3A, %add3A_648] : memref<16x1024xf32, #tpu.memory_space<vmem>>[vector<16xi32>, vector<16xi32>], vector<16xf32>,
      %mul3A_650 = arith.constant 8 : i32
      %mul3A_651 = arith.muli %add3A_582, %mul3A_650 : i32
      %add3A_652 = arith.constant 4 : i32
      %add3A_653 = arith.addi %mul3A_651, %add3A_652 : i32
      %broadcast_in_dim3A_654 = vector.broadcast %add3A_653 : i32 to vector<16xi32>
      tpu.vector_store_idx %arg10[%iota3A, %broadcast_in_dim3A_654], %gather3A_649 : memref<16x512xf32, #tpu.memory_space<vmem>>[vector<16xi32>, vector<16xi32>], vector<16xf32>,
      %slice3A_655 = vector.extract_strided_slice %get3A_558 {offsets = [5], sizes = [1], strides = [1]} : vector<16xi32> to vector<1xi32>
      %squeeze3A_656 = vector.extract %slice3A_655[0] : i32 from vector<1xi32>
      %and3A_657 = arith.constant 127 : i32
      %and3A_658 = arith.andi %squeeze3A_656, %and3A_657 : i32
      %broadcast_in_dim3A_659 = vector.broadcast %and3A_658 : i32 to vector<16xi32>
      %add3A_660 = arith.constant 640 : i32
      %add3A_661 = vector.broadcast %add3A_660 : i32 to vector<16xi32>
      %add3A_662 = arith.addi %broadcast_in_dim3A_659, %add3A_661 : vector<16xi32>
      %gather3A_663 = tpu.vector_load_idx %arg6[%iota3A, %add3A_662] : memref<16x1024xf32, #tpu.memory_space<vmem>>[vector<16xi32>, vector<16xi32>], vector<16xf32>,
      %mul3A_664 = arith.constant 8 : i32
      %mul3A_665 = arith.muli %add3A_582, %mul3A_664 : i32
      %add3A_666 = arith.constant 5 : i32
      %add3A_667 = arith.addi %mul3A_665, %add3A_666 : i32
      %broadcast_in_dim3A_668 = vector.broadcast %add3A_667 : i32 to vector<16xi32>
      tpu.vector_store_idx %arg10[%iota3A, %broadcast_in_dim3A_668], %gather3A_663 : memref<16x512xf32, #tpu.memory_space<vmem>>[vector<16xi32>, vector<16xi32>], vector<16xf32>,
      %slice3A_669 = vector.extract_strided_slice %get3A_558 {offsets = [6], sizes = [1], strides = [1]} : vector<16xi32> to vector<1xi32>
      %squeeze3A_670 = vector.extract %slice3A_669[0] : i32 from vector<1xi32>
      %and3A_671 = arith.constant 127 : i32
      %and3A_672 = arith.andi %squeeze3A_670, %and3A_671 : i32
      %broadcast_in_dim3A_673 = vector.broadcast %and3A_672 : i32 to vector<16xi32>
      %add3A_674 = arith.constant 768 : i32
      %add3A_675 = vector.broadcast %add3A_674 : i32 to vector<16xi32>
      %add3A_676 = arith.addi %broadcast_in_dim3A_673, %add3A_675 : vector<16xi32>
      %gather3A_677 = tpu.vector_load_idx %arg6[%iota3A, %add3A_676] : memref<16x1024xf32, #tpu.memory_space<vmem>>[vector<16xi32>, vector<16xi32>], vector<16xf32>,
      %mul3A_678 = arith.constant 8 : i32
      %mul3A_679 = arith.muli %add3A_582, %mul3A_678 : i32
      %add3A_680 = arith.constant 6 : i32
      %add3A_681 = arith.addi %mul3A_679, %add3A_680 : i32
      %broadcast_in_dim3A_682 = vector.broadcast %add3A_681 : i32 to vector<16xi32>
      tpu.vector_store_idx %arg10[%iota3A, %broadcast_in_dim3A_682], %gather3A_677 : memref<16x512xf32, #tpu.memory_space<vmem>>[vector<16xi32>, vector<16xi32>], vector<16xf32>,
      %slice3A_683 = vector.extract_strided_slice %get3A_558 {offsets = [7], sizes = [1], strides = [1]} : vector<16xi32> to vector<1xi32>
      %squeeze3A_684 = vector.extract %slice3A_683[0] : i32 from vector<1xi32>
      %and3A_685 = arith.constant 127 : i32
      %and3A_686 = arith.andi %squeeze3A_684, %and3A_685 : i32
      %broadcast_in_dim3A_687 = vector.broadcast %and3A_686 : i32 to vector<16xi32>
      %add3A_688 = arith.constant 896 : i32
      %add3A_689 = vector.broadcast %add3A_688 : i32 to vector<16xi32>
      %add3A_690 = arith.addi %broadcast_in_dim3A_687, %add3A_689 : vector<16xi32>
      %gather3A_691 = tpu.vector_load_idx %arg6[%iota3A, %add3A_690] : memref<16x1024xf32, #tpu.memory_space<vmem>>[vector<16xi32>, vector<16xi32>], vector<16xf32>,
      %mul3A_692 = arith.constant 8 : i32
      %mul3A_693 = arith.muli %add3A_582, %mul3A_692 : i32
      %add3A_694 = arith.constant 7 : i32
      %add3A_695 = arith.addi %mul3A_693, %add3A_694 : i32
      %broadcast_in_dim3A_696 = vector.broadcast %add3A_695 : i32 to vector<16xi32>
      tpu.vector_store_idx %arg10[%iota3A, %broadcast_in_dim3A_696], %gather3A_691 : memref<16x512xf32, #tpu.memory_space<vmem>>[vector<16xi32>, vector<16xi32>], vector<16xf32>,
      %lt3A = arith.constant 15 : i32
      %lt3A_697 = arith.cmpi slt, %add3A_552, %lt3A : i32
      %convert_element_type3A = arith.extui %lt3A_697 : i1 to i32
      %cond3A = arith.constant 0 : i32
      %cond3A_698 = arith.cmpi ne, %convert_element_type3A, %cond3A : i32
      scf.if %cond3A_698 {
        %slice3A_1080 = vector.extract_strided_slice %get3A_572 {offsets = [0], sizes = [1], strides = [1]} : vector<16xi32> to vector<1xi32>
        %squeeze3A_1081 = vector.extract %slice3A_1080[0] : i32 from vector<1xi32>
        %shift_right_arithmetic3A_1082 = arith.constant 7 : i32
        %shift_right_arithmetic3A_1083 = arith.shrsi %squeeze3A_1081, %shift_right_arithmetic3A_1082 : i32
        %shift_left3A_1084 = arith.constant 7 : i32
        %shift_left3A_1085 = arith.shli %shift_right_arithmetic3A_1083, %shift_left3A_1084 : i32
        %multiple_of3A_1086 = tpu.assume_multiple %shift_left3A_1085, 128 : i32
        %dma_start3A_1087 = arith.constant 0 : i32
        %dma_start3A_1088 = arith.constant 0 : i32
        %dma_start3A_1089 = tpu.memref_slice %arg6[%dma_start3A_1087, %dma_start3A_1088] : memref<16x1024xf32, #tpu.memory_space<vmem>> -> memref<16x128xf32, #tpu.memory_space<vmem>>
        %dma_start3A_1090 = arith.constant 0 : i32
        %dma_start3A_1091 = tpu.memref_slice %arg2[%dma_start3A_1090, %multiple_of3A_1086] : memref<16x1000000xf32, #tpu.memory_space<hbm>> -> memref<16x128xf32, #tpu.memory_space<hbm>>
        %dma_start3A_1092 = arith.constant 0 : i32
        %dma_start3A_1093 = arith.constant 0 : i32
        %dma_start3A_1094 = tpu.memref_slice %arg6[%dma_start3A_1092, %dma_start3A_1093] : memref<16x1024xf32, #tpu.memory_space<vmem>> -> memref<16x128xf32, #tpu.memory_space<vmem>>
        %dma_start3A_1095 = arith.constant 0 : i32
        %dma_start3A_1096 = tpu.memref_slice %arg2[%dma_start3A_1095, %multiple_of3A_1086] : memref<16x1000000xf32, #tpu.memory_space<hbm>> -> memref<16x128xf32, #tpu.memory_space<hbm>>
        tpu.enqueue_dma source(%dma_start3A_1096 : memref<16x128xf32, #tpu.memory_space<hbm>>) target(%dma_start3A_1094 : memref<16x128xf32, #tpu.memory_space<vmem>>) target_semaphore(%arg11 : memref<!tpu.dma_semaphore, #tpu.memory_space<semaphore_mem>>)
        %slice3A_1097 = vector.extract_strided_slice %get3A_572 {offsets = [1], sizes = [1], strides = [1]} : vector<16xi32> to vector<1xi32>
        %squeeze3A_1098 = vector.extract %slice3A_1097[0] : i32 from vector<1xi32>
        %shift_right_arithmetic3A_1099 = arith.constant 7 : i32
        %shift_right_arithmetic3A_1100 = arith.shrsi %squeeze3A_1098, %shift_right_arithmetic3A_1099 : i32
        %shift_left3A_1101 = arith.constant 7 : i32
        %shift_left3A_1102 = arith.shli %shift_right_arithmetic3A_1100, %shift_left3A_1101 : i32
        %multiple_of3A_1103 = tpu.assume_multiple %shift_left3A_1102, 128 : i32
        %dma_start3A_1104 = arith.constant 0 : i32
        %dma_start3A_1105 = arith.constant 128 : i32
        %dma_start3A_1106 = tpu.memref_slice %arg6[%dma_start3A_1104, %dma_start3A_1105] : memref<16x1024xf32, #tpu.memory_space<vmem>> -> memref<16x128xf32, #tpu.memory_space<vmem>>
        %dma_start3A_1107 = arith.constant 0 : i32
        %dma_start3A_1108 = tpu.memref_slice %arg2[%dma_start3A_1107, %multiple_of3A_1103] : memref<16x1000000xf32, #tpu.memory_space<hbm>> -> memref<16x128xf32, #tpu.memory_space<hbm>>
        %dma_start3A_1109 = arith.constant 0 : i32
        %dma_start3A_1110 = arith.constant 128 : i32
        %dma_start3A_1111 = tpu.memref_slice %arg6[%dma_start3A_1109, %dma_start3A_1110] : memref<16x1024xf32, #tpu.memory_space<vmem>> -> memref<16x128xf32, #tpu.memory_space<vmem>>
        %dma_start3A_1112 = arith.constant 0 : i32
        %dma_start3A_1113 = tpu.memref_slice %arg2[%dma_start3A_1112, %multiple_of3A_1103] : memref<16x1000000xf32, #tpu.memory_space<hbm>> -> memref<16x128xf32, #tpu.memory_space<hbm>>
        tpu.enqueue_dma source(%dma_start3A_1113 : memref<16x128xf32, #tpu.memory_space<hbm>>) target(%dma_start3A_1111 : memref<16x128xf32, #tpu.memory_space<vmem>>) target_semaphore(%arg11 : memref<!tpu.dma_semaphore, #tpu.memory_space<semaphore_mem>>)
        %slice3A_1114 = vector.extract_strided_slice %get3A_572 {offsets = [2], sizes = [1], strides = [1]} : vector<16xi32> to vector<1xi32>
        %squeeze3A_1115 = vector.extract %slice3A_1114[0] : i32 from vector<1xi32>
        %shift_right_arithmetic3A_1116 = arith.constant 7 : i32
        %shift_right_arithmetic3A_1117 = arith.shrsi %squeeze3A_1115, %shift_right_arithmetic3A_1116 : i32
        %shift_left3A_1118 = arith.constant 7 : i32
        %shift_left3A_1119 = arith.shli %shift_right_arithmetic3A_1117, %shift_left3A_1118 : i32
        %multiple_of3A_1120 = tpu.assume_multiple %shift_left3A_1119, 128 : i32
        %dma_start3A_1121 = arith.constant 0 : i32
        %dma_start3A_1122 = arith.constant 256 : i32
        %dma_start3A_1123 = tpu.memref_slice %arg6[%dma_start3A_1121, %dma_start3A_1122] : memref<16x1024xf32, #tpu.memory_space<vmem>> -> memref<16x128xf32, #tpu.memory_space<vmem>>
        %dma_start3A_1124 = arith.constant 0 : i32
        %dma_start3A_1125 = tpu.memref_slice %arg2[%dma_start3A_1124, %multiple_of3A_1120] : memref<16x1000000xf32, #tpu.memory_space<hbm>> -> memref<16x128xf32, #tpu.memory_space<hbm>>
        %dma_start3A_1126 = arith.constant 0 : i32
        %dma_start3A_1127 = arith.constant 256 : i32
        %dma_start3A_1128 = tpu.memref_slice %arg6[%dma_start3A_1126, %dma_start3A_1127] : memref<16x1024xf32, #tpu.memory_space<vmem>> -> memref<16x128xf32, #tpu.memory_space<vmem>>
        %dma_start3A_1129 = arith.constant 0 : i32
        %dma_start3A_1130 = tpu.memref_slice %arg2[%dma_start3A_1129, %multiple_of3A_1120] : memref<16x1000000xf32, #tpu.memory_space<hbm>> -> memref<16x128xf32, #tpu.memory_space<hbm>>
        tpu.enqueue_dma source(%dma_start3A_1130 : memref<16x128xf32, #tpu.memory_space<hbm>>) target(%dma_start3A_1128 : memref<16x128xf32, #tpu.memory_space<vmem>>) target_semaphore(%arg11 : memref<!tpu.dma_semaphore, #tpu.memory_space<semaphore_mem>>)
        %slice3A_1131 = vector.extract_strided_slice %get3A_572 {offsets = [3], sizes = [1], strides = [1]} : vector<16xi32> to vector<1xi32>
        %squeeze3A_1132 = vector.extract %slice3A_1131[0] : i32 from vector<1xi32>
        %shift_right_arithmetic3A_1133 = arith.constant 7 : i32
        %shift_right_arithmetic3A_1134 = arith.shrsi %squeeze3A_1132, %shift_right_arithmetic3A_1133 : i32
        %shift_left3A_1135 = arith.constant 7 : i32
        %shift_left3A_1136 = arith.shli %shift_right_arithmetic3A_1134, %shift_left3A_1135 : i32
        %multiple_of3A_1137 = tpu.assume_multiple %shift_left3A_1136, 128 : i32
        %dma_start3A_1138 = arith.constant 0 : i32
        %dma_start3A_1139 = arith.constant 384 : i32
        %dma_start3A_1140 = tpu.memref_slice %arg6[%dma_start3A_1138, %dma_start3A_1139] : memref<16x1024xf32, #tpu.memory_space<vmem>> -> memref<16x128xf32, #tpu.memory_space<vmem>>
        %dma_start3A_1141 = arith.constant 0 : i32
        %dma_start3A_1142 = tpu.memref_slice %arg2[%dma_start3A_1141, %multiple_of3A_1137] : memref<16x1000000xf32, #tpu.memory_space<hbm>> -> memref<16x128xf32, #tpu.memory_space<hbm>>
        %dma_start3A_1143 = arith.constant 0 : i32
        %dma_start3A_1144 = arith.constant 384 : i32
        %dma_start3A_1145 = tpu.memref_slice %arg6[%dma_start3A_1143, %dma_start3A_1144] : memref<16x1024xf32, #tpu.memory_space<vmem>> -> memref<16x128xf32, #tpu.memory_space<vmem>>
        %dma_start3A_1146 = arith.constant 0 : i32
        %dma_start3A_1147 = tpu.memref_slice %arg2[%dma_start3A_1146, %multiple_of3A_1137] : memref<16x1000000xf32, #tpu.memory_space<hbm>> -> memref<16x128xf32, #tpu.memory_space<hbm>>
        tpu.enqueue_dma source(%dma_start3A_1147 : memref<16x128xf32, #tpu.memory_space<hbm>>) target(%dma_start3A_1145 : memref<16x128xf32, #tpu.memory_space<vmem>>) target_semaphore(%arg11 : memref<!tpu.dma_semaphore, #tpu.memory_space<semaphore_mem>>)
        %slice3A_1148 = vector.extract_strided_slice %get3A_572 {offsets = [4], sizes = [1], strides = [1]} : vector<16xi32> to vector<1xi32>
        %squeeze3A_1149 = vector.extract %slice3A_1148[0] : i32 from vector<1xi32>
        %shift_right_arithmetic3A_1150 = arith.constant 7 : i32
        %shift_right_arithmetic3A_1151 = arith.shrsi %squeeze3A_1149, %shift_right_arithmetic3A_1150 : i32
        %shift_left3A_1152 = arith.constant 7 : i32
        %shift_left3A_1153 = arith.shli %shift_right_arithmetic3A_1151, %shift_left3A_1152 : i32
        %multiple_of3A_1154 = tpu.assume_multiple %shift_left3A_1153, 128 : i32
        %dma_start3A_1155 = arith.constant 0 : i32
        %dma_start3A_1156 = arith.constant 512 : i32
        %dma_start3A_1157 = tpu.memref_slice %arg6[%dma_start3A_1155, %dma_start3A_1156] : memref<16x1024xf32, #tpu.memory_space<vmem>> -> memref<16x128xf32, #tpu.memory_space<vmem>>
        %dma_start3A_1158 = arith.constant 0 : i32
        %dma_start3A_1159 = tpu.memref_slice %arg2[%dma_start3A_1158, %multiple_of3A_1154] : memref<16x1000000xf32, #tpu.memory_space<hbm>> -> memref<16x128xf32, #tpu.memory_space<hbm>>
        %dma_start3A_1160 = arith.constant 0 : i32
        %dma_start3A_1161 = arith.constant 512 : i32
        %dma_start3A_1162 = tpu.memref_slice %arg6[%dma_start3A_1160, %dma_start3A_1161] : memref<16x1024xf32, #tpu.memory_space<vmem>> -> memref<16x128xf32, #tpu.memory_space<vmem>>
        %dma_start3A_1163 = arith.constant 0 : i32
        %dma_start3A_1164 = tpu.memref_slice %arg2[%dma_start3A_1163, %multiple_of3A_1154] : memref<16x1000000xf32, #tpu.memory_space<hbm>> -> memref<16x128xf32, #tpu.memory_space<hbm>>
        tpu.enqueue_dma source(%dma_start3A_1164 : memref<16x128xf32, #tpu.memory_space<hbm>>) target(%dma_start3A_1162 : memref<16x128xf32, #tpu.memory_space<vmem>>) target_semaphore(%arg11 : memref<!tpu.dma_semaphore, #tpu.memory_space<semaphore_mem>>)
        %slice3A_1165 = vector.extract_strided_slice %get3A_572 {offsets = [5], sizes = [1], strides = [1]} : vector<16xi32> to vector<1xi32>
        %squeeze3A_1166 = vector.extract %slice3A_1165[0] : i32 from vector<1xi32>
        %shift_right_arithmetic3A_1167 = arith.constant 7 : i32
        %shift_right_arithmetic3A_1168 = arith.shrsi %squeeze3A_1166, %shift_right_arithmetic3A_1167 : i32
        %shift_left3A_1169 = arith.constant 7 : i32
        %shift_left3A_1170 = arith.shli %shift_right_arithmetic3A_1168, %shift_left3A_1169 : i32
        %multiple_of3A_1171 = tpu.assume_multiple %shift_left3A_1170, 128 : i32
        %dma_start3A_1172 = arith.constant 0 : i32
        %dma_start3A_1173 = arith.constant 640 : i32
        %dma_start3A_1174 = tpu.memref_slice %arg6[%dma_start3A_1172, %dma_start3A_1173] : memref<16x1024xf32, #tpu.memory_space<vmem>> -> memref<16x128xf32, #tpu.memory_space<vmem>>
        %dma_start3A_1175 = arith.constant 0 : i32
        %dma_start3A_1176 = tpu.memref_slice %arg2[%dma_start3A_1175, %multiple_of3A_1171] : memref<16x1000000xf32, #tpu.memory_space<hbm>> -> memref<16x128xf32, #tpu.memory_space<hbm>>
        %dma_start3A_1177 = arith.constant 0 : i32
        %dma_start3A_1178 = arith.constant 640 : i32
        %dma_start3A_1179 = tpu.memref_slice %arg6[%dma_start3A_1177, %dma_start3A_1178] : memref<16x1024xf32, #tpu.memory_space<vmem>> -> memref<16x128xf32, #tpu.memory_space<vmem>>
        %dma_start3A_1180 = arith.constant 0 : i32
        %dma_start3A_1181 = tpu.memref_slice %arg2[%dma_start3A_1180, %multiple_of3A_1171] : memref<16x1000000xf32, #tpu.memory_space<hbm>> -> memref<16x128xf32, #tpu.memory_space<hbm>>
        tpu.enqueue_dma source(%dma_start3A_1181 : memref<16x128xf32, #tpu.memory_space<hbm>>) target(%dma_start3A_1179 : memref<16x128xf32, #tpu.memory_space<vmem>>) target_semaphore(%arg11 : memref<!tpu.dma_semaphore, #tpu.memory_space<semaphore_mem>>)
        %slice3A_1182 = vector.extract_strided_slice %get3A_572 {offsets = [6], sizes = [1], strides = [1]} : vector<16xi32> to vector<1xi32>
        %squeeze3A_1183 = vector.extract %slice3A_1182[0] : i32 from vector<1xi32>
        %shift_right_arithmetic3A_1184 = arith.constant 7 : i32
        %shift_right_arithmetic3A_1185 = arith.shrsi %squeeze3A_1183, %shift_right_arithmetic3A_1184 : i32
        %shift_left3A_1186 = arith.constant 7 : i32
        %shift_left3A_1187 = arith.shli %shift_right_arithmetic3A_1185, %shift_left3A_1186 : i32
        %multiple_of3A_1188 = tpu.assume_multiple %shift_left3A_1187, 128 : i32
        %dma_start3A_1189 = arith.constant 0 : i32
        %dma_start3A_1190 = arith.constant 768 : i32
        %dma_start3A_1191 = tpu.memref_slice %arg6[%dma_start3A_1189, %dma_start3A_1190] : memref<16x1024xf32, #tpu.memory_space<vmem>> -> memref<16x128xf32, #tpu.memory_space<vmem>>
        %dma_start3A_1192 = arith.constant 0 : i32
        %dma_start3A_1193 = tpu.memref_slice %arg2[%dma_start3A_1192, %multiple_of3A_1188] : memref<16x1000000xf32, #tpu.memory_space<hbm>> -> memref<16x128xf32, #tpu.memory_space<hbm>>
        %dma_start3A_1194 = arith.constant 0 : i32
        %dma_start3A_1195 = arith.constant 768 : i32
        %dma_start3A_1196 = tpu.memref_slice %arg6[%dma_start3A_1194, %dma_start3A_1195] : memref<16x1024xf32, #tpu.memory_space<vmem>> -> memref<16x128xf32, #tpu.memory_space<vmem>>
        %dma_start3A_1197 = arith.constant 0 : i32
        %dma_start3A_1198 = tpu.memref_slice %arg2[%dma_start3A_1197, %multiple_of3A_1188] : memref<16x1000000xf32, #tpu.memory_space<hbm>> -> memref<16x128xf32, #tpu.memory_space<hbm>>
        tpu.enqueue_dma source(%dma_start3A_1198 : memref<16x128xf32, #tpu.memory_space<hbm>>) target(%dma_start3A_1196 : memref<16x128xf32, #tpu.memory_space<vmem>>) target_semaphore(%arg11 : memref<!tpu.dma_semaphore, #tpu.memory_space<semaphore_mem>>)
        %slice3A_1199 = vector.extract_strided_slice %get3A_572 {offsets = [7], sizes = [1], strides = [1]} : vector<16xi32> to vector<1xi32>
        %squeeze3A_1200 = vector.extract %slice3A_1199[0] : i32 from vector<1xi32>
        %shift_right_arithmetic3A_1201 = arith.constant 7 : i32
        %shift_right_arithmetic3A_1202 = arith.shrsi %squeeze3A_1200, %shift_right_arithmetic3A_1201 : i32
        %shift_left3A_1203 = arith.constant 7 : i32
        %shift_left3A_1204 = arith.shli %shift_right_arithmetic3A_1202, %shift_left3A_1203 : i32
        %multiple_of3A_1205 = tpu.assume_multiple %shift_left3A_1204, 128 : i32
        %dma_start3A_1206 = arith.constant 0 : i32
        %dma_start3A_1207 = arith.constant 896 : i32
        %dma_start3A_1208 = tpu.memref_slice %arg6[%dma_start3A_1206, %dma_start3A_1207] : memref<16x1024xf32, #tpu.memory_space<vmem>> -> memref<16x128xf32, #tpu.memory_space<vmem>>
        %dma_start3A_1209 = arith.constant 0 : i32
        %dma_start3A_1210 = tpu.memref_slice %arg2[%dma_start3A_1209, %multiple_of3A_1205] : memref<16x1000000xf32, #tpu.memory_space<hbm>> -> memref<16x128xf32, #tpu.memory_space<hbm>>
        %dma_start3A_1211 = arith.constant 0 : i32
        %dma_start3A_1212 = arith.constant 896 : i32
        %dma_start3A_1213 = tpu.memref_slice %arg6[%dma_start3A_1211, %dma_start3A_1212] : memref<16x1024xf32, #tpu.memory_space<vmem>> -> memref<16x128xf32, #tpu.memory_space<vmem>>
        %dma_start3A_1214 = arith.constant 0 : i32
        %dma_start3A_1215 = tpu.memref_slice %arg2[%dma_start3A_1214, %multiple_of3A_1205] : memref<16x1000000xf32, #tpu.memory_space<hbm>> -> memref<16x128xf32, #tpu.memory_space<hbm>>
        tpu.enqueue_dma source(%dma_start3A_1215 : memref<16x128xf32, #tpu.memory_space<hbm>>) target(%dma_start3A_1213 : memref<16x128xf32, #tpu.memory_space<vmem>>) target_semaphore(%arg11 : memref<!tpu.dma_semaphore, #tpu.memory_space<semaphore_mem>>)
      } else {
      }
      %mul3A_699 = arith.constant 4 : i32
      %mul3A_700 = arith.muli %add3A_552, %mul3A_699 : i32
      %add3A_701 = arith.constant 1 : i32
      %add3A_702 = arith.addi %mul3A_700, %add3A_701 : i32
      %dma_wait3A_703 = arith.constant 0 : i32
      %dma_wait3A_704 = arith.constant 0 : i32
      %dma_wait3A_705 = tpu.memref_slice %arg2[%dma_wait3A_703, %dma_wait3A_704] : memref<16x1000000xf32, #tpu.memory_space<hbm>> -> memref<16x1024xf32, #tpu.memory_space<hbm>>
      %dma_wait3A_706 = arith.constant 0 : i32
      %dma_wait3A_707 = arith.constant 0 : i32
      %dma_wait3A_708 = tpu.memref_slice %arg2[%dma_wait3A_706, %dma_wait3A_707] : memref<16x1000000xf32, #tpu.memory_space<hbm>> -> memref<16x1024xf32, #tpu.memory_space<hbm>>
      tpu.wait_dma2 semaphore(%arg12 : memref<!tpu.dma_semaphore, #tpu.memory_space<semaphore_mem>>) src(%dma_wait3A_708 : memref<16x1024xf32, #tpu.memory_space<hbm>>) dst(%arg7 : memref<16x1024xf32, #tpu.memory_space<vmem>>)
      %slice3A_709 = vector.extract_strided_slice %get3A_558 {offsets = [8], sizes = [1], strides = [1]} : vector<16xi32> to vector<1xi32>
      %squeeze3A_710 = vector.extract %slice3A_709[0] : i32 from vector<1xi32>
      %and3A_711 = arith.constant 127 : i32
      %and3A_712 = arith.andi %squeeze3A_710, %and3A_711 : i32
      %broadcast_in_dim3A_713 = vector.broadcast %and3A_712 : i32 to vector<16xi32>
      %add3A_714 = arith.constant 0 : i32
      %add3A_715 = vector.broadcast %add3A_714 : i32 to vector<16xi32>
      %add3A_716 = arith.addi %broadcast_in_dim3A_713, %add3A_715 : vector<16xi32>
      %gather3A_717 = tpu.vector_load_idx %arg7[%iota3A, %add3A_716] : memref<16x1024xf32, #tpu.memory_space<vmem>>[vector<16xi32>, vector<16xi32>], vector<16xf32>,
      %mul3A_718 = arith.constant 8 : i32
      %mul3A_719 = arith.muli %add3A_702, %mul3A_718 : i32
      %add3A_720 = arith.constant 0 : i32
      %add3A_721 = arith.addi %mul3A_719, %add3A_720 : i32
      %broadcast_in_dim3A_722 = vector.broadcast %add3A_721 : i32 to vector<16xi32>
      tpu.vector_store_idx %arg10[%iota3A, %broadcast_in_dim3A_722], %gather3A_717 : memref<16x512xf32, #tpu.memory_space<vmem>>[vector<16xi32>, vector<16xi32>], vector<16xf32>,
      %slice3A_723 = vector.extract_strided_slice %get3A_558 {offsets = [9], sizes = [1], strides = [1]} : vector<16xi32> to vector<1xi32>
      %squeeze3A_724 = vector.extract %slice3A_723[0] : i32 from vector<1xi32>
      %and3A_725 = arith.constant 127 : i32
      %and3A_726 = arith.andi %squeeze3A_724, %and3A_725 : i32
      %broadcast_in_dim3A_727 = vector.broadcast %and3A_726 : i32 to vector<16xi32>
      %add3A_728 = arith.constant 128 : i32
      %add3A_729 = vector.broadcast %add3A_728 : i32 to vector<16xi32>
      %add3A_730 = arith.addi %broadcast_in_dim3A_727, %add3A_729 : vector<16xi32>
      %gather3A_731 = tpu.vector_load_idx %arg7[%iota3A, %add3A_730] : memref<16x1024xf32, #tpu.memory_space<vmem>>[vector<16xi32>, vector<16xi32>], vector<16xf32>,
      %mul3A_732 = arith.constant 8 : i32
      %mul3A_733 = arith.muli %add3A_702, %mul3A_732 : i32
      %add3A_734 = arith.constant 1 : i32
      %add3A_735 = arith.addi %mul3A_733, %add3A_734 : i32
      %broadcast_in_dim3A_736 = vector.broadcast %add3A_735 : i32 to vector<16xi32>
      tpu.vector_store_idx %arg10[%iota3A, %broadcast_in_dim3A_736], %gather3A_731 : memref<16x512xf32, #tpu.memory_space<vmem>>[vector<16xi32>, vector<16xi32>], vector<16xf32>,
      %slice3A_737 = vector.extract_strided_slice %get3A_558 {offsets = [10], sizes = [1], strides = [1]} : vector<16xi32> to vector<1xi32>
      %squeeze3A_738 = vector.extract %slice3A_737[0] : i32 from vector<1xi32>
      %and3A_739 = arith.constant 127 : i32
      %and3A_740 = arith.andi %squeeze3A_738, %and3A_739 : i32
      %broadcast_in_dim3A_741 = vector.broadcast %and3A_740 : i32 to vector<16xi32>
      %add3A_742 = arith.constant 256 : i32
      %add3A_743 = vector.broadcast %add3A_742 : i32 to vector<16xi32>
      %add3A_744 = arith.addi %broadcast_in_dim3A_741, %add3A_743 : vector<16xi32>
      %gather3A_745 = tpu.vector_load_idx %arg7[%iota3A, %add3A_744] : memref<16x1024xf32, #tpu.memory_space<vmem>>[vector<16xi32>, vector<16xi32>], vector<16xf32>,
      %mul3A_746 = arith.constant 8 : i32
      %mul3A_747 = arith.muli %add3A_702, %mul3A_746 : i32
      %add3A_748 = arith.constant 2 : i32
      %add3A_749 = arith.addi %mul3A_747, %add3A_748 : i32
      %broadcast_in_dim3A_750 = vector.broadcast %add3A_749 : i32 to vector<16xi32>
      tpu.vector_store_idx %arg10[%iota3A, %broadcast_in_dim3A_750], %gather3A_745 : memref<16x512xf32, #tpu.memory_space<vmem>>[vector<16xi32>, vector<16xi32>], vector<16xf32>,
      %slice3A_751 = vector.extract_strided_slice %get3A_558 {offsets = [11], sizes = [1], strides = [1]} : vector<16xi32> to vector<1xi32>
      %squeeze3A_752 = vector.extract %slice3A_751[0] : i32 from vector<1xi32>
      %and3A_753 = arith.constant 127 : i32
      %and3A_754 = arith.andi %squeeze3A_752, %and3A_753 : i32
      %broadcast_in_dim3A_755 = vector.broadcast %and3A_754 : i32 to vector<16xi32>
      %add3A_756 = arith.constant 384 : i32
      %add3A_757 = vector.broadcast %add3A_756 : i32 to vector<16xi32>
      %add3A_758 = arith.addi %broadcast_in_dim3A_755, %add3A_757 : vector<16xi32>
      %gather3A_759 = tpu.vector_load_idx %arg7[%iota3A, %add3A_758] : memref<16x1024xf32, #tpu.memory_space<vmem>>[vector<16xi32>, vector<16xi32>], vector<16xf32>,
      %mul3A_760 = arith.constant 8 : i32
      %mul3A_761 = arith.muli %add3A_702, %mul3A_760 : i32
      %add3A_762 = arith.constant 3 : i32
      %add3A_763 = arith.addi %mul3A_761, %add3A_762 : i32
      %broadcast_in_dim3A_764 = vector.broadcast %add3A_763 : i32 to vector<16xi32>
      tpu.vector_store_idx %arg10[%iota3A, %broadcast_in_dim3A_764], %gather3A_759 : memref<16x512xf32, #tpu.memory_space<vmem>>[vector<16xi32>, vector<16xi32>], vector<16xf32>,
      %slice3A_765 = vector.extract_strided_slice %get3A_558 {offsets = [12], sizes = [1], strides = [1]} : vector<16xi32> to vector<1xi32>
      %squeeze3A_766 = vector.extract %slice3A_765[0] : i32 from vector<1xi32>
      %and3A_767 = arith.constant 127 : i32
      %and3A_768 = arith.andi %squeeze3A_766, %and3A_767 : i32
      %broadcast_in_dim3A_769 = vector.broadcast %and3A_768 : i32 to vector<16xi32>
      %add3A_770 = arith.constant 512 : i32
      %add3A_771 = vector.broadcast %add3A_770 : i32 to vector<16xi32>
      %add3A_772 = arith.addi %broadcast_in_dim3A_769, %add3A_771 : vector<16xi32>
      %gather3A_773 = tpu.vector_load_idx %arg7[%iota3A, %add3A_772] : memref<16x1024xf32, #tpu.memory_space<vmem>>[vector<16xi32>, vector<16xi32>], vector<16xf32>,
      %mul3A_774 = arith.constant 8 : i32
      %mul3A_775 = arith.muli %add3A_702, %mul3A_774 : i32
      %add3A_776 = arith.constant 4 : i32
      %add3A_777 = arith.addi %mul3A_775, %add3A_776 : i32
      %broadcast_in_dim3A_778 = vector.broadcast %add3A_777 : i32 to vector<16xi32>
      tpu.vector_store_idx %arg10[%iota3A, %broadcast_in_dim3A_778], %gather3A_773 : memref<16x512xf32, #tpu.memory_space<vmem>>[vector<16xi32>, vector<16xi32>], vector<16xf32>,
      %slice3A_779 = vector.extract_strided_slice %get3A_558 {offsets = [13], sizes = [1], strides = [1]} : vector<16xi32> to vector<1xi32>
      %squeeze3A_780 = vector.extract %slice3A_779[0] : i32 from vector<1xi32>
      %and3A_781 = arith.constant 127 : i32
      %and3A_782 = arith.andi %squeeze3A_780, %and3A_781 : i32
      %broadcast_in_dim3A_783 = vector.broadcast %and3A_782 : i32 to vector<16xi32>
      %add3A_784 = arith.constant 640 : i32
      %add3A_785 = vector.broadcast %add3A_784 : i32 to vector<16xi32>
      %add3A_786 = arith.addi %broadcast_in_dim3A_783, %add3A_785 : vector<16xi32>
      %gather3A_787 = tpu.vector_load_idx %arg7[%iota3A, %add3A_786] : memref<16x1024xf32, #tpu.memory_space<vmem>>[vector<16xi32>, vector<16xi32>], vector<16xf32>,
      %mul3A_788 = arith.constant 8 : i32
      %mul3A_789 = arith.muli %add3A_702, %mul3A_788 : i32
      %add3A_790 = arith.constant 5 : i32
      %add3A_791 = arith.addi %mul3A_789, %add3A_790 : i32
      %broadcast_in_dim3A_792 = vector.broadcast %add3A_791 : i32 to vector<16xi32>
      tpu.vector_store_idx %arg10[%iota3A, %broadcast_in_dim3A_792], %gather3A_787 : memref<16x512xf32, #tpu.memory_space<vmem>>[vector<16xi32>, vector<16xi32>], vector<16xf32>,
      %slice3A_793 = vector.extract_strided_slice %get3A_558 {offsets = [14], sizes = [1], strides = [1]} : vector<16xi32> to vector<1xi32>
      %squeeze3A_794 = vector.extract %slice3A_793[0] : i32 from vector<1xi32>
      %and3A_795 = arith.constant 127 : i32
      %and3A_796 = arith.andi %squeeze3A_794, %and3A_795 : i32
      %broadcast_in_dim3A_797 = vector.broadcast %and3A_796 : i32 to vector<16xi32>
      %add3A_798 = arith.constant 768 : i32
      %add3A_799 = vector.broadcast %add3A_798 : i32 to vector<16xi32>
      %add3A_800 = arith.addi %broadcast_in_dim3A_797, %add3A_799 : vector<16xi32>
      %gather3A_801 = tpu.vector_load_idx %arg7[%iota3A, %add3A_800] : memref<16x1024xf32, #tpu.memory_space<vmem>>[vector<16xi32>, vector<16xi32>], vector<16xf32>,
      %mul3A_802 = arith.constant 8 : i32
      %mul3A_803 = arith.muli %add3A_702, %mul3A_802 : i32
      %add3A_804 = arith.constant 6 : i32
      %add3A_805 = arith.addi %mul3A_803, %add3A_804 : i32
      %broadcast_in_dim3A_806 = vector.broadcast %add3A_805 : i32 to vector<16xi32>
      tpu.vector_store_idx %arg10[%iota3A, %broadcast_in_dim3A_806], %gather3A_801 : memref<16x512xf32, #tpu.memory_space<vmem>>[vector<16xi32>, vector<16xi32>], vector<16xf32>,
      %slice3A_807 = vector.extract_strided_slice %get3A_558 {offsets = [15], sizes = [1], strides = [1]} : vector<16xi32> to vector<1xi32>
      %squeeze3A_808 = vector.extract %slice3A_807[0] : i32 from vector<1xi32>
      %and3A_809 = arith.constant 127 : i32
      %and3A_810 = arith.andi %squeeze3A_808, %and3A_809 : i32
      %broadcast_in_dim3A_811 = vector.broadcast %and3A_810 : i32 to vector<16xi32>
      %add3A_812 = arith.constant 896 : i32
      %add3A_813 = vector.broadcast %add3A_812 : i32 to vector<16xi32>
      %add3A_814 = arith.addi %broadcast_in_dim3A_811, %add3A_813 : vector<16xi32>
      %gather3A_815 = tpu.vector_load_idx %arg7[%iota3A, %add3A_814] : memref<16x1024xf32, #tpu.memory_space<vmem>>[vector<16xi32>, vector<16xi32>], vector<16xf32>,
      %mul3A_816 = arith.constant 8 : i32
      %mul3A_817 = arith.muli %add3A_702, %mul3A_816 : i32
      %add3A_818 = arith.constant 7 : i32
      %add3A_819 = arith.addi %mul3A_817, %add3A_818 : i32
      %broadcast_in_dim3A_820 = vector.broadcast %add3A_819 : i32 to vector<16xi32>
      tpu.vector_store_idx %arg10[%iota3A, %broadcast_in_dim3A_820], %gather3A_815 : memref<16x512xf32, #tpu.memory_space<vmem>>[vector<16xi32>, vector<16xi32>], vector<16xf32>,
      %lt3A_821 = arith.constant 15 : i32
      %lt3A_822 = arith.cmpi slt, %add3A_552, %lt3A_821 : i32
      %convert_element_type3A_823 = arith.extui %lt3A_822 : i1 to i32
      %cond3A_824 = arith.constant 0 : i32
      %cond3A_825 = arith.cmpi ne, %convert_element_type3A_823, %cond3A_824 : i32
      scf.if %cond3A_825 {
        %slice3A_1080 = vector.extract_strided_slice %get3A_572 {offsets = [8], sizes = [1], strides = [1]} : vector<16xi32> to vector<1xi32>
        %squeeze3A_1081 = vector.extract %slice3A_1080[0] : i32 from vector<1xi32>
        %shift_right_arithmetic3A_1082 = arith.constant 7 : i32
        %shift_right_arithmetic3A_1083 = arith.shrsi %squeeze3A_1081, %shift_right_arithmetic3A_1082 : i32
        %shift_left3A_1084 = arith.constant 7 : i32
        %shift_left3A_1085 = arith.shli %shift_right_arithmetic3A_1083, %shift_left3A_1084 : i32
        %multiple_of3A_1086 = tpu.assume_multiple %shift_left3A_1085, 128 : i32
        %dma_start3A_1087 = arith.constant 0 : i32
        %dma_start3A_1088 = arith.constant 0 : i32
        %dma_start3A_1089 = tpu.memref_slice %arg7[%dma_start3A_1087, %dma_start3A_1088] : memref<16x1024xf32, #tpu.memory_space<vmem>> -> memref<16x128xf32, #tpu.memory_space<vmem>>
        %dma_start3A_1090 = arith.constant 0 : i32
        %dma_start3A_1091 = tpu.memref_slice %arg2[%dma_start3A_1090, %multiple_of3A_1086] : memref<16x1000000xf32, #tpu.memory_space<hbm>> -> memref<16x128xf32, #tpu.memory_space<hbm>>
        %dma_start3A_1092 = arith.constant 0 : i32
        %dma_start3A_1093 = arith.constant 0 : i32
        %dma_start3A_1094 = tpu.memref_slice %arg7[%dma_start3A_1092, %dma_start3A_1093] : memref<16x1024xf32, #tpu.memory_space<vmem>> -> memref<16x128xf32, #tpu.memory_space<vmem>>
        %dma_start3A_1095 = arith.constant 0 : i32
        %dma_start3A_1096 = tpu.memref_slice %arg2[%dma_start3A_1095, %multiple_of3A_1086] : memref<16x1000000xf32, #tpu.memory_space<hbm>> -> memref<16x128xf32, #tpu.memory_space<hbm>>
        tpu.enqueue_dma source(%dma_start3A_1096 : memref<16x128xf32, #tpu.memory_space<hbm>>) target(%dma_start3A_1094 : memref<16x128xf32, #tpu.memory_space<vmem>>) target_semaphore(%arg12 : memref<!tpu.dma_semaphore, #tpu.memory_space<semaphore_mem>>)
        %slice3A_1097 = vector.extract_strided_slice %get3A_572 {offsets = [9], sizes = [1], strides = [1]} : vector<16xi32> to vector<1xi32>
        %squeeze3A_1098 = vector.extract %slice3A_1097[0] : i32 from vector<1xi32>
        %shift_right_arithmetic3A_1099 = arith.constant 7 : i32
        %shift_right_arithmetic3A_1100 = arith.shrsi %squeeze3A_1098, %shift_right_arithmetic3A_1099 : i32
        %shift_left3A_1101 = arith.constant 7 : i32
        %shift_left3A_1102 = arith.shli %shift_right_arithmetic3A_1100, %shift_left3A_1101 : i32
        %multiple_of3A_1103 = tpu.assume_multiple %shift_left3A_1102, 128 : i32
        %dma_start3A_1104 = arith.constant 0 : i32
        %dma_start3A_1105 = arith.constant 128 : i32
        %dma_start3A_1106 = tpu.memref_slice %arg7[%dma_start3A_1104, %dma_start3A_1105] : memref<16x1024xf32, #tpu.memory_space<vmem>> -> memref<16x128xf32, #tpu.memory_space<vmem>>
        %dma_start3A_1107 = arith.constant 0 : i32
        %dma_start3A_1108 = tpu.memref_slice %arg2[%dma_start3A_1107, %multiple_of3A_1103] : memref<16x1000000xf32, #tpu.memory_space<hbm>> -> memref<16x128xf32, #tpu.memory_space<hbm>>
        %dma_start3A_1109 = arith.constant 0 : i32
        %dma_start3A_1110 = arith.constant 128 : i32
        %dma_start3A_1111 = tpu.memref_slice %arg7[%dma_start3A_1109, %dma_start3A_1110] : memref<16x1024xf32, #tpu.memory_space<vmem>> -> memref<16x128xf32, #tpu.memory_space<vmem>>
        %dma_start3A_1112 = arith.constant 0 : i32
        %dma_start3A_1113 = tpu.memref_slice %arg2[%dma_start3A_1112, %multiple_of3A_1103] : memref<16x1000000xf32, #tpu.memory_space<hbm>> -> memref<16x128xf32, #tpu.memory_space<hbm>>
        tpu.enqueue_dma source(%dma_start3A_1113 : memref<16x128xf32, #tpu.memory_space<hbm>>) target(%dma_start3A_1111 : memref<16x128xf32, #tpu.memory_space<vmem>>) target_semaphore(%arg12 : memref<!tpu.dma_semaphore, #tpu.memory_space<semaphore_mem>>)
        %slice3A_1114 = vector.extract_strided_slice %get3A_572 {offsets = [10], sizes = [1], strides = [1]} : vector<16xi32> to vector<1xi32>
        %squeeze3A_1115 = vector.extract %slice3A_1114[0] : i32 from vector<1xi32>
        %shift_right_arithmetic3A_1116 = arith.constant 7 : i32
        %shift_right_arithmetic3A_1117 = arith.shrsi %squeeze3A_1115, %shift_right_arithmetic3A_1116 : i32
        %shift_left3A_1118 = arith.constant 7 : i32
        %shift_left3A_1119 = arith.shli %shift_right_arithmetic3A_1117, %shift_left3A_1118 : i32
        %multiple_of3A_1120 = tpu.assume_multiple %shift_left3A_1119, 128 : i32
        %dma_start3A_1121 = arith.constant 0 : i32
        %dma_start3A_1122 = arith.constant 256 : i32
        %dma_start3A_1123 = tpu.memref_slice %arg7[%dma_start3A_1121, %dma_start3A_1122] : memref<16x1024xf32, #tpu.memory_space<vmem>> -> memref<16x128xf32, #tpu.memory_space<vmem>>
        %dma_start3A_1124 = arith.constant 0 : i32
        %dma_start3A_1125 = tpu.memref_slice %arg2[%dma_start3A_1124, %multiple_of3A_1120] : memref<16x1000000xf32, #tpu.memory_space<hbm>> -> memref<16x128xf32, #tpu.memory_space<hbm>>
        %dma_start3A_1126 = arith.constant 0 : i32
        %dma_start3A_1127 = arith.constant 256 : i32
        %dma_start3A_1128 = tpu.memref_slice %arg7[%dma_start3A_1126, %dma_start3A_1127] : memref<16x1024xf32, #tpu.memory_space<vmem>> -> memref<16x128xf32, #tpu.memory_space<vmem>>
        %dma_start3A_1129 = arith.constant 0 : i32
        %dma_start3A_1130 = tpu.memref_slice %arg2[%dma_start3A_1129, %multiple_of3A_1120] : memref<16x1000000xf32, #tpu.memory_space<hbm>> -> memref<16x128xf32, #tpu.memory_space<hbm>>
        tpu.enqueue_dma source(%dma_start3A_1130 : memref<16x128xf32, #tpu.memory_space<hbm>>) target(%dma_start3A_1128 : memref<16x128xf32, #tpu.memory_space<vmem>>) target_semaphore(%arg12 : memref<!tpu.dma_semaphore, #tpu.memory_space<semaphore_mem>>)
        %slice3A_1131 = vector.extract_strided_slice %get3A_572 {offsets = [11], sizes = [1], strides = [1]} : vector<16xi32> to vector<1xi32>
        %squeeze3A_1132 = vector.extract %slice3A_1131[0] : i32 from vector<1xi32>
        %shift_right_arithmetic3A_1133 = arith.constant 7 : i32
        %shift_right_arithmetic3A_1134 = arith.shrsi %squeeze3A_1132, %shift_right_arithmetic3A_1133 : i32
        %shift_left3A_1135 = arith.constant 7 : i32
        %shift_left3A_1136 = arith.shli %shift_right_arithmetic3A_1134, %shift_left3A_1135 : i32
        %multiple_of3A_1137 = tpu.assume_multiple %shift_left3A_1136, 128 : i32
        %dma_start3A_1138 = arith.constant 0 : i32
        %dma_start3A_1139 = arith.constant 384 : i32
        %dma_start3A_1140 = tpu.memref_slice %arg7[%dma_start3A_1138, %dma_start3A_1139] : memref<16x1024xf32, #tpu.memory_space<vmem>> -> memref<16x128xf32, #tpu.memory_space<vmem>>
        %dma_start3A_1141 = arith.constant 0 : i32
        %dma_start3A_1142 = tpu.memref_slice %arg2[%dma_start3A_1141, %multiple_of3A_1137] : memref<16x1000000xf32, #tpu.memory_space<hbm>> -> memref<16x128xf32, #tpu.memory_space<hbm>>
        %dma_start3A_1143 = arith.constant 0 : i32
        %dma_start3A_1144 = arith.constant 384 : i32
        %dma_start3A_1145 = tpu.memref_slice %arg7[%dma_start3A_1143, %dma_start3A_1144] : memref<16x1024xf32, #tpu.memory_space<vmem>> -> memref<16x128xf32, #tpu.memory_space<vmem>>
        %dma_start3A_1146 = arith.constant 0 : i32
        %dma_start3A_1147 = tpu.memref_slice %arg2[%dma_start3A_1146, %multiple_of3A_1137] : memref<16x1000000xf32, #tpu.memory_space<hbm>> -> memref<16x128xf32, #tpu.memory_space<hbm>>
        tpu.enqueue_dma source(%dma_start3A_1147 : memref<16x128xf32, #tpu.memory_space<hbm>>) target(%dma_start3A_1145 : memref<16x128xf32, #tpu.memory_space<vmem>>) target_semaphore(%arg12 : memref<!tpu.dma_semaphore, #tpu.memory_space<semaphore_mem>>)
        %slice3A_1148 = vector.extract_strided_slice %get3A_572 {offsets = [12], sizes = [1], strides = [1]} : vector<16xi32> to vector<1xi32>
        %squeeze3A_1149 = vector.extract %slice3A_1148[0] : i32 from vector<1xi32>
        %shift_right_arithmetic3A_1150 = arith.constant 7 : i32
        %shift_right_arithmetic3A_1151 = arith.shrsi %squeeze3A_1149, %shift_right_arithmetic3A_1150 : i32
        %shift_left3A_1152 = arith.constant 7 : i32
        %shift_left3A_1153 = arith.shli %shift_right_arithmetic3A_1151, %shift_left3A_1152 : i32
        %multiple_of3A_1154 = tpu.assume_multiple %shift_left3A_1153, 128 : i32
        %dma_start3A_1155 = arith.constant 0 : i32
        %dma_start3A_1156 = arith.constant 512 : i32
        %dma_start3A_1157 = tpu.memref_slice %arg7[%dma_start3A_1155, %dma_start3A_1156] : memref<16x1024xf32, #tpu.memory_space<vmem>> -> memref<16x128xf32, #tpu.memory_space<vmem>>
        %dma_start3A_1158 = arith.constant 0 : i32
        %dma_start3A_1159 = tpu.memref_slice %arg2[%dma_start3A_1158, %multiple_of3A_1154] : memref<16x1000000xf32, #tpu.memory_space<hbm>> -> memref<16x128xf32, #tpu.memory_space<hbm>>
        %dma_start3A_1160 = arith.constant 0 : i32
        %dma_start3A_1161 = arith.constant 512 : i32
        %dma_start3A_1162 = tpu.memref_slice %arg7[%dma_start3A_1160, %dma_start3A_1161] : memref<16x1024xf32, #tpu.memory_space<vmem>> -> memref<16x128xf32, #tpu.memory_space<vmem>>
        %dma_start3A_1163 = arith.constant 0 : i32
        %dma_start3A_1164 = tpu.memref_slice %arg2[%dma_start3A_1163, %multiple_of3A_1154] : memref<16x1000000xf32, #tpu.memory_space<hbm>> -> memref<16x128xf32, #tpu.memory_space<hbm>>
        tpu.enqueue_dma source(%dma_start3A_1164 : memref<16x128xf32, #tpu.memory_space<hbm>>) target(%dma_start3A_1162 : memref<16x128xf32, #tpu.memory_space<vmem>>) target_semaphore(%arg12 : memref<!tpu.dma_semaphore, #tpu.memory_space<semaphore_mem>>)
        %slice3A_1165 = vector.extract_strided_slice %get3A_572 {offsets = [13], sizes = [1], strides = [1]} : vector<16xi32> to vector<1xi32>
        %squeeze3A_1166 = vector.extract %slice3A_1165[0] : i32 from vector<1xi32>
        %shift_right_arithmetic3A_1167 = arith.constant 7 : i32
        %shift_right_arithmetic3A_1168 = arith.shrsi %squeeze3A_1166, %shift_right_arithmetic3A_1167 : i32
        %shift_left3A_1169 = arith.constant 7 : i32
        %shift_left3A_1170 = arith.shli %shift_right_arithmetic3A_1168, %shift_left3A_1169 : i32
        %multiple_of3A_1171 = tpu.assume_multiple %shift_left3A_1170, 128 : i32
        %dma_start3A_1172 = arith.constant 0 : i32
        %dma_start3A_1173 = arith.constant 640 : i32
        %dma_start3A_1174 = tpu.memref_slice %arg7[%dma_start3A_1172, %dma_start3A_1173] : memref<16x1024xf32, #tpu.memory_space<vmem>> -> memref<16x128xf32, #tpu.memory_space<vmem>>
        %dma_start3A_1175 = arith.constant 0 : i32
        %dma_start3A_1176 = tpu.memref_slice %arg2[%dma_start3A_1175, %multiple_of3A_1171] : memref<16x1000000xf32, #tpu.memory_space<hbm>> -> memref<16x128xf32, #tpu.memory_space<hbm>>
        %dma_start3A_1177 = arith.constant 0 : i32
        %dma_start3A_1178 = arith.constant 640 : i32
        %dma_start3A_1179 = tpu.memref_slice %arg7[%dma_start3A_1177, %dma_start3A_1178] : memref<16x1024xf32, #tpu.memory_space<vmem>> -> memref<16x128xf32, #tpu.memory_space<vmem>>
        %dma_start3A_1180 = arith.constant 0 : i32
        %dma_start3A_1181 = tpu.memref_slice %arg2[%dma_start3A_1180, %multiple_of3A_1171] : memref<16x1000000xf32, #tpu.memory_space<hbm>> -> memref<16x128xf32, #tpu.memory_space<hbm>>
        tpu.enqueue_dma source(%dma_start3A_1181 : memref<16x128xf32, #tpu.memory_space<hbm>>) target(%dma_start3A_1179 : memref<16x128xf32, #tpu.memory_space<vmem>>) target_semaphore(%arg12 : memref<!tpu.dma_semaphore, #tpu.memory_space<semaphore_mem>>)
        %slice3A_1182 = vector.extract_strided_slice %get3A_572 {offsets = [14], sizes = [1], strides = [1]} : vector<16xi32> to vector<1xi32>
        %squeeze3A_1183 = vector.extract %slice3A_1182[0] : i32 from vector<1xi32>
        %shift_right_arithmetic3A_1184 = arith.constant 7 : i32
        %shift_right_arithmetic3A_1185 = arith.shrsi %squeeze3A_1183, %shift_right_arithmetic3A_1184 : i32
        %shift_left3A_1186 = arith.constant 7 : i32
        %shift_left3A_1187 = arith.shli %shift_right_arithmetic3A_1185, %shift_left3A_1186 : i32
        %multiple_of3A_1188 = tpu.assume_multiple %shift_left3A_1187, 128 : i32
        %dma_start3A_1189 = arith.constant 0 : i32
        %dma_start3A_1190 = arith.constant 768 : i32
        %dma_start3A_1191 = tpu.memref_slice %arg7[%dma_start3A_1189, %dma_start3A_1190] : memref<16x1024xf32, #tpu.memory_space<vmem>> -> memref<16x128xf32, #tpu.memory_space<vmem>>
        %dma_start3A_1192 = arith.constant 0 : i32
        %dma_start3A_1193 = tpu.memref_slice %arg2[%dma_start3A_1192, %multiple_of3A_1188] : memref<16x1000000xf32, #tpu.memory_space<hbm>> -> memref<16x128xf32, #tpu.memory_space<hbm>>
        %dma_start3A_1194 = arith.constant 0 : i32
        %dma_start3A_1195 = arith.constant 768 : i32
        %dma_start3A_1196 = tpu.memref_slice %arg7[%dma_start3A_1194, %dma_start3A_1195] : memref<16x1024xf32, #tpu.memory_space<vmem>> -> memref<16x128xf32, #tpu.memory_space<vmem>>
        %dma_start3A_1197 = arith.constant 0 : i32
        %dma_start3A_1198 = tpu.memref_slice %arg2[%dma_start3A_1197, %multiple_of3A_1188] : memref<16x1000000xf32, #tpu.memory_space<hbm>> -> memref<16x128xf32, #tpu.memory_space<hbm>>
        tpu.enqueue_dma source(%dma_start3A_1198 : memref<16x128xf32, #tpu.memory_space<hbm>>) target(%dma_start3A_1196 : memref<16x128xf32, #tpu.memory_space<vmem>>) target_semaphore(%arg12 : memref<!tpu.dma_semaphore, #tpu.memory_space<semaphore_mem>>)
        %slice3A_1199 = vector.extract_strided_slice %get3A_572 {offsets = [15], sizes = [1], strides = [1]} : vector<16xi32> to vector<1xi32>
        %squeeze3A_1200 = vector.extract %slice3A_1199[0] : i32 from vector<1xi32>
        %shift_right_arithmetic3A_1201 = arith.constant 7 : i32
        %shift_right_arithmetic3A_1202 = arith.shrsi %squeeze3A_1200, %shift_right_arithmetic3A_1201 : i32
        %shift_left3A_1203 = arith.constant 7 : i32
        %shift_left3A_1204 = arith.shli %shift_right_arithmetic3A_1202, %shift_left3A_1203 : i32
        %multiple_of3A_1205 = tpu.assume_multiple %shift_left3A_1204, 128 : i32
        %dma_start3A_1206 = arith.constant 0 : i32
        %dma_start3A_1207 = arith.constant 896 : i32
        %dma_start3A_1208 = tpu.memref_slice %arg7[%dma_start3A_1206, %dma_start3A_1207] : memref<16x1024xf32, #tpu.memory_space<vmem>> -> memref<16x128xf32, #tpu.memory_space<vmem>>
        %dma_start3A_1209 = arith.constant 0 : i32
        %dma_start3A_1210 = tpu.memref_slice %arg2[%dma_start3A_1209, %multiple_of3A_1205] : memref<16x1000000xf32, #tpu.memory_space<hbm>> -> memref<16x128xf32, #tpu.memory_space<hbm>>
        %dma_start3A_1211 = arith.constant 0 : i32
        %dma_start3A_1212 = arith.constant 896 : i32
        %dma_start3A_1213 = tpu.memref_slice %arg7[%dma_start3A_1211, %dma_start3A_1212] : memref<16x1024xf32, #tpu.memory_space<vmem>> -> memref<16x128xf32, #tpu.memory_space<vmem>>
        %dma_start3A_1214 = arith.constant 0 : i32
        %dma_start3A_1215 = tpu.memref_slice %arg2[%dma_start3A_1214, %multiple_of3A_1205] : memref<16x1000000xf32, #tpu.memory_space<hbm>> -> memref<16x128xf32, #tpu.memory_space<hbm>>
        tpu.enqueue_dma source(%dma_start3A_1215 : memref<16x128xf32, #tpu.memory_space<hbm>>) target(%dma_start3A_1213 : memref<16x128xf32, #tpu.memory_space<vmem>>) target_semaphore(%arg12 : memref<!tpu.dma_semaphore, #tpu.memory_space<semaphore_mem>>)
      } else {
      }
      %mul3A_826 = arith.constant 4 : i32
      %mul3A_827 = arith.muli %add3A_552, %mul3A_826 : i32
      %add3A_828 = arith.constant 2 : i32
      %add3A_829 = arith.addi %mul3A_827, %add3A_828 : i32
      %dma_wait3A_830 = arith.constant 0 : i32
      %dma_wait3A_831 = arith.constant 0 : i32
      %dma_wait3A_832 = tpu.memref_slice %arg2[%dma_wait3A_830, %dma_wait3A_831] : memref<16x1000000xf32, #tpu.memory_space<hbm>> -> memref<16x1024xf32, #tpu.memory_space<hbm>>
      %dma_wait3A_833 = arith.constant 0 : i32
      %dma_wait3A_834 = arith.constant 0 : i32
      %dma_wait3A_835 = tpu.memref_slice %arg2[%dma_wait3A_833, %dma_wait3A_834] : memref<16x1000000xf32, #tpu.memory_space<hbm>> -> memref<16x1024xf32, #tpu.memory_space<hbm>>
      tpu.wait_dma2 semaphore(%arg13 : memref<!tpu.dma_semaphore, #tpu.memory_space<semaphore_mem>>) src(%dma_wait3A_835 : memref<16x1024xf32, #tpu.memory_space<hbm>>) dst(%arg8 : memref<16x1024xf32, #tpu.memory_space<vmem>>)
      %slice3A_836 = vector.extract_strided_slice %get3A_564 {offsets = [0], sizes = [1], strides = [1]} : vector<16xi32> to vector<1xi32>
      %squeeze3A_837 = vector.extract %slice3A_836[0] : i32 from vector<1xi32>
      %and3A_838 = arith.constant 127 : i32
      %and3A_839 = arith.andi %squeeze3A_837, %and3A_838 : i32
      %broadcast_in_dim3A_840 = vector.broadcast %and3A_839 : i32 to vector<16xi32>
      %add3A_841 = arith.constant 0 : i32
      %add3A_842 = vector.broadcast %add3A_841 : i32 to vector<16xi32>
      %add3A_843 = arith.addi %broadcast_in_dim3A_840, %add3A_842 : vector<16xi32>
      %gather3A_844 = tpu.vector_load_idx %arg8[%iota3A, %add3A_843] : memref<16x1024xf32, #tpu.memory_space<vmem>>[vector<16xi32>, vector<16xi32>], vector<16xf32>,
      %mul3A_845 = arith.constant 8 : i32
      %mul3A_846 = arith.muli %add3A_829, %mul3A_845 : i32
      %add3A_847 = arith.constant 0 : i32
      %add3A_848 = arith.addi %mul3A_846, %add3A_847 : i32
      %broadcast_in_dim3A_849 = vector.broadcast %add3A_848 : i32 to vector<16xi32>
      tpu.vector_store_idx %arg10[%iota3A, %broadcast_in_dim3A_849], %gather3A_844 : memref<16x512xf32, #tpu.memory_space<vmem>>[vector<16xi32>, vector<16xi32>], vector<16xf32>,
      %slice3A_850 = vector.extract_strided_slice %get3A_564 {offsets = [1], sizes = [1], strides = [1]} : vector<16xi32> to vector<1xi32>
      %squeeze3A_851 = vector.extract %slice3A_850[0] : i32 from vector<1xi32>
      %and3A_852 = arith.constant 127 : i32
      %and3A_853 = arith.andi %squeeze3A_851, %and3A_852 : i32
      %broadcast_in_dim3A_854 = vector.broadcast %and3A_853 : i32 to vector<16xi32>
      %add3A_855 = arith.constant 128 : i32
      %add3A_856 = vector.broadcast %add3A_855 : i32 to vector<16xi32>
      %add3A_857 = arith.addi %broadcast_in_dim3A_854, %add3A_856 : vector<16xi32>
      %gather3A_858 = tpu.vector_load_idx %arg8[%iota3A, %add3A_857] : memref<16x1024xf32, #tpu.memory_space<vmem>>[vector<16xi32>, vector<16xi32>], vector<16xf32>,
      %mul3A_859 = arith.constant 8 : i32
      %mul3A_860 = arith.muli %add3A_829, %mul3A_859 : i32
      %add3A_861 = arith.constant 1 : i32
      %add3A_862 = arith.addi %mul3A_860, %add3A_861 : i32
      %broadcast_in_dim3A_863 = vector.broadcast %add3A_862 : i32 to vector<16xi32>
      tpu.vector_store_idx %arg10[%iota3A, %broadcast_in_dim3A_863], %gather3A_858 : memref<16x512xf32, #tpu.memory_space<vmem>>[vector<16xi32>, vector<16xi32>], vector<16xf32>,
      %slice3A_864 = vector.extract_strided_slice %get3A_564 {offsets = [2], sizes = [1], strides = [1]} : vector<16xi32> to vector<1xi32>
      %squeeze3A_865 = vector.extract %slice3A_864[0] : i32 from vector<1xi32>
      %and3A_866 = arith.constant 127 : i32
      %and3A_867 = arith.andi %squeeze3A_865, %and3A_866 : i32
      %broadcast_in_dim3A_868 = vector.broadcast %and3A_867 : i32 to vector<16xi32>
      %add3A_869 = arith.constant 256 : i32
      %add3A_870 = vector.broadcast %add3A_869 : i32 to vector<16xi32>
      %add3A_871 = arith.addi %broadcast_in_dim3A_868, %add3A_870 : vector<16xi32>
      %gather3A_872 = tpu.vector_load_idx %arg8[%iota3A, %add3A_871] : memref<16x1024xf32, #tpu.memory_space<vmem>>[vector<16xi32>, vector<16xi32>], vector<16xf32>,
      %mul3A_873 = arith.constant 8 : i32
      %mul3A_874 = arith.muli %add3A_829, %mul3A_873 : i32
      %add3A_875 = arith.constant 2 : i32
      %add3A_876 = arith.addi %mul3A_874, %add3A_875 : i32
      %broadcast_in_dim3A_877 = vector.broadcast %add3A_876 : i32 to vector<16xi32>
      tpu.vector_store_idx %arg10[%iota3A, %broadcast_in_dim3A_877], %gather3A_872 : memref<16x512xf32, #tpu.memory_space<vmem>>[vector<16xi32>, vector<16xi32>], vector<16xf32>,
      %slice3A_878 = vector.extract_strided_slice %get3A_564 {offsets = [3], sizes = [1], strides = [1]} : vector<16xi32> to vector<1xi32>
      %squeeze3A_879 = vector.extract %slice3A_878[0] : i32 from vector<1xi32>
      %and3A_880 = arith.constant 127 : i32
      %and3A_881 = arith.andi %squeeze3A_879, %and3A_880 : i32
      %broadcast_in_dim3A_882 = vector.broadcast %and3A_881 : i32 to vector<16xi32>
      %add3A_883 = arith.constant 384 : i32
      %add3A_884 = vector.broadcast %add3A_883 : i32 to vector<16xi32>
      %add3A_885 = arith.addi %broadcast_in_dim3A_882, %add3A_884 : vector<16xi32>
      %gather3A_886 = tpu.vector_load_idx %arg8[%iota3A, %add3A_885] : memref<16x1024xf32, #tpu.memory_space<vmem>>[vector<16xi32>, vector<16xi32>], vector<16xf32>,
      %mul3A_887 = arith.constant 8 : i32
      %mul3A_888 = arith.muli %add3A_829, %mul3A_887 : i32
      %add3A_889 = arith.constant 3 : i32
      %add3A_890 = arith.addi %mul3A_888, %add3A_889 : i32
      %broadcast_in_dim3A_891 = vector.broadcast %add3A_890 : i32 to vector<16xi32>
      tpu.vector_store_idx %arg10[%iota3A, %broadcast_in_dim3A_891], %gather3A_886 : memref<16x512xf32, #tpu.memory_space<vmem>>[vector<16xi32>, vector<16xi32>], vector<16xf32>,
      %slice3A_892 = vector.extract_strided_slice %get3A_564 {offsets = [4], sizes = [1], strides = [1]} : vector<16xi32> to vector<1xi32>
      %squeeze3A_893 = vector.extract %slice3A_892[0] : i32 from vector<1xi32>
      %and3A_894 = arith.constant 127 : i32
      %and3A_895 = arith.andi %squeeze3A_893, %and3A_894 : i32
      %broadcast_in_dim3A_896 = vector.broadcast %and3A_895 : i32 to vector<16xi32>
      %add3A_897 = arith.constant 512 : i32
      %add3A_898 = vector.broadcast %add3A_897 : i32 to vector<16xi32>
      %add3A_899 = arith.addi %broadcast_in_dim3A_896, %add3A_898 : vector<16xi32>
      %gather3A_900 = tpu.vector_load_idx %arg8[%iota3A, %add3A_899] : memref<16x1024xf32, #tpu.memory_space<vmem>>[vector<16xi32>, vector<16xi32>], vector<16xf32>,
      %mul3A_901 = arith.constant 8 : i32
      %mul3A_902 = arith.muli %add3A_829, %mul3A_901 : i32
      %add3A_903 = arith.constant 4 : i32
      %add3A_904 = arith.addi %mul3A_902, %add3A_903 : i32
      %broadcast_in_dim3A_905 = vector.broadcast %add3A_904 : i32 to vector<16xi32>
      tpu.vector_store_idx %arg10[%iota3A, %broadcast_in_dim3A_905], %gather3A_900 : memref<16x512xf32, #tpu.memory_space<vmem>>[vector<16xi32>, vector<16xi32>], vector<16xf32>,
      %slice3A_906 = vector.extract_strided_slice %get3A_564 {offsets = [5], sizes = [1], strides = [1]} : vector<16xi32> to vector<1xi32>
      %squeeze3A_907 = vector.extract %slice3A_906[0] : i32 from vector<1xi32>
      %and3A_908 = arith.constant 127 : i32
      %and3A_909 = arith.andi %squeeze3A_907, %and3A_908 : i32
      %broadcast_in_dim3A_910 = vector.broadcast %and3A_909 : i32 to vector<16xi32>
      %add3A_911 = arith.constant 640 : i32
      %add3A_912 = vector.broadcast %add3A_911 : i32 to vector<16xi32>
      %add3A_913 = arith.addi %broadcast_in_dim3A_910, %add3A_912 : vector<16xi32>
      %gather3A_914 = tpu.vector_load_idx %arg8[%iota3A, %add3A_913] : memref<16x1024xf32, #tpu.memory_space<vmem>>[vector<16xi32>, vector<16xi32>], vector<16xf32>,
      %mul3A_915 = arith.constant 8 : i32
      %mul3A_916 = arith.muli %add3A_829, %mul3A_915 : i32
      %add3A_917 = arith.constant 5 : i32
      %add3A_918 = arith.addi %mul3A_916, %add3A_917 : i32
      %broadcast_in_dim3A_919 = vector.broadcast %add3A_918 : i32 to vector<16xi32>
      tpu.vector_store_idx %arg10[%iota3A, %broadcast_in_dim3A_919], %gather3A_914 : memref<16x512xf32, #tpu.memory_space<vmem>>[vector<16xi32>, vector<16xi32>], vector<16xf32>,
      %slice3A_920 = vector.extract_strided_slice %get3A_564 {offsets = [6], sizes = [1], strides = [1]} : vector<16xi32> to vector<1xi32>
      %squeeze3A_921 = vector.extract %slice3A_920[0] : i32 from vector<1xi32>
      %and3A_922 = arith.constant 127 : i32
      %and3A_923 = arith.andi %squeeze3A_921, %and3A_922 : i32
      %broadcast_in_dim3A_924 = vector.broadcast %and3A_923 : i32 to vector<16xi32>
      %add3A_925 = arith.constant 768 : i32
      %add3A_926 = vector.broadcast %add3A_925 : i32 to vector<16xi32>
      %add3A_927 = arith.addi %broadcast_in_dim3A_924, %add3A_926 : vector<16xi32>
      %gather3A_928 = tpu.vector_load_idx %arg8[%iota3A, %add3A_927] : memref<16x1024xf32, #tpu.memory_space<vmem>>[vector<16xi32>, vector<16xi32>], vector<16xf32>,
      %mul3A_929 = arith.constant 8 : i32
      %mul3A_930 = arith.muli %add3A_829, %mul3A_929 : i32
      %add3A_931 = arith.constant 6 : i32
      %add3A_932 = arith.addi %mul3A_930, %add3A_931 : i32
      %broadcast_in_dim3A_933 = vector.broadcast %add3A_932 : i32 to vector<16xi32>
      tpu.vector_store_idx %arg10[%iota3A, %broadcast_in_dim3A_933], %gather3A_928 : memref<16x512xf32, #tpu.memory_space<vmem>>[vector<16xi32>, vector<16xi32>], vector<16xf32>,
      %slice3A_934 = vector.extract_strided_slice %get3A_564 {offsets = [7], sizes = [1], strides = [1]} : vector<16xi32> to vector<1xi32>
      %squeeze3A_935 = vector.extract %slice3A_934[0] : i32 from vector<1xi32>
      %and3A_936 = arith.constant 127 : i32
      %and3A_937 = arith.andi %squeeze3A_935, %and3A_936 : i32
      %broadcast_in_dim3A_938 = vector.broadcast %and3A_937 : i32 to vector<16xi32>
      %add3A_939 = arith.constant 896 : i32
      %add3A_940 = vector.broadcast %add3A_939 : i32 to vector<16xi32>
      %add3A_941 = arith.addi %broadcast_in_dim3A_938, %add3A_940 : vector<16xi32>
      %gather3A_942 = tpu.vector_load_idx %arg8[%iota3A, %add3A_941] : memref<16x1024xf32, #tpu.memory_space<vmem>>[vector<16xi32>, vector<16xi32>], vector<16xf32>,
      %mul3A_943 = arith.constant 8 : i32
      %mul3A_944 = arith.muli %add3A_829, %mul3A_943 : i32
      %add3A_945 = arith.constant 7 : i32
      %add3A_946 = arith.addi %mul3A_944, %add3A_945 : i32
      %broadcast_in_dim3A_947 = vector.broadcast %add3A_946 : i32 to vector<16xi32>
      tpu.vector_store_idx %arg10[%iota3A, %broadcast_in_dim3A_947], %gather3A_942 : memref<16x512xf32, #tpu.memory_space<vmem>>[vector<16xi32>, vector<16xi32>], vector<16xf32>,
      %lt3A_948 = arith.constant 15 : i32
      %lt3A_949 = arith.cmpi slt, %add3A_552, %lt3A_948 : i32
      %convert_element_type3A_950 = arith.extui %lt3A_949 : i1 to i32
      %cond3A_951 = arith.constant 0 : i32
      %cond3A_952 = arith.cmpi ne, %convert_element_type3A_950, %cond3A_951 : i32
      scf.if %cond3A_952 {
        %slice3A_1080 = vector.extract_strided_slice %get3A_578 {offsets = [0], sizes = [1], strides = [1]} : vector<16xi32> to vector<1xi32>
        %squeeze3A_1081 = vector.extract %slice3A_1080[0] : i32 from vector<1xi32>
        %shift_right_arithmetic3A_1082 = arith.constant 7 : i32
        %shift_right_arithmetic3A_1083 = arith.shrsi %squeeze3A_1081, %shift_right_arithmetic3A_1082 : i32
        %shift_left3A_1084 = arith.constant 7 : i32
        %shift_left3A_1085 = arith.shli %shift_right_arithmetic3A_1083, %shift_left3A_1084 : i32
        %multiple_of3A_1086 = tpu.assume_multiple %shift_left3A_1085, 128 : i32
        %dma_start3A_1087 = arith.constant 0 : i32
        %dma_start3A_1088 = arith.constant 0 : i32
        %dma_start3A_1089 = tpu.memref_slice %arg8[%dma_start3A_1087, %dma_start3A_1088] : memref<16x1024xf32, #tpu.memory_space<vmem>> -> memref<16x128xf32, #tpu.memory_space<vmem>>
        %dma_start3A_1090 = arith.constant 0 : i32
        %dma_start3A_1091 = tpu.memref_slice %arg2[%dma_start3A_1090, %multiple_of3A_1086] : memref<16x1000000xf32, #tpu.memory_space<hbm>> -> memref<16x128xf32, #tpu.memory_space<hbm>>
        %dma_start3A_1092 = arith.constant 0 : i32
        %dma_start3A_1093 = arith.constant 0 : i32
        %dma_start3A_1094 = tpu.memref_slice %arg8[%dma_start3A_1092, %dma_start3A_1093] : memref<16x1024xf32, #tpu.memory_space<vmem>> -> memref<16x128xf32, #tpu.memory_space<vmem>>
        %dma_start3A_1095 = arith.constant 0 : i32
        %dma_start3A_1096 = tpu.memref_slice %arg2[%dma_start3A_1095, %multiple_of3A_1086] : memref<16x1000000xf32, #tpu.memory_space<hbm>> -> memref<16x128xf32, #tpu.memory_space<hbm>>
        tpu.enqueue_dma source(%dma_start3A_1096 : memref<16x128xf32, #tpu.memory_space<hbm>>) target(%dma_start3A_1094 : memref<16x128xf32, #tpu.memory_space<vmem>>) target_semaphore(%arg13 : memref<!tpu.dma_semaphore, #tpu.memory_space<semaphore_mem>>)
        %slice3A_1097 = vector.extract_strided_slice %get3A_578 {offsets = [1], sizes = [1], strides = [1]} : vector<16xi32> to vector<1xi32>
        %squeeze3A_1098 = vector.extract %slice3A_1097[0] : i32 from vector<1xi32>
        %shift_right_arithmetic3A_1099 = arith.constant 7 : i32
        %shift_right_arithmetic3A_1100 = arith.shrsi %squeeze3A_1098, %shift_right_arithmetic3A_1099 : i32
        %shift_left3A_1101 = arith.constant 7 : i32
        %shift_left3A_1102 = arith.shli %shift_right_arithmetic3A_1100, %shift_left3A_1101 : i32
        %multiple_of3A_1103 = tpu.assume_multiple %shift_left3A_1102, 128 : i32
        %dma_start3A_1104 = arith.constant 0 : i32
        %dma_start3A_1105 = arith.constant 128 : i32
        %dma_start3A_1106 = tpu.memref_slice %arg8[%dma_start3A_1104, %dma_start3A_1105] : memref<16x1024xf32, #tpu.memory_space<vmem>> -> memref<16x128xf32, #tpu.memory_space<vmem>>
        %dma_start3A_1107 = arith.constant 0 : i32
        %dma_start3A_1108 = tpu.memref_slice %arg2[%dma_start3A_1107, %multiple_of3A_1103] : memref<16x1000000xf32, #tpu.memory_space<hbm>> -> memref<16x128xf32, #tpu.memory_space<hbm>>
        %dma_start3A_1109 = arith.constant 0 : i32
        %dma_start3A_1110 = arith.constant 128 : i32
        %dma_start3A_1111 = tpu.memref_slice %arg8[%dma_start3A_1109, %dma_start3A_1110] : memref<16x1024xf32, #tpu.memory_space<vmem>> -> memref<16x128xf32, #tpu.memory_space<vmem>>
        %dma_start3A_1112 = arith.constant 0 : i32
        %dma_start3A_1113 = tpu.memref_slice %arg2[%dma_start3A_1112, %multiple_of3A_1103] : memref<16x1000000xf32, #tpu.memory_space<hbm>> -> memref<16x128xf32, #tpu.memory_space<hbm>>
        tpu.enqueue_dma source(%dma_start3A_1113 : memref<16x128xf32, #tpu.memory_space<hbm>>) target(%dma_start3A_1111 : memref<16x128xf32, #tpu.memory_space<vmem>>) target_semaphore(%arg13 : memref<!tpu.dma_semaphore, #tpu.memory_space<semaphore_mem>>)
        %slice3A_1114 = vector.extract_strided_slice %get3A_578 {offsets = [2], sizes = [1], strides = [1]} : vector<16xi32> to vector<1xi32>
        %squeeze3A_1115 = vector.extract %slice3A_1114[0] : i32 from vector<1xi32>
        %shift_right_arithmetic3A_1116 = arith.constant 7 : i32
        %shift_right_arithmetic3A_1117 = arith.shrsi %squeeze3A_1115, %shift_right_arithmetic3A_1116 : i32
        %shift_left3A_1118 = arith.constant 7 : i32
        %shift_left3A_1119 = arith.shli %shift_right_arithmetic3A_1117, %shift_left3A_1118 : i32
        %multiple_of3A_1120 = tpu.assume_multiple %shift_left3A_1119, 128 : i32
        %dma_start3A_1121 = arith.constant 0 : i32
        %dma_start3A_1122 = arith.constant 256 : i32
        %dma_start3A_1123 = tpu.memref_slice %arg8[%dma_start3A_1121, %dma_start3A_1122] : memref<16x1024xf32, #tpu.memory_space<vmem>> -> memref<16x128xf32, #tpu.memory_space<vmem>>
        %dma_start3A_1124 = arith.constant 0 : i32
        %dma_start3A_1125 = tpu.memref_slice %arg2[%dma_start3A_1124, %multiple_of3A_1120] : memref<16x1000000xf32, #tpu.memory_space<hbm>> -> memref<16x128xf32, #tpu.memory_space<hbm>>
        %dma_start3A_1126 = arith.constant 0 : i32
        %dma_start3A_1127 = arith.constant 256 : i32
        %dma_start3A_1128 = tpu.memref_slice %arg8[%dma_start3A_1126, %dma_start3A_1127] : memref<16x1024xf32, #tpu.memory_space<vmem>> -> memref<16x128xf32, #tpu.memory_space<vmem>>
        %dma_start3A_1129 = arith.constant 0 : i32
        %dma_start3A_1130 = tpu.memref_slice %arg2[%dma_start3A_1129, %multiple_of3A_1120] : memref<16x1000000xf32, #tpu.memory_space<hbm>> -> memref<16x128xf32, #tpu.memory_space<hbm>>
        tpu.enqueue_dma source(%dma_start3A_1130 : memref<16x128xf32, #tpu.memory_space<hbm>>) target(%dma_start3A_1128 : memref<16x128xf32, #tpu.memory_space<vmem>>) target_semaphore(%arg13 : memref<!tpu.dma_semaphore, #tpu.memory_space<semaphore_mem>>)
        %slice3A_1131 = vector.extract_strided_slice %get3A_578 {offsets = [3], sizes = [1], strides = [1]} : vector<16xi32> to vector<1xi32>
        %squeeze3A_1132 = vector.extract %slice3A_1131[0] : i32 from vector<1xi32>
        %shift_right_arithmetic3A_1133 = arith.constant 7 : i32
        %shift_right_arithmetic3A_1134 = arith.shrsi %squeeze3A_1132, %shift_right_arithmetic3A_1133 : i32
        %shift_left3A_1135 = arith.constant 7 : i32
        %shift_left3A_1136 = arith.shli %shift_right_arithmetic3A_1134, %shift_left3A_1135 : i32
        %multiple_of3A_1137 = tpu.assume_multiple %shift_left3A_1136, 128 : i32
        %dma_start3A_1138 = arith.constant 0 : i32
        %dma_start3A_1139 = arith.constant 384 : i32
        %dma_start3A_1140 = tpu.memref_slice %arg8[%dma_start3A_1138, %dma_start3A_1139] : memref<16x1024xf32, #tpu.memory_space<vmem>> -> memref<16x128xf32, #tpu.memory_space<vmem>>
        %dma_start3A_1141 = arith.constant 0 : i32
        %dma_start3A_1142 = tpu.memref_slice %arg2[%dma_start3A_1141, %multiple_of3A_1137] : memref<16x1000000xf32, #tpu.memory_space<hbm>> -> memref<16x128xf32, #tpu.memory_space<hbm>>
        %dma_start3A_1143 = arith.constant 0 : i32
        %dma_start3A_1144 = arith.constant 384 : i32
        %dma_start3A_1145 = tpu.memref_slice %arg8[%dma_start3A_1143, %dma_start3A_1144] : memref<16x1024xf32, #tpu.memory_space<vmem>> -> memref<16x128xf32, #tpu.memory_space<vmem>>
        %dma_start3A_1146 = arith.constant 0 : i32
        %dma_start3A_1147 = tpu.memref_slice %arg2[%dma_start3A_1146, %multiple_of3A_1137] : memref<16x1000000xf32, #tpu.memory_space<hbm>> -> memref<16x128xf32, #tpu.memory_space<hbm>>
        tpu.enqueue_dma source(%dma_start3A_1147 : memref<16x128xf32, #tpu.memory_space<hbm>>) target(%dma_start3A_1145 : memref<16x128xf32, #tpu.memory_space<vmem>>) target_semaphore(%arg13 : memref<!tpu.dma_semaphore, #tpu.memory_space<semaphore_mem>>)
        %slice3A_1148 = vector.extract_strided_slice %get3A_578 {offsets = [4], sizes = [1], strides = [1]} : vector<16xi32> to vector<1xi32>
        %squeeze3A_1149 = vector.extract %slice3A_1148[0] : i32 from vector<1xi32>
        %shift_right_arithmetic3A_1150 = arith.constant 7 : i32
        %shift_right_arithmetic3A_1151 = arith.shrsi %squeeze3A_1149, %shift_right_arithmetic3A_1150 : i32
        %shift_left3A_1152 = arith.constant 7 : i32
        %shift_left3A_1153 = arith.shli %shift_right_arithmetic3A_1151, %shift_left3A_1152 : i32
        %multiple_of3A_1154 = tpu.assume_multiple %shift_left3A_1153, 128 : i32
        %dma_start3A_1155 = arith.constant 0 : i32
        %dma_start3A_1156 = arith.constant 512 : i32
        %dma_start3A_1157 = tpu.memref_slice %arg8[%dma_start3A_1155, %dma_start3A_1156] : memref<16x1024xf32, #tpu.memory_space<vmem>> -> memref<16x128xf32, #tpu.memory_space<vmem>>
        %dma_start3A_1158 = arith.constant 0 : i32
        %dma_start3A_1159 = tpu.memref_slice %arg2[%dma_start3A_1158, %multiple_of3A_1154] : memref<16x1000000xf32, #tpu.memory_space<hbm>> -> memref<16x128xf32, #tpu.memory_space<hbm>>
        %dma_start3A_1160 = arith.constant 0 : i32
        %dma_start3A_1161 = arith.constant 512 : i32
        %dma_start3A_1162 = tpu.memref_slice %arg8[%dma_start3A_1160, %dma_start3A_1161] : memref<16x1024xf32, #tpu.memory_space<vmem>> -> memref<16x128xf32, #tpu.memory_space<vmem>>
        %dma_start3A_1163 = arith.constant 0 : i32
        %dma_start3A_1164 = tpu.memref_slice %arg2[%dma_start3A_1163, %multiple_of3A_1154] : memref<16x1000000xf32, #tpu.memory_space<hbm>> -> memref<16x128xf32, #tpu.memory_space<hbm>>
        tpu.enqueue_dma source(%dma_start3A_1164 : memref<16x128xf32, #tpu.memory_space<hbm>>) target(%dma_start3A_1162 : memref<16x128xf32, #tpu.memory_space<vmem>>) target_semaphore(%arg13 : memref<!tpu.dma_semaphore, #tpu.memory_space<semaphore_mem>>)
        %slice3A_1165 = vector.extract_strided_slice %get3A_578 {offsets = [5], sizes = [1], strides = [1]} : vector<16xi32> to vector<1xi32>
        %squeeze3A_1166 = vector.extract %slice3A_1165[0] : i32 from vector<1xi32>
        %shift_right_arithmetic3A_1167 = arith.constant 7 : i32
        %shift_right_arithmetic3A_1168 = arith.shrsi %squeeze3A_1166, %shift_right_arithmetic3A_1167 : i32
        %shift_left3A_1169 = arith.constant 7 : i32
        %shift_left3A_1170 = arith.shli %shift_right_arithmetic3A_1168, %shift_left3A_1169 : i32
        %multiple_of3A_1171 = tpu.assume_multiple %shift_left3A_1170, 128 : i32
        %dma_start3A_1172 = arith.constant 0 : i32
        %dma_start3A_1173 = arith.constant 640 : i32
        %dma_start3A_1174 = tpu.memref_slice %arg8[%dma_start3A_1172, %dma_start3A_1173] : memref<16x1024xf32, #tpu.memory_space<vmem>> -> memref<16x128xf32, #tpu.memory_space<vmem>>
        %dma_start3A_1175 = arith.constant 0 : i32
        %dma_start3A_1176 = tpu.memref_slice %arg2[%dma_start3A_1175, %multiple_of3A_1171] : memref<16x1000000xf32, #tpu.memory_space<hbm>> -> memref<16x128xf32, #tpu.memory_space<hbm>>
        %dma_start3A_1177 = arith.constant 0 : i32
        %dma_start3A_1178 = arith.constant 640 : i32
        %dma_start3A_1179 = tpu.memref_slice %arg8[%dma_start3A_1177, %dma_start3A_1178] : memref<16x1024xf32, #tpu.memory_space<vmem>> -> memref<16x128xf32, #tpu.memory_space<vmem>>
        %dma_start3A_1180 = arith.constant 0 : i32
        %dma_start3A_1181 = tpu.memref_slice %arg2[%dma_start3A_1180, %multiple_of3A_1171] : memref<16x1000000xf32, #tpu.memory_space<hbm>> -> memref<16x128xf32, #tpu.memory_space<hbm>>
        tpu.enqueue_dma source(%dma_start3A_1181 : memref<16x128xf32, #tpu.memory_space<hbm>>) target(%dma_start3A_1179 : memref<16x128xf32, #tpu.memory_space<vmem>>) target_semaphore(%arg13 : memref<!tpu.dma_semaphore, #tpu.memory_space<semaphore_mem>>)
        %slice3A_1182 = vector.extract_strided_slice %get3A_578 {offsets = [6], sizes = [1], strides = [1]} : vector<16xi32> to vector<1xi32>
        %squeeze3A_1183 = vector.extract %slice3A_1182[0] : i32 from vector<1xi32>
        %shift_right_arithmetic3A_1184 = arith.constant 7 : i32
        %shift_right_arithmetic3A_1185 = arith.shrsi %squeeze3A_1183, %shift_right_arithmetic3A_1184 : i32
        %shift_left3A_1186 = arith.constant 7 : i32
        %shift_left3A_1187 = arith.shli %shift_right_arithmetic3A_1185, %shift_left3A_1186 : i32
        %multiple_of3A_1188 = tpu.assume_multiple %shift_left3A_1187, 128 : i32
        %dma_start3A_1189 = arith.constant 0 : i32
        %dma_start3A_1190 = arith.constant 768 : i32
        %dma_start3A_1191 = tpu.memref_slice %arg8[%dma_start3A_1189, %dma_start3A_1190] : memref<16x1024xf32, #tpu.memory_space<vmem>> -> memref<16x128xf32, #tpu.memory_space<vmem>>
        %dma_start3A_1192 = arith.constant 0 : i32
        %dma_start3A_1193 = tpu.memref_slice %arg2[%dma_start3A_1192, %multiple_of3A_1188] : memref<16x1000000xf32, #tpu.memory_space<hbm>> -> memref<16x128xf32, #tpu.memory_space<hbm>>
        %dma_start3A_1194 = arith.constant 0 : i32
        %dma_start3A_1195 = arith.constant 768 : i32
        %dma_start3A_1196 = tpu.memref_slice %arg8[%dma_start3A_1194, %dma_start3A_1195] : memref<16x1024xf32, #tpu.memory_space<vmem>> -> memref<16x128xf32, #tpu.memory_space<vmem>>
        %dma_start3A_1197 = arith.constant 0 : i32
        %dma_start3A_1198 = tpu.memref_slice %arg2[%dma_start3A_1197, %multiple_of3A_1188] : memref<16x1000000xf32, #tpu.memory_space<hbm>> -> memref<16x128xf32, #tpu.memory_space<hbm>>
        tpu.enqueue_dma source(%dma_start3A_1198 : memref<16x128xf32, #tpu.memory_space<hbm>>) target(%dma_start3A_1196 : memref<16x128xf32, #tpu.memory_space<vmem>>) target_semaphore(%arg13 : memref<!tpu.dma_semaphore, #tpu.memory_space<semaphore_mem>>)
        %slice3A_1199 = vector.extract_strided_slice %get3A_578 {offsets = [7], sizes = [1], strides = [1]} : vector<16xi32> to vector<1xi32>
        %squeeze3A_1200 = vector.extract %slice3A_1199[0] : i32 from vector<1xi32>
        %shift_right_arithmetic3A_1201 = arith.constant 7 : i32
        %shift_right_arithmetic3A_1202 = arith.shrsi %squeeze3A_1200, %shift_right_arithmetic3A_1201 : i32
        %shift_left3A_1203 = arith.constant 7 : i32
        %shift_left3A_1204 = arith.shli %shift_right_arithmetic3A_1202, %shift_left3A_1203 : i32
        %multiple_of3A_1205 = tpu.assume_multiple %shift_left3A_1204, 128 : i32
        %dma_start3A_1206 = arith.constant 0 : i32
        %dma_start3A_1207 = arith.constant 896 : i32
        %dma_start3A_1208 = tpu.memref_slice %arg8[%dma_start3A_1206, %dma_start3A_1207] : memref<16x1024xf32, #tpu.memory_space<vmem>> -> memref<16x128xf32, #tpu.memory_space<vmem>>
        %dma_start3A_1209 = arith.constant 0 : i32
        %dma_start3A_1210 = tpu.memref_slice %arg2[%dma_start3A_1209, %multiple_of3A_1205] : memref<16x1000000xf32, #tpu.memory_space<hbm>> -> memref<16x128xf32, #tpu.memory_space<hbm>>
        %dma_start3A_1211 = arith.constant 0 : i32
        %dma_start3A_1212 = arith.constant 896 : i32
        %dma_start3A_1213 = tpu.memref_slice %arg8[%dma_start3A_1211, %dma_start3A_1212] : memref<16x1024xf32, #tpu.memory_space<vmem>> -> memref<16x128xf32, #tpu.memory_space<vmem>>
        %dma_start3A_1214 = arith.constant 0 : i32
        %dma_start3A_1215 = tpu.memref_slice %arg2[%dma_start3A_1214, %multiple_of3A_1205] : memref<16x1000000xf32, #tpu.memory_space<hbm>> -> memref<16x128xf32, #tpu.memory_space<hbm>>
        tpu.enqueue_dma source(%dma_start3A_1215 : memref<16x128xf32, #tpu.memory_space<hbm>>) target(%dma_start3A_1213 : memref<16x128xf32, #tpu.memory_space<vmem>>) target_semaphore(%arg13 : memref<!tpu.dma_semaphore, #tpu.memory_space<semaphore_mem>>)
      } else {
      }
      %mul3A_953 = arith.constant 4 : i32
      %mul3A_954 = arith.muli %add3A_552, %mul3A_953 : i32
      %add3A_955 = arith.constant 3 : i32
      %add3A_956 = arith.addi %mul3A_954, %add3A_955 : i32
      %dma_wait3A_957 = arith.constant 0 : i32
      %dma_wait3A_958 = arith.constant 0 : i32
      %dma_wait3A_959 = tpu.memref_slice %arg2[%dma_wait3A_957, %dma_wait3A_958] : memref<16x1000000xf32, #tpu.memory_space<hbm>> -> memref<16x1024xf32, #tpu.memory_space<hbm>>
      %dma_wait3A_960 = arith.constant 0 : i32
      %dma_wait3A_961 = arith.constant 0 : i32
      %dma_wait3A_962 = tpu.memref_slice %arg2[%dma_wait3A_960, %dma_wait3A_961] : memref<16x1000000xf32, #tpu.memory_space<hbm>> -> memref<16x1024xf32, #tpu.memory_space<hbm>>
      tpu.wait_dma2 semaphore(%arg14 : memref<!tpu.dma_semaphore, #tpu.memory_space<semaphore_mem>>) src(%dma_wait3A_962 : memref<16x1024xf32, #tpu.memory_space<hbm>>) dst(%arg9 : memref<16x1024xf32, #tpu.memory_space<vmem>>)
      %slice3A_963 = vector.extract_strided_slice %get3A_564 {offsets = [8], sizes = [1], strides = [1]} : vector<16xi32> to vector<1xi32>
      %squeeze3A_964 = vector.extract %slice3A_963[0] : i32 from vector<1xi32>
      %and3A_965 = arith.constant 127 : i32
      %and3A_966 = arith.andi %squeeze3A_964, %and3A_965 : i32
      %broadcast_in_dim3A_967 = vector.broadcast %and3A_966 : i32 to vector<16xi32>
      %add3A_968 = arith.constant 0 : i32
      %add3A_969 = vector.broadcast %add3A_968 : i32 to vector<16xi32>
      %add3A_970 = arith.addi %broadcast_in_dim3A_967, %add3A_969 : vector<16xi32>
      %gather3A_971 = tpu.vector_load_idx %arg9[%iota3A, %add3A_970] : memref<16x1024xf32, #tpu.memory_space<vmem>>[vector<16xi32>, vector<16xi32>], vector<16xf32>,
      %mul3A_972 = arith.constant 8 : i32
      %mul3A_973 = arith.muli %add3A_956, %mul3A_972 : i32
      %add3A_974 = arith.constant 0 : i32
      %add3A_975 = arith.addi %mul3A_973, %add3A_974 : i32
      %broadcast_in_dim3A_976 = vector.broadcast %add3A_975 : i32 to vector<16xi32>
      tpu.vector_store_idx %arg10[%iota3A, %broadcast_in_dim3A_976], %gather3A_971 : memref<16x512xf32, #tpu.memory_space<vmem>>[vector<16xi32>, vector<16xi32>], vector<16xf32>,
      %slice3A_977 = vector.extract_strided_slice %get3A_564 {offsets = [9], sizes = [1], strides = [1]} : vector<16xi32> to vector<1xi32>
      %squeeze3A_978 = vector.extract %slice3A_977[0] : i32 from vector<1xi32>
      %and3A_979 = arith.constant 127 : i32
      %and3A_980 = arith.andi %squeeze3A_978, %and3A_979 : i32
      %broadcast_in_dim3A_981 = vector.broadcast %and3A_980 : i32 to vector<16xi32>
      %add3A_982 = arith.constant 128 : i32
      %add3A_983 = vector.broadcast %add3A_982 : i32 to vector<16xi32>
      %add3A_984 = arith.addi %broadcast_in_dim3A_981, %add3A_983 : vector<16xi32>
      %gather3A_985 = tpu.vector_load_idx %arg9[%iota3A, %add3A_984] : memref<16x1024xf32, #tpu.memory_space<vmem>>[vector<16xi32>, vector<16xi32>], vector<16xf32>,
      %mul3A_986 = arith.constant 8 : i32
      %mul3A_987 = arith.muli %add3A_956, %mul3A_986 : i32
      %add3A_988 = arith.constant 1 : i32
      %add3A_989 = arith.addi %mul3A_987, %add3A_988 : i32
      %broadcast_in_dim3A_990 = vector.broadcast %add3A_989 : i32 to vector<16xi32>
      tpu.vector_store_idx %arg10[%iota3A, %broadcast_in_dim3A_990], %gather3A_985 : memref<16x512xf32, #tpu.memory_space<vmem>>[vector<16xi32>, vector<16xi32>], vector<16xf32>,
      %slice3A_991 = vector.extract_strided_slice %get3A_564 {offsets = [10], sizes = [1], strides = [1]} : vector<16xi32> to vector<1xi32>
      %squeeze3A_992 = vector.extract %slice3A_991[0] : i32 from vector<1xi32>
      %and3A_993 = arith.constant 127 : i32
      %and3A_994 = arith.andi %squeeze3A_992, %and3A_993 : i32
      %broadcast_in_dim3A_995 = vector.broadcast %and3A_994 : i32 to vector<16xi32>
      %add3A_996 = arith.constant 256 : i32
      %add3A_997 = vector.broadcast %add3A_996 : i32 to vector<16xi32>
      %add3A_998 = arith.addi %broadcast_in_dim3A_995, %add3A_997 : vector<16xi32>
      %gather3A_999 = tpu.vector_load_idx %arg9[%iota3A, %add3A_998] : memref<16x1024xf32, #tpu.memory_space<vmem>>[vector<16xi32>, vector<16xi32>], vector<16xf32>,
      %mul3A_1000 = arith.constant 8 : i32
      %mul3A_1001 = arith.muli %add3A_956, %mul3A_1000 : i32
      %add3A_1002 = arith.constant 2 : i32
      %add3A_1003 = arith.addi %mul3A_1001, %add3A_1002 : i32
      %broadcast_in_dim3A_1004 = vector.broadcast %add3A_1003 : i32 to vector<16xi32>
      tpu.vector_store_idx %arg10[%iota3A, %broadcast_in_dim3A_1004], %gather3A_999 : memref<16x512xf32, #tpu.memory_space<vmem>>[vector<16xi32>, vector<16xi32>], vector<16xf32>,
      %slice3A_1005 = vector.extract_strided_slice %get3A_564 {offsets = [11], sizes = [1], strides = [1]} : vector<16xi32> to vector<1xi32>
      %squeeze3A_1006 = vector.extract %slice3A_1005[0] : i32 from vector<1xi32>
      %and3A_1007 = arith.constant 127 : i32
      %and3A_1008 = arith.andi %squeeze3A_1006, %and3A_1007 : i32
      %broadcast_in_dim3A_1009 = vector.broadcast %and3A_1008 : i32 to vector<16xi32>
      %add3A_1010 = arith.constant 384 : i32
      %add3A_1011 = vector.broadcast %add3A_1010 : i32 to vector<16xi32>
      %add3A_1012 = arith.addi %broadcast_in_dim3A_1009, %add3A_1011 : vector<16xi32>
      %gather3A_1013 = tpu.vector_load_idx %arg9[%iota3A, %add3A_1012] : memref<16x1024xf32, #tpu.memory_space<vmem>>[vector<16xi32>, vector<16xi32>], vector<16xf32>,
      %mul3A_1014 = arith.constant 8 : i32
      %mul3A_1015 = arith.muli %add3A_956, %mul3A_1014 : i32
      %add3A_1016 = arith.constant 3 : i32
      %add3A_1017 = arith.addi %mul3A_1015, %add3A_1016 : i32
      %broadcast_in_dim3A_1018 = vector.broadcast %add3A_1017 : i32 to vector<16xi32>
      tpu.vector_store_idx %arg10[%iota3A, %broadcast_in_dim3A_1018], %gather3A_1013 : memref<16x512xf32, #tpu.memory_space<vmem>>[vector<16xi32>, vector<16xi32>], vector<16xf32>,
      %slice3A_1019 = vector.extract_strided_slice %get3A_564 {offsets = [12], sizes = [1], strides = [1]} : vector<16xi32> to vector<1xi32>
      %squeeze3A_1020 = vector.extract %slice3A_1019[0] : i32 from vector<1xi32>
      %and3A_1021 = arith.constant 127 : i32
      %and3A_1022 = arith.andi %squeeze3A_1020, %and3A_1021 : i32
      %broadcast_in_dim3A_1023 = vector.broadcast %and3A_1022 : i32 to vector<16xi32>
      %add3A_1024 = arith.constant 512 : i32
      %add3A_1025 = vector.broadcast %add3A_1024 : i32 to vector<16xi32>
      %add3A_1026 = arith.addi %broadcast_in_dim3A_1023, %add3A_1025 : vector<16xi32>
      %gather3A_1027 = tpu.vector_load_idx %arg9[%iota3A, %add3A_1026] : memref<16x1024xf32, #tpu.memory_space<vmem>>[vector<16xi32>, vector<16xi32>], vector<16xf32>,
      %mul3A_1028 = arith.constant 8 : i32
      %mul3A_1029 = arith.muli %add3A_956, %mul3A_1028 : i32
      %add3A_1030 = arith.constant 4 : i32
      %add3A_1031 = arith.addi %mul3A_1029, %add3A_1030 : i32
      %broadcast_in_dim3A_1032 = vector.broadcast %add3A_1031 : i32 to vector<16xi32>
      tpu.vector_store_idx %arg10[%iota3A, %broadcast_in_dim3A_1032], %gather3A_1027 : memref<16x512xf32, #tpu.memory_space<vmem>>[vector<16xi32>, vector<16xi32>], vector<16xf32>,
      %slice3A_1033 = vector.extract_strided_slice %get3A_564 {offsets = [13], sizes = [1], strides = [1]} : vector<16xi32> to vector<1xi32>
      %squeeze3A_1034 = vector.extract %slice3A_1033[0] : i32 from vector<1xi32>
      %and3A_1035 = arith.constant 127 : i32
      %and3A_1036 = arith.andi %squeeze3A_1034, %and3A_1035 : i32
      %broadcast_in_dim3A_1037 = vector.broadcast %and3A_1036 : i32 to vector<16xi32>
      %add3A_1038 = arith.constant 640 : i32
      %add3A_1039 = vector.broadcast %add3A_1038 : i32 to vector<16xi32>
      %add3A_1040 = arith.addi %broadcast_in_dim3A_1037, %add3A_1039 : vector<16xi32>
      %gather3A_1041 = tpu.vector_load_idx %arg9[%iota3A, %add3A_1040] : memref<16x1024xf32, #tpu.memory_space<vmem>>[vector<16xi32>, vector<16xi32>], vector<16xf32>,
      %mul3A_1042 = arith.constant 8 : i32
      %mul3A_1043 = arith.muli %add3A_956, %mul3A_1042 : i32
      %add3A_1044 = arith.constant 5 : i32
      %add3A_1045 = arith.addi %mul3A_1043, %add3A_1044 : i32
      %broadcast_in_dim3A_1046 = vector.broadcast %add3A_1045 : i32 to vector<16xi32>
      tpu.vector_store_idx %arg10[%iota3A, %broadcast_in_dim3A_1046], %gather3A_1041 : memref<16x512xf32, #tpu.memory_space<vmem>>[vector<16xi32>, vector<16xi32>], vector<16xf32>,
      %slice3A_1047 = vector.extract_strided_slice %get3A_564 {offsets = [14], sizes = [1], strides = [1]} : vector<16xi32> to vector<1xi32>
      %squeeze3A_1048 = vector.extract %slice3A_1047[0] : i32 from vector<1xi32>
      %and3A_1049 = arith.constant 127 : i32
      %and3A_1050 = arith.andi %squeeze3A_1048, %and3A_1049 : i32
      %broadcast_in_dim3A_1051 = vector.broadcast %and3A_1050 : i32 to vector<16xi32>
      %add3A_1052 = arith.constant 768 : i32
      %add3A_1053 = vector.broadcast %add3A_1052 : i32 to vector<16xi32>
      %add3A_1054 = arith.addi %broadcast_in_dim3A_1051, %add3A_1053 : vector<16xi32>
      %gather3A_1055 = tpu.vector_load_idx %arg9[%iota3A, %add3A_1054] : memref<16x1024xf32, #tpu.memory_space<vmem>>[vector<16xi32>, vector<16xi32>], vector<16xf32>,
      %mul3A_1056 = arith.constant 8 : i32
      %mul3A_1057 = arith.muli %add3A_956, %mul3A_1056 : i32
      %add3A_1058 = arith.constant 6 : i32
      %add3A_1059 = arith.addi %mul3A_1057, %add3A_1058 : i32
      %broadcast_in_dim3A_1060 = vector.broadcast %add3A_1059 : i32 to vector<16xi32>
      tpu.vector_store_idx %arg10[%iota3A, %broadcast_in_dim3A_1060], %gather3A_1055 : memref<16x512xf32, #tpu.memory_space<vmem>>[vector<16xi32>, vector<16xi32>], vector<16xf32>,
      %slice3A_1061 = vector.extract_strided_slice %get3A_564 {offsets = [15], sizes = [1], strides = [1]} : vector<16xi32> to vector<1xi32>
      %squeeze3A_1062 = vector.extract %slice3A_1061[0] : i32 from vector<1xi32>
      %and3A_1063 = arith.constant 127 : i32
      %and3A_1064 = arith.andi %squeeze3A_1062, %and3A_1063 : i32
      %broadcast_in_dim3A_1065 = vector.broadcast %and3A_1064 : i32 to vector<16xi32>
      %add3A_1066 = arith.constant 896 : i32
      %add3A_1067 = vector.broadcast %add3A_1066 : i32 to vector<16xi32>
      %add3A_1068 = arith.addi %broadcast_in_dim3A_1065, %add3A_1067 : vector<16xi32>
      %gather3A_1069 = tpu.vector_load_idx %arg9[%iota3A, %add3A_1068] : memref<16x1024xf32, #tpu.memory_space<vmem>>[vector<16xi32>, vector<16xi32>], vector<16xf32>,
      %mul3A_1070 = arith.constant 8 : i32
      %mul3A_1071 = arith.muli %add3A_956, %mul3A_1070 : i32
      %add3A_1072 = arith.constant 7 : i32
      %add3A_1073 = arith.addi %mul3A_1071, %add3A_1072 : i32
      %broadcast_in_dim3A_1074 = vector.broadcast %add3A_1073 : i32 to vector<16xi32>
      tpu.vector_store_idx %arg10[%iota3A, %broadcast_in_dim3A_1074], %gather3A_1069 : memref<16x512xf32, #tpu.memory_space<vmem>>[vector<16xi32>, vector<16xi32>], vector<16xf32>,
      %lt3A_1075 = arith.constant 15 : i32
      %lt3A_1076 = arith.cmpi slt, %add3A_552, %lt3A_1075 : i32
      %convert_element_type3A_1077 = arith.extui %lt3A_1076 : i1 to i32
      %cond3A_1078 = arith.constant 0 : i32
      %cond3A_1079 = arith.cmpi ne, %convert_element_type3A_1077, %cond3A_1078 : i32
      scf.if %cond3A_1079 {
        %slice3A_1080 = vector.extract_strided_slice %get3A_578 {offsets = [8], sizes = [1], strides = [1]} : vector<16xi32> to vector<1xi32>
        %squeeze3A_1081 = vector.extract %slice3A_1080[0] : i32 from vector<1xi32>
        %shift_right_arithmetic3A_1082 = arith.constant 7 : i32
        %shift_right_arithmetic3A_1083 = arith.shrsi %squeeze3A_1081, %shift_right_arithmetic3A_1082 : i32
        %shift_left3A_1084 = arith.constant 7 : i32
        %shift_left3A_1085 = arith.shli %shift_right_arithmetic3A_1083, %shift_left3A_1084 : i32
        %multiple_of3A_1086 = tpu.assume_multiple %shift_left3A_1085, 128 : i32
        %dma_start3A_1087 = arith.constant 0 : i32
        %dma_start3A_1088 = arith.constant 0 : i32
        %dma_start3A_1089 = tpu.memref_slice %arg9[%dma_start3A_1087, %dma_start3A_1088] : memref<16x1024xf32, #tpu.memory_space<vmem>> -> memref<16x128xf32, #tpu.memory_space<vmem>>
        %dma_start3A_1090 = arith.constant 0 : i32
        %dma_start3A_1091 = tpu.memref_slice %arg2[%dma_start3A_1090, %multiple_of3A_1086] : memref<16x1000000xf32, #tpu.memory_space<hbm>> -> memref<16x128xf32, #tpu.memory_space<hbm>>
        %dma_start3A_1092 = arith.constant 0 : i32
        %dma_start3A_1093 = arith.constant 0 : i32
        %dma_start3A_1094 = tpu.memref_slice %arg9[%dma_start3A_1092, %dma_start3A_1093] : memref<16x1024xf32, #tpu.memory_space<vmem>> -> memref<16x128xf32, #tpu.memory_space<vmem>>
        %dma_start3A_1095 = arith.constant 0 : i32
        %dma_start3A_1096 = tpu.memref_slice %arg2[%dma_start3A_1095, %multiple_of3A_1086] : memref<16x1000000xf32, #tpu.memory_space<hbm>> -> memref<16x128xf32, #tpu.memory_space<hbm>>
        tpu.enqueue_dma source(%dma_start3A_1096 : memref<16x128xf32, #tpu.memory_space<hbm>>) target(%dma_start3A_1094 : memref<16x128xf32, #tpu.memory_space<vmem>>) target_semaphore(%arg14 : memref<!tpu.dma_semaphore, #tpu.memory_space<semaphore_mem>>)
        %slice3A_1097 = vector.extract_strided_slice %get3A_578 {offsets = [9], sizes = [1], strides = [1]} : vector<16xi32> to vector<1xi32>
        %squeeze3A_1098 = vector.extract %slice3A_1097[0] : i32 from vector<1xi32>
        %shift_right_arithmetic3A_1099 = arith.constant 7 : i32
        %shift_right_arithmetic3A_1100 = arith.shrsi %squeeze3A_1098, %shift_right_arithmetic3A_1099 : i32
        %shift_left3A_1101 = arith.constant 7 : i32
        %shift_left3A_1102 = arith.shli %shift_right_arithmetic3A_1100, %shift_left3A_1101 : i32
        %multiple_of3A_1103 = tpu.assume_multiple %shift_left3A_1102, 128 : i32
        %dma_start3A_1104 = arith.constant 0 : i32
        %dma_start3A_1105 = arith.constant 128 : i32
        %dma_start3A_1106 = tpu.memref_slice %arg9[%dma_start3A_1104, %dma_start3A_1105] : memref<16x1024xf32, #tpu.memory_space<vmem>> -> memref<16x128xf32, #tpu.memory_space<vmem>>
        %dma_start3A_1107 = arith.constant 0 : i32
        %dma_start3A_1108 = tpu.memref_slice %arg2[%dma_start3A_1107, %multiple_of3A_1103] : memref<16x1000000xf32, #tpu.memory_space<hbm>> -> memref<16x128xf32, #tpu.memory_space<hbm>>
        %dma_start3A_1109 = arith.constant 0 : i32
        %dma_start3A_1110 = arith.constant 128 : i32
        %dma_start3A_1111 = tpu.memref_slice %arg9[%dma_start3A_1109, %dma_start3A_1110] : memref<16x1024xf32, #tpu.memory_space<vmem>> -> memref<16x128xf32, #tpu.memory_space<vmem>>
        %dma_start3A_1112 = arith.constant 0 : i32
        %dma_start3A_1113 = tpu.memref_slice %arg2[%dma_start3A_1112, %multiple_of3A_1103] : memref<16x1000000xf32, #tpu.memory_space<hbm>> -> memref<16x128xf32, #tpu.memory_space<hbm>>
        tpu.enqueue_dma source(%dma_start3A_1113 : memref<16x128xf32, #tpu.memory_space<hbm>>) target(%dma_start3A_1111 : memref<16x128xf32, #tpu.memory_space<vmem>>) target_semaphore(%arg14 : memref<!tpu.dma_semaphore, #tpu.memory_space<semaphore_mem>>)
        %slice3A_1114 = vector.extract_strided_slice %get3A_578 {offsets = [10], sizes = [1], strides = [1]} : vector<16xi32> to vector<1xi32>
        %squeeze3A_1115 = vector.extract %slice3A_1114[0] : i32 from vector<1xi32>
        %shift_right_arithmetic3A_1116 = arith.constant 7 : i32
        %shift_right_arithmetic3A_1117 = arith.shrsi %squeeze3A_1115, %shift_right_arithmetic3A_1116 : i32
        %shift_left3A_1118 = arith.constant 7 : i32
        %shift_left3A_1119 = arith.shli %shift_right_arithmetic3A_1117, %shift_left3A_1118 : i32
        %multiple_of3A_1120 = tpu.assume_multiple %shift_left3A_1119, 128 : i32
        %dma_start3A_1121 = arith.constant 0 : i32
        %dma_start3A_1122 = arith.constant 256 : i32
        %dma_start3A_1123 = tpu.memref_slice %arg9[%dma_start3A_1121, %dma_start3A_1122] : memref<16x1024xf32, #tpu.memory_space<vmem>> -> memref<16x128xf32, #tpu.memory_space<vmem>>
        %dma_start3A_1124 = arith.constant 0 : i32
        %dma_start3A_1125 = tpu.memref_slice %arg2[%dma_start3A_1124, %multiple_of3A_1120] : memref<16x1000000xf32, #tpu.memory_space<hbm>> -> memref<16x128xf32, #tpu.memory_space<hbm>>
        %dma_start3A_1126 = arith.constant 0 : i32
        %dma_start3A_1127 = arith.constant 256 : i32
        %dma_start3A_1128 = tpu.memref_slice %arg9[%dma_start3A_1126, %dma_start3A_1127] : memref<16x1024xf32, #tpu.memory_space<vmem>> -> memref<16x128xf32, #tpu.memory_space<vmem>>
        %dma_start3A_1129 = arith.constant 0 : i32
        %dma_start3A_1130 = tpu.memref_slice %arg2[%dma_start3A_1129, %multiple_of3A_1120] : memref<16x1000000xf32, #tpu.memory_space<hbm>> -> memref<16x128xf32, #tpu.memory_space<hbm>>
        tpu.enqueue_dma source(%dma_start3A_1130 : memref<16x128xf32, #tpu.memory_space<hbm>>) target(%dma_start3A_1128 : memref<16x128xf32, #tpu.memory_space<vmem>>) target_semaphore(%arg14 : memref<!tpu.dma_semaphore, #tpu.memory_space<semaphore_mem>>)
        %slice3A_1131 = vector.extract_strided_slice %get3A_578 {offsets = [11], sizes = [1], strides = [1]} : vector<16xi32> to vector<1xi32>
        %squeeze3A_1132 = vector.extract %slice3A_1131[0] : i32 from vector<1xi32>
        %shift_right_arithmetic3A_1133 = arith.constant 7 : i32
        %shift_right_arithmetic3A_1134 = arith.shrsi %squeeze3A_1132, %shift_right_arithmetic3A_1133 : i32
        %shift_left3A_1135 = arith.constant 7 : i32
        %shift_left3A_1136 = arith.shli %shift_right_arithmetic3A_1134, %shift_left3A_1135 : i32
        %multiple_of3A_1137 = tpu.assume_multiple %shift_left3A_1136, 128 : i32
        %dma_start3A_1138 = arith.constant 0 : i32
        %dma_start3A_1139 = arith.constant 384 : i32
        %dma_start3A_1140 = tpu.memref_slice %arg9[%dma_start3A_1138, %dma_start3A_1139] : memref<16x1024xf32, #tpu.memory_space<vmem>> -> memref<16x128xf32, #tpu.memory_space<vmem>>
        %dma_start3A_1141 = arith.constant 0 : i32
        %dma_start3A_1142 = tpu.memref_slice %arg2[%dma_start3A_1141, %multiple_of3A_1137] : memref<16x1000000xf32, #tpu.memory_space<hbm>> -> memref<16x128xf32, #tpu.memory_space<hbm>>
        %dma_start3A_1143 = arith.constant 0 : i32
        %dma_start3A_1144 = arith.constant 384 : i32
        %dma_start3A_1145 = tpu.memref_slice %arg9[%dma_start3A_1143, %dma_start3A_1144] : memref<16x1024xf32, #tpu.memory_space<vmem>> -> memref<16x128xf32, #tpu.memory_space<vmem>>
        %dma_start3A_1146 = arith.constant 0 : i32
        %dma_start3A_1147 = tpu.memref_slice %arg2[%dma_start3A_1146, %multiple_of3A_1137] : memref<16x1000000xf32, #tpu.memory_space<hbm>> -> memref<16x128xf32, #tpu.memory_space<hbm>>
        tpu.enqueue_dma source(%dma_start3A_1147 : memref<16x128xf32, #tpu.memory_space<hbm>>) target(%dma_start3A_1145 : memref<16x128xf32, #tpu.memory_space<vmem>>) target_semaphore(%arg14 : memref<!tpu.dma_semaphore, #tpu.memory_space<semaphore_mem>>)
        %slice3A_1148 = vector.extract_strided_slice %get3A_578 {offsets = [12], sizes = [1], strides = [1]} : vector<16xi32> to vector<1xi32>
        %squeeze3A_1149 = vector.extract %slice3A_1148[0] : i32 from vector<1xi32>
        %shift_right_arithmetic3A_1150 = arith.constant 7 : i32
        %shift_right_arithmetic3A_1151 = arith.shrsi %squeeze3A_1149, %shift_right_arithmetic3A_1150 : i32
        %shift_left3A_1152 = arith.constant 7 : i32
        %shift_left3A_1153 = arith.shli %shift_right_arithmetic3A_1151, %shift_left3A_1152 : i32
        %multiple_of3A_1154 = tpu.assume_multiple %shift_left3A_1153, 128 : i32
        %dma_start3A_1155 = arith.constant 0 : i32
        %dma_start3A_1156 = arith.constant 512 : i32
        %dma_start3A_1157 = tpu.memref_slice %arg9[%dma_start3A_1155, %dma_start3A_1156] : memref<16x1024xf32, #tpu.memory_space<vmem>> -> memref<16x128xf32, #tpu.memory_space<vmem>>
        %dma_start3A_1158 = arith.constant 0 : i32
        %dma_start3A_1159 = tpu.memref_slice %arg2[%dma_start3A_1158, %multiple_of3A_1154] : memref<16x1000000xf32, #tpu.memory_space<hbm>> -> memref<16x128xf32, #tpu.memory_space<hbm>>
        %dma_start3A_1160 = arith.constant 0 : i32
        %dma_start3A_1161 = arith.constant 512 : i32
        %dma_start3A_1162 = tpu.memref_slice %arg9[%dma_start3A_1160, %dma_start3A_1161] : memref<16x1024xf32, #tpu.memory_space<vmem>> -> memref<16x128xf32, #tpu.memory_space<vmem>>
        %dma_start3A_1163 = arith.constant 0 : i32
        %dma_start3A_1164 = tpu.memref_slice %arg2[%dma_start3A_1163, %multiple_of3A_1154] : memref<16x1000000xf32, #tpu.memory_space<hbm>> -> memref<16x128xf32, #tpu.memory_space<hbm>>
        tpu.enqueue_dma source(%dma_start3A_1164 : memref<16x128xf32, #tpu.memory_space<hbm>>) target(%dma_start3A_1162 : memref<16x128xf32, #tpu.memory_space<vmem>>) target_semaphore(%arg14 : memref<!tpu.dma_semaphore, #tpu.memory_space<semaphore_mem>>)
        %slice3A_1165 = vector.extract_strided_slice %get3A_578 {offsets = [13], sizes = [1], strides = [1]} : vector<16xi32> to vector<1xi32>
        %squeeze3A_1166 = vector.extract %slice3A_1165[0] : i32 from vector<1xi32>
        %shift_right_arithmetic3A_1167 = arith.constant 7 : i32
        %shift_right_arithmetic3A_1168 = arith.shrsi %squeeze3A_1166, %shift_right_arithmetic3A_1167 : i32
        %shift_left3A_1169 = arith.constant 7 : i32
        %shift_left3A_1170 = arith.shli %shift_right_arithmetic3A_1168, %shift_left3A_1169 : i32
        %multiple_of3A_1171 = tpu.assume_multiple %shift_left3A_1170, 128 : i32
        %dma_start3A_1172 = arith.constant 0 : i32
        %dma_start3A_1173 = arith.constant 640 : i32
        %dma_start3A_1174 = tpu.memref_slice %arg9[%dma_start3A_1172, %dma_start3A_1173] : memref<16x1024xf32, #tpu.memory_space<vmem>> -> memref<16x128xf32, #tpu.memory_space<vmem>>
        %dma_start3A_1175 = arith.constant 0 : i32
        %dma_start3A_1176 = tpu.memref_slice %arg2[%dma_start3A_1175, %multiple_of3A_1171] : memref<16x1000000xf32, #tpu.memory_space<hbm>> -> memref<16x128xf32, #tpu.memory_space<hbm>>
        %dma_start3A_1177 = arith.constant 0 : i32
        %dma_start3A_1178 = arith.constant 640 : i32
        %dma_start3A_1179 = tpu.memref_slice %arg9[%dma_start3A_1177, %dma_start3A_1178] : memref<16x1024xf32, #tpu.memory_space<vmem>> -> memref<16x128xf32, #tpu.memory_space<vmem>>
        %dma_start3A_1180 = arith.constant 0 : i32
        %dma_start3A_1181 = tpu.memref_slice %arg2[%dma_start3A_1180, %multiple_of3A_1171] : memref<16x1000000xf32, #tpu.memory_space<hbm>> -> memref<16x128xf32, #tpu.memory_space<hbm>>
        tpu.enqueue_dma source(%dma_start3A_1181 : memref<16x128xf32, #tpu.memory_space<hbm>>) target(%dma_start3A_1179 : memref<16x128xf32, #tpu.memory_space<vmem>>) target_semaphore(%arg14 : memref<!tpu.dma_semaphore, #tpu.memory_space<semaphore_mem>>)
        %slice3A_1182 = vector.extract_strided_slice %get3A_578 {offsets = [14], sizes = [1], strides = [1]} : vector<16xi32> to vector<1xi32>
        %squeeze3A_1183 = vector.extract %slice3A_1182[0] : i32 from vector<1xi32>
        %shift_right_arithmetic3A_1184 = arith.constant 7 : i32
        %shift_right_arithmetic3A_1185 = arith.shrsi %squeeze3A_1183, %shift_right_arithmetic3A_1184 : i32
        %shift_left3A_1186 = arith.constant 7 : i32
        %shift_left3A_1187 = arith.shli %shift_right_arithmetic3A_1185, %shift_left3A_1186 : i32
        %multiple_of3A_1188 = tpu.assume_multiple %shift_left3A_1187, 128 : i32
        %dma_start3A_1189 = arith.constant 0 : i32
        %dma_start3A_1190 = arith.constant 768 : i32
        %dma_start3A_1191 = tpu.memref_slice %arg9[%dma_start3A_1189, %dma_start3A_1190] : memref<16x1024xf32, #tpu.memory_space<vmem>> -> memref<16x128xf32, #tpu.memory_space<vmem>>
        %dma_start3A_1192 = arith.constant 0 : i32
        %dma_start3A_1193 = tpu.memref_slice %arg2[%dma_start3A_1192, %multiple_of3A_1188] : memref<16x1000000xf32, #tpu.memory_space<hbm>> -> memref<16x128xf32, #tpu.memory_space<hbm>>
        %dma_start3A_1194 = arith.constant 0 : i32
        %dma_start3A_1195 = arith.constant 768 : i32
        %dma_start3A_1196 = tpu.memref_slice %arg9[%dma_start3A_1194, %dma_start3A_1195] : memref<16x1024xf32, #tpu.memory_space<vmem>> -> memref<16x128xf32, #tpu.memory_space<vmem>>
        %dma_start3A_1197 = arith.constant 0 : i32
        %dma_start3A_1198 = tpu.memref_slice %arg2[%dma_start3A_1197, %multiple_of3A_1188] : memref<16x1000000xf32, #tpu.memory_space<hbm>> -> memref<16x128xf32, #tpu.memory_space<hbm>>
        tpu.enqueue_dma source(%dma_start3A_1198 : memref<16x128xf32, #tpu.memory_space<hbm>>) target(%dma_start3A_1196 : memref<16x128xf32, #tpu.memory_space<vmem>>) target_semaphore(%arg14 : memref<!tpu.dma_semaphore, #tpu.memory_space<semaphore_mem>>)
        %slice3A_1199 = vector.extract_strided_slice %get3A_578 {offsets = [15], sizes = [1], strides = [1]} : vector<16xi32> to vector<1xi32>
        %squeeze3A_1200 = vector.extract %slice3A_1199[0] : i32 from vector<1xi32>
        %shift_right_arithmetic3A_1201 = arith.constant 7 : i32
        %shift_right_arithmetic3A_1202 = arith.shrsi %squeeze3A_1200, %shift_right_arithmetic3A_1201 : i32
        %shift_left3A_1203 = arith.constant 7 : i32
        %shift_left3A_1204 = arith.shli %shift_right_arithmetic3A_1202, %shift_left3A_1203 : i32
        %multiple_of3A_1205 = tpu.assume_multiple %shift_left3A_1204, 128 : i32
        %dma_start3A_1206 = arith.constant 0 : i32
        %dma_start3A_1207 = arith.constant 896 : i32
        %dma_start3A_1208 = tpu.memref_slice %arg9[%dma_start3A_1206, %dma_start3A_1207] : memref<16x1024xf32, #tpu.memory_space<vmem>> -> memref<16x128xf32, #tpu.memory_space<vmem>>
        %dma_start3A_1209 = arith.constant 0 : i32
        %dma_start3A_1210 = tpu.memref_slice %arg2[%dma_start3A_1209, %multiple_of3A_1205] : memref<16x1000000xf32, #tpu.memory_space<hbm>> -> memref<16x128xf32, #tpu.memory_space<hbm>>
        %dma_start3A_1211 = arith.constant 0 : i32
        %dma_start3A_1212 = arith.constant 896 : i32
        %dma_start3A_1213 = tpu.memref_slice %arg9[%dma_start3A_1211, %dma_start3A_1212] : memref<16x1024xf32, #tpu.memory_space<vmem>> -> memref<16x128xf32, #tpu.memory_space<vmem>>
        %dma_start3A_1214 = arith.constant 0 : i32
        %dma_start3A_1215 = tpu.memref_slice %arg2[%dma_start3A_1214, %multiple_of3A_1205] : memref<16x1000000xf32, #tpu.memory_space<hbm>> -> memref<16x128xf32, #tpu.memory_space<hbm>>
        tpu.enqueue_dma source(%dma_start3A_1215 : memref<16x128xf32, #tpu.memory_space<hbm>>) target(%dma_start3A_1213 : memref<16x128xf32, #tpu.memory_space<vmem>>) target_semaphore(%arg14 : memref<!tpu.dma_semaphore, #tpu.memory_space<semaphore_mem>>)
      } else {
      }
    }
    %scan3A_547 = arith.constant 16 : i32
    "tpu.region"() ({
      %run_scoped3A = tpu.sem_alloc : memref<!tpu.dma_semaphore, #tpu.memory_space<semaphore_mem>>
      %dma_start3A_548 = arith.constant 0 : i32
      %dma_start3A_549 = tpu.memref_slice %arg4[%dma_start3A_548, %mul3A_2] : memref<16x16384xf32, #tpu.memory_space<hbm>> -> memref<16x512xf32, #tpu.memory_space<hbm>>
      %dma_start3A_550 = arith.constant 0 : i32
      %dma_start3A_551 = tpu.memref_slice %arg4[%dma_start3A_550, %mul3A_2] : memref<16x16384xf32, #tpu.memory_space<hbm>> -> memref<16x512xf32, #tpu.memory_space<hbm>>
      tpu.enqueue_dma source(%arg10 : memref<16x512xf32, #tpu.memory_space<vmem>>) target(%dma_start3A_551 : memref<16x512xf32, #tpu.memory_space<hbm>>) target_semaphore(%run_scoped3A : memref<!tpu.dma_semaphore, #tpu.memory_space<semaphore_mem>>)
      %dma_wait3A = arith.constant 0 : i32
      %dma_wait3A_552 = tpu.memref_slice %arg4[%dma_wait3A, %mul3A_2] : memref<16x16384xf32, #tpu.memory_space<hbm>> -> memref<16x512xf32, #tpu.memory_space<hbm>>
      %dma_wait3A_553 = arith.constant 0 : i32
      %dma_wait3A_554 = tpu.memref_slice %arg4[%dma_wait3A_553, %mul3A_2] : memref<16x16384xf32, #tpu.memory_space<hbm>> -> memref<16x512xf32, #tpu.memory_space<hbm>>
      tpu.wait_dma2 semaphore(%run_scoped3A : memref<!tpu.dma_semaphore, #tpu.memory_space<semaphore_mem>>) src(%arg10 : memref<16x512xf32, #tpu.memory_space<vmem>>) dst(%dma_wait3A_554 : memref<16x512xf32, #tpu.memory_space<hbm>>)
      tpu.yield
    }) : () -> ()
    return
  }
}

</mosaic_0001>

<sc_bundles>
// kernel: kernel.3.cloned.1.call-start
scs
__scs_entry_jumppad:
0x0: {  	(pc) =	sbr.rel $0x88, $3  }
0x1: {  	(tag) =	ssettag $0x0;
	lr =	simm.s32 $0x1  }
0x2: {  	[smem:$0x3F9F] =	sst lr;
	_ =	strace $0xD0000000  }
0x3: {  	_ = 	snop  }
0x4: {  	_ = 	snop  }
0x5: {  	_ = 	snop  }
0x6: {  	_ = 	snop  }
0x7: {  	_ = 	snop  }
__scs_overlays_trampoline_lowered:
0x8: {  	[smem:$0x3FAE] =	sst s0  }
0x9: {  	[smem:$0x3FAF] =	sst s1  }
0xa: {  	[smem:$0x3FB0] =	sst s2  }
0xb: {  	[smem:$0x3FB1] =	sst s3  }
0xc: {  	[smem:$0x3FB2] =	sst s4  }
0xd: {  	[smem:$0x3FB3] =	sst s5  }
0xe: {  	[smem:$0x3FB4] =	sst s6  }
0xf: {  	[smem:$0x3FB5] =	sst s7  }
0x10: {  	[smem:$0x3FB6] =	sst s8  }
0x11: {  	[smem:$0x3FB7] =	sst s9;
	s0 =	simm.s32 @!p0 $0x0  }
0x12: {  	s1 =	sld [smem:$0x3F9D];
	s0 =	simm.s32 @p0 $0x1  }
0x13: {  	[smem:$0x3FB8] =	sst s0;
	s0 =	simm.s32 @!p1 $0x0  }
0x14: {  	s2 =	sld [smem:$0x3F9C];
	s0 =	simm.s32 @p1 $0x1  }
0x15: {  	[smem:$0x3FB9] =	sst s0;
	s0 =	simm.s32 @!p2 $0x0  }
0x16: {  	s3 =	sld [smem:$0x3FDB];
	s0 =	simm.s32 @p2 $0x1  }
0x17: {  	s4 =	simm.s32 $0x1BF5;
	[smem:$0x3FBB] =	sst s0  }
0x18: {  	s0 =	sld [smem:$0x3F9E];
	_ =	swait.ge [sflag:s4], $0x0  }
0x19: {  	s7 =	sld [smem:$0x3F9F]  }
0x1a: {  	s8 =	sadd.s32 $0xFFFFE003, lr  }
0x1b: {  	s9 =	sadd.s32 $0xFFFFFEF7, lr;
	s5 =	simm.s32 $0xFFFFFFFF;
	p2 =	slt.u32 s8, $0xFFFFF086  }
0x1c: {  	p1 =	slt.u32 s9, $0xF7A;
	s5 =	simm.s32 @!p2 $0x0  }
0x1d: {  	s5 =	simm.s32 @p1 $0x1;
	p0 =	seq.s32 s7, s2  }
0x1e: {  	s7 =	smul.u32 @!p0 $0xF7A, s2;
	p2 =	seq.s32 @!p0 s5, $0x0  }
0x1f: {  	s9 =	smul.u32 $0xF7A, s1;
	s8 =	simm.s32 @!p0 $0x1BF5;
	p2 =	por !p2, p0  }
0x20: {  	[sflag:s8] =	ssyncset.s32 @!p0 $0xFFFFF086;
	s6 =	sadd.s32 @!p0 s3, s7;
	s7 =	simm.s32 @!p0 $0x108  }
0x21: {  	s3 =	sadd.s32 s3, s9;
	s6 =	sadd.s32 @!p0 $0x88, s6;
	s7 =	simm.s32 @p2 $0x1082  }
0x22: {  	[simem:s7], [sflag:s8] =	dma.local @!p0 [hbm:s6], $0xF7A  }
0x23: {  	s9 =	sor.u32 $0xD0000000, s2;
	s6 =	simm.s32 $0x108;
	_ =	swait.ge @!p0 [sflag:s8], $0x0  }
0x24: {  	s3 =	sadd.s32 $0x88, s3;
	s6 =	simm.s32 @!p1 $0x1082;
	[sflag:s4] =	ssyncset.s32 $0xFFFFF086  }
0x25: {  	[simem:s6], [sflag:s4] =	dma.local [hbm:s3], $0xF7A  }
0x26: {  	[smem:$0x3F9F] =	sst s1;
	(tag) =	ssettag s2;
	_ =	strace s9  }
0x27: {  	s1 =	sld [smem:$0x3FAF]  }
0x28: {  	s2 =	sld [smem:$0x3FB0]  }
0x29: {  	s4 =	sld [smem:$0x3FB2]  }
0x2a: {  	p0 =	seq.s32 s5, $0x0;
	s5 =	sld [smem:$0x3FB3]  }
0x2b: {  	s6 =	sld [smem:$0x3FB4]  }
0x2c: {  	s7 =	sld [smem:$0x3FB5]  }
0x2d: {  	s3 =	simm.s32 $0x108;
	s8 =	sld [smem:$0x3FB6]  }
0x2e: {  	s3 =	simm.s32 @!p0 $0x1082;
	s9 =	sld [smem:$0x3FB7]  }
0x2f: {  	lr =	sadd.s32 s0, s3;
	s0 =	sld [smem:$0x3FAE]  }
0x30: {  	s3 =	sld [smem:$0x3FB1]  }
0x31: {  	[smem:$0x3FBA] =	sst s10  }
0x32: {  	s10 =	sld [smem:$0x3FB8];
	_ =	sdelay $0x3  }
0x33: {  	p0 =	seq.s32 s10, $0x1;
	s10 =	sld [smem:$0x3FBA];
	_ =	sdelay $0x3  }
0x34: {  	[smem:$0x3FBA] =	sst s10  }
0x35: {  	s10 =	sld [smem:$0x3FB9];
	_ =	sdelay $0x3  }
0x36: {  	p1 =	seq.s32 s10, $0x1;
	s10 =	sld [smem:$0x3FBA];
	_ =	sdelay $0x3  }
0x37: {  	[smem:$0x3FBA] =	sst s10  }
0x38: {  	s10 =	sld [smem:$0x3FBB]  }
0x39: {  	_ = 	snop;
	(pc) =	sbr.ind lr, $3  }
0x3a: {  	_ = 	snop  }
0x3b: {  	_ = 	snop  }
0x3c: {  	p2 =	seq.s32 s10, $0x1;
	s10 =	sld [smem:$0x3FBA]  }
0x3d: {  	_ =	shalt  }
0x3e: {  	_ =	shalt  }
0x3f: {  	_ =	shalt  }
0x40: {  	_ =	shalt  }
0x41: {  	_ =	shalt  }
0x42: {  	_ =	shalt  }
0x43: {  	_ =	shalt  }
0x44: {  	_ =	shalt  }
0x45: {  	_ =	shalt  }
0x46: {  	_ =	shalt  }
0x47: {  	_ =	shalt  }
0x48: {  	_ =	shalt  }
0x49: {  	_ =	shalt  }
0x4a: {  	_ =	shalt  }
0x4b: {  	_ =	shalt  }
0x4c: {  	_ =	shalt  }
0x4d: {  	_ =	shalt  }
0x4e: {  	_ =	shalt  }
0x4f: {  	_ =	shalt  }
0x50: {  	_ =	shalt  }
0x51: {  	_ =	shalt  }
0x52: {  	_ =	shalt  }
0x53: {  	_ =	shalt  }
0x54: {  	_ =	shalt  }
0x55: {  	_ =	shalt  }
0x56: {  	_ =	shalt  }
0x57: {  	_ =	shalt  }
0x58: {  	_ =	shalt  }
0x59: {  	_ =	shalt  }
0x5a: {  	_ =	shalt  }
0x5b: {  	_ =	shalt  }
0x5c: {  	_ =	shalt  }
0x5d: {  	_ =	shalt  }
0x5e: {  	_ =	shalt  }
0x5f: {  	_ =	shalt  }
0x60: {  	_ =	shalt  }
0x61: {  	_ =	shalt  }
0x62: {  	_ =	shalt  }
0x63: {  	_ =	shalt  }
0x64: {  	_ =	shalt  }
0x65: {  	_ =	shalt  }
0x66: {  	_ =	shalt  }
0x67: {  	_ =	shalt  }
0x68: {  	_ =	shalt  }
0x69: {  	_ =	shalt  }
0x6a: {  	_ =	shalt  }
0x6b: {  	_ =	shalt  }
0x6c: {  	_ =	shalt  }
0x6d: {  	_ =	shalt  }
0x6e: {  	_ =	shalt  }
0x6f: {  	_ =	shalt  }
0x70: {  	_ =	shalt  }
0x71: {  	_ =	shalt  }
0x72: {  	_ =	shalt  }
0x73: {  	_ =	shalt  }
0x74: {  	_ =	shalt  }
0x75: {  	_ =	shalt  }
0x76: {  	_ =	shalt  }
0x77: {  	_ =	shalt  }
0x78: {  	_ =	shalt  }
0x79: {  	_ =	shalt  }
0x7a: {  	_ =	shalt  }
0x7b: {  	_ =	shalt  }
0x7c: {  	_ =	shalt  }
0x7d: {  	_ =	shalt  }
0x7e: {  	_ =	shalt  }
0x7f: {  	_ =	shalt  }
0x80: {  	_ =	shalt  }
0x81: {  	_ =	shalt  }
0x82: {  	_ =	shalt  }
0x83: {  	_ =	shalt  }
0x84: {  	_ =	shalt  }
0x85: {  	_ =	shalt  }
0x86: {  	_ =	shalt  }
0x87: {  	_ =	shalt  }
.Lfunc_end0:
.L_simem_size_0:
called_computation_lowered:
.L_overlay_start_0:
0x88: {  	s2 =	sld [smem:$0x3FD9]  }
0x89: {  	s3 =	sld [smem:$0x3FFE];
	_ =	sdelay $0x1  }
0x8a: {  	s1 =	srdreg.scid  }
0x8b: {  	s0 =	sand.u32 $0x1, s1  }
0x8c: {  	s18 =	sshll.u32 s0, $0xA;
	s2 =	sadd.s32 s3, s2  }
0x8d: {  	s2 =	sadd.s32 s2, s18  }
0x8e: {  	[smem:$0x3FC6] =	sst s2  }
0x8f: {  	_ = 	snop  }
0x90: {  	s2 =	sld [smem:$0x3FC9]  }
0x91: {  	s19 =	sld [smem:$0x3FC8]  }
0x92: {  	s4 =	sld [smem:$0x3FD0];
	(tm) =	ssettm $0x1  }
0x93: {  	s5 =	sld [smem:$0x3FFB];
	_ =	sdelay $0x3  }
0x94: {  	_ =	strace s5  }
0x95: {  	s5 =	sld [smem:$0x3FFC];
	_ =	sdelay $0x3  }
0x96: {  	_ =	strace s5  }
0x97: {  	s5 =	sld [smem:$0x3FFD];
	_ =	sdelay $0x3  }
0x98: {  	_ =	strace s5  }
0x99: {  	_ =	strace $0x8FFFFFFF  }
0x9a: {  	s20 =	sld [smem:$0x3FDB];
	_ =	sdelay $0x1  }
0x9b: {  	s6 =	simm.s32 $_scs_section_size  }
0x9c: {  	s7 =	simm.s32 $_size__tile_overlayer_lowered;
	s8 =	simm.s32 $_tile_overlayer_lowered  }
0x9d: {  	s23 =	simm.s32 $0x1BFF;
	s22 =	sshll.u32 s8, $0x1;
	s5 =	sadd.s32 s6, s20  }
0x9e: {  	s9 =	simm.s32 $0x0;
	s21 =	sshll.u32 s7, $0x1;
	s7 =	sadd.s32 s22, s5  }
0x9f: {  	[timem:s9], [sflag:s23] =	dma.local [hbm:s7], s21  }
0xa0: {  	_ =	swait.ge [sflag:s23], s21  }
0xa1: {  	s6 =	ssub.s32 $0x0, s21;
	[sflag:s23] =	ssyncset.done $0x0  }
0xa2: {  	[sflag:s23] =	ssyncadd.s32 s6;
	_ =	sdelay $0x1  }
0xa3: {  	s24 =	simm.s32 $0x1B8B  }
0xa4: {  	_ =	swait.ge [sflag:s24], $0x1  }
0xa5: {  	[sflag:s24] =	ssyncset.done $0x0  }
0xa6: {  	s25 =	simm.s32 $0x1B8E;
	[sflag:s24] =	ssyncadd.s32 $0xFFFFFFFF  }
0xa7: {  	s26 =	simm.s32 $execute0_lowered;
	[smem:$0x3FD2] =	sst s25  }
0xa8: {  	s6 =	sshll.u32 s26, $0x1;
	_ =	strace $0x80000046;
	[dreg:$0x1] =	wrdreg $0xFFFFFFFF  }
0xa9: {  	s28 =	simm.s32 $_size_execute0_lowered;
	s5 =	sadd.s32 s5, s6;
	[dreg:$0x0] =	wrdreg $0x0  }
0xaa: {  	s6 =	sshll.u32 s28, $0x1;
	[dreg:$0x2] =	wrdreg s5  }
0xab: {  	[dreg:$0x3] =	wrdreg s6  }
0xac: {  	[dreg:$0x4] =	wrdreg $0xC0  }
0xad: {  	_ =	task [dreg:s9], $0x5FFFF  }
0xae: {  	[dreg:$0x1] =	wrdreg $0xFFFFFFFF  }
0xaf: {  	[dreg:$0x0] =	wrdreg $0x60  }
0xb0: {  	[dreg:$0x2] =	wrdreg s19  }
0xb1: {  	[dreg:$0x3] =	wrdreg s2  }
0xb2: {  	[dreg:$0x4] =	wrdreg s4  }
0xb3: {  	[dreg:$0x5] =	wrdreg $0x9  }
0xb4: {  	_ =	task.clear_ibuf [dreg:s9], $0x6FFFF;
	_ =	strace $0x90000046  }
0xb5: {  	s29 =	simm.s32 $0x9;
	_ =	strace $0x80000048  }
0xb6: {  	_ =	swait.ge [sflag:s29], $0x1  }
0xb7: {  	[sflag:s29] =	ssyncadd.s32 $0xFFFFFFFF  }
0xb8: {  	_ =	strace $0x90000048  }
0xb9: {  	_ =	sfence  }
0xba: {  	s30 =	sld [smem:$0x0];
	_ =	sdelay $0x2  }
0xbb: {  	s31 =	sshll.u32 s1, $0xD;
	s1 =	sshrl.u32 s1, $0x2  }
0xbc: {  	s3 =	sand.u32 $0x4000, s31;
	s1 =	sadd.s32 s1, s30  }
0xbd: {  	s0 =	sor.u32 s3, s0;
	s1 =	sshll.u32 s1, $0x11  }
0xbe: {  	s0 =	sor.u32 s1, s0  }
0xbf: {  	s0 =	sadd.s32 $0x8F2B, s0  }
0xc0: {  	[sflag:s0] =	ssyncadd.remote.s32 $0x1  }
0xc1: {  	_ =	sfence.sel $0xFFFF  }
0xc2: {  	[dreg:$0x0] =	wrdreg $0xFFFFFFFF;
	(pc) =	sbr.abs _section_cstart, $3  }
0xc3: {  	[dreg:$0x1] =	wrdreg $0xFFFFFFFF  }
0xc4: {  	_ =	task.clear_ibuf [dreg:s9], $0x2FFFF;
	_ =	strace $0x9FFFFFFF  }
0xc5: {  	(tm) =	ssettm $0x7FFFFFFF  }
tec
execute0_lowered:
.L_overlay_start_1:
0x0: {  	(tag) =	ssettag $0x1  }
0x1: {  	v0 =	vimm.s32 $0x2380;
	vm14 =	vcmask $0x300;
	vm13 =	vcmask $0x704  }
0x2: {  	vm12 =	vcmask $0xB08;
	vm11 =	vcmask $0xF0C;
	vm10 =	vcmask $0x1310  }
0x3: {  	vm9 =	vcmask $0x1714;
	vm8 =	vcmask $0x1B18;
	vm0 =	vcmask $0x1F1C  }
0x4: {  	v1 =	vimm.s32 $0x1380;
	v2 =	vimm.s32 $0x2780;
	vm1 =	vcmask $0x2320  }
0x5: {  	vm2 =	vcmask $0x2724;
	vm3 =	vcmask $0x2B28;
	vm4 =	vcmask $0x2F2C  }
0x6: {  	vm5 =	vcmask $0x3330;
	vm6 =	vcmask $0x3734;
	vm7 =	vcmask $0x3B38  }
0x7: {  	v3 =	vimm.s32 $0x2B80;
	v4 =	vimm.s32 $0x2F80;
	v5 =	vimm.s32 $0x3380  }
0x8: {  	v6 =	vimm.s32 $0x3780;
	v7 =	vimm.s32 $0x3B80;
	v8 =	vimm.s32 $0x3F80  }
0x9: {  	v0 =	vsel vm14, $0x0, v0;
	v1 =	vsel vm14, $0x0, v1;
	v2 =	vsel vm14, $0x400, v2  }
0xa: {  	v3 =	vsel vm14, $0x800, v3;
	v4 =	vsel vm14, $0xC00, v4;
	v5 =	vsel vm14, $0x1000, v5  }
0xb: {  	v6 =	vsel vm14, $0x1400, v6;
	v7 =	vsel vm14, $0x1800, v7;
	v8 =	vsel vm14, $0x1C00, v8  }
0xc: {  	v0 =	vsel vm13, $0x80, v0;
	v1 =	vsel vm13, $0x80, v1;
	v2 =	vsel vm13, $0x480, v2  }
0xd: {  	v3 =	vsel vm13, $0x880, v3;
	v4 =	vsel vm13, $0xC80, v4;
	v5 =	vsel vm13, $0x1080, v5  }
0xe: {  	v6 =	vsel vm13, $0x1480, v6;
	v7 =	vsel vm13, $0x1880, v7;
	v8 =	vsel vm13, $0x1C80, v8  }
0xf: {  	v0 =	vsel vm12, $0x100, v0;
	v1 =	vsel vm12, $0x100, v1;
	v2 =	vsel vm12, $0x500, v2  }
0x10: {  	v3 =	vsel vm12, $0x900, v3;
	v4 =	vsel vm12, $0xD00, v4;
	v5 =	vsel vm12, $0x1100, v5  }
0x11: {  	v6 =	vsel vm12, $0x1500, v6;
	v7 =	vsel vm12, $0x1900, v7;
	v8 =	vsel vm12, $0x1D00, v8  }
0x12: {  	v0 =	vsel vm11, $0x180, v0;
	v1 =	vsel vm11, $0x180, v1;
	v2 =	vsel vm11, $0x580, v2  }
0x13: {  	v3 =	vsel vm11, $0x980, v3;
	v4 =	vsel vm11, $0xD80, v4;
	v5 =	vsel vm11, $0x1180, v5  }
0x14: {  	v6 =	vsel vm11, $0x1580, v6;
	v7 =	vsel vm11, $0x1980, v7;
	v8 =	vsel vm11, $0x1D80, v8  }
0x15: {  	v0 =	vsel vm10, $0x200, v0;
	v1 =	vsel vm10, $0x200, v1;
	v2 =	vsel vm10, $0x600, v2  }
0x16: {  	v3 =	vsel vm10, $0xA00, v3;
	v4 =	vsel vm10, $0xE00, v4;
	v5 =	vsel vm10, $0x1200, v5  }
0x17: {  	v6 =	vsel vm10, $0x1600, v6;
	v7 =	vsel vm10, $0x1A00, v7;
	v8 =	vsel vm10, $0x1E00, v8  }
0x18: {  	v0 =	vsel vm9, $0x280, v0;
	v1 =	vsel vm9, $0x280, v1;
	v2 =	vsel vm9, $0x680, v2  }
0x19: {  	v3 =	vsel vm9, $0xA80, v3;
	v4 =	vsel vm9, $0xE80, v4;
	v5 =	vsel vm9, $0x1280, v5  }
0x1a: {  	v6 =	vsel vm9, $0x1680, v6;
	v7 =	vsel vm9, $0x1A80, v7;
	v8 =	vsel vm9, $0x1E80, v8  }
0x1b: {  	v0 =	vsel vm8, $0x300, v0;
	v1 =	vsel vm8, $0x300, v1;
	v2 =	vsel vm8, $0x700, v2  }
0x1c: {  	v3 =	vsel vm8, $0xB00, v3;
	v4 =	vsel vm8, $0xF00, v4;
	v5 =	vsel vm8, $0x1300, v5  }
0x1d: {  	v6 =	vsel vm8, $0x1700, v6;
	v7 =	vsel vm8, $0x1B00, v7;
	v8 =	vsel vm8, $0x1F00, v8  }
0x1e: {  	v0 =	vsel vm0, $0x380, v0;
	v1 =	vsel vm0, $0x380, v1;
	v2 =	vsel vm0, $0x780, v2  }
0x1f: {  	v3 =	vsel vm0, $0xB80, v3;
	v4 =	vsel vm0, $0xF80, v4;
	v5 =	vsel vm0, $0x1380, v5  }
0x20: {  	v6 =	vsel vm0, $0x1780, v6;
	v7 =	vsel vm0, $0x1B80, v7;
	v8 =	vsel vm0, $0x1F80, v8  }
0x21: {  	v0 =	vsel vm1, $0x2000, v0;
	v1 =	vsel vm1, $0x1000, v1;
	v2 =	vsel vm1, $0x2400, v2  }
0x22: {  	v3 =	vsel vm1, $0x2800, v3;
	v4 =	vsel vm1, $0x2C00, v4;
	v5 =	vsel vm1, $0x3000, v5  }
0x23: {  	v6 =	vsel vm1, $0x3400, v6;
	v7 =	vsel vm1, $0x3800, v7;
	v8 =	vsel vm1, $0x3C00, v8  }
0x24: {  	s0 =	rddreg [dreg:$0x0];
	v0 =	vsel vm2, $0x2080, v0;
	v1 =	vsel vm2, $0x1080, v1;
	v2 =	vsel vm2, $0x2480, v2  }
0x25: {  	s1 =	rddreg [dreg:$0x1];
	v3 =	vsel vm2, $0x2880, v3;
	v4 =	vsel vm2, $0x2C80, v4;
	v5 =	vsel vm2, $0x3080, v5  }
0x26: {  	s2 =	srdreg.scid;
	s4 =	rddreg [dreg:$0x2];
	v6 =	vsel vm2, $0x3480, v6;
	v7 =	vsel vm2, $0x3880, v7;
	v8 =	vsel vm2, $0x3C80, v8  }
0x27: {  	s3 =	stileid.u32;
	s8 =	simm.s32 $0x280;
	s12 =	simm.s32 $0x8280;
	v0 =	vsel vm3, $0x2100, v0;
	v1 =	vsel vm3, $0x1100, v1;
	v2 =	vsel vm3, $0x2500, v2  }
0x28: {  	s13 =	simm.s32 $0xA280;
	s14 =	simm.s32 $0x8680;
	s15 =	simm.s32 $0xA680;
	v3 =	vsel vm3, $0x2900, v3;
	v4 =	vsel vm3, $0x2D00, v4;
	v5 =	vsel vm3, $0x3100, v5  }
0x29: {  	s16 =	simm.s32 $0x8A80;
	s17 =	simm.s32 $0xAA80;
	s18 =	simm.s32 $0x8E80;
	v6 =	vsel vm3, $0x3500, v6;
	v7 =	vsel vm3, $0x3900, v7;
	v8 =	vsel vm3, $0x3D00, v8  }
0x2a: {  	s19 =	simm.s32 $0xAE80;
	s20 =	simm.s32 $0x9280;
	s21 =	simm.s32 $0xB280;
	v0 =	vsel vm4, $0x2180, v0;
	v1 =	vsel vm4, $0x1180, v1;
	v2 =	vsel vm4, $0x2580, v2  }
0x2b: {  	s22 =	simm.s32 $0x9680;
	s23 =	simm.s32 $0xB680;
	s28 =	simm.s32 $0x9E80;
	v3 =	vsel vm4, $0x2980, v3;
	v4 =	vsel vm4, $0x2D80, v4;
	v5 =	vsel vm4, $0x3180, v5  }
0x2c: {  	s29 =	simm.s32 $0xBE80;
	s30 =	simm.s32 $0xC280;
	s31 =	simm.s32 $0x1;
	v6 =	vsel vm4, $0x3580, v6;
	v7 =	vsel vm4, $0x3980, v7;
	v8 =	vsel vm4, $0x3D80, v8  }
0x2d: {  	s9 =	simm.s32 $0x0;
	s2 =	sand.u32 $0x1, s2;
	s5 =	sshll.u32 s3, $0xA;
	v0 =	vsel vm5, $0x2200, v0;
	v1 =	vsel vm5, $0x1200, v1;
	v2 =	vsel vm5, $0x2600, v2  }
0x2e: {  	s3 =	simm.s32 $0x0;
	s6 =	sshll.u32 s2, $0x9;
	s2 =	ssub.s32 $0x2, s2;
	v3 =	vsel vm5, $0x2A00, v3;
	v4 =	vsel vm5, $0x2E00, v4;
	v5 =	vsel vm5, $0x3200, v5  }
0x2f: {  	[smem:$0x7FF] =	sst s3;
	s5 =	sor.u32 s6, s5;
	s24 =	sshrl.u32 s2, $0x1;
	v6 =	vsel vm5, $0x3600, v6;
	v7 =	vsel vm5, $0x3A00, v7;
	v8 =	vsel vm5, $0x3E00, v8  }
0x30: {  	_ =	strace $0x80000047;
	s7 =	sshrl.u32 s5, $0x3;
	s2 =	ssub.s32 s2, s24;
	v0 =	vsel vm6, $0x2280, v0;
	v1 =	vsel vm6, $0x1280, v1;
	v2 =	vsel vm6, $0x2680, v2  }
.Ltmp0:
0x31: {  	s25 =	sadd.s32 s4, s5;
	s24 =	simm.s32 $0x4280;
	v3 =	vsel vm6, $0x2A80, v3;
	v4 =	vsel vm6, $0x2E80, v4;
	v5 =	vsel vm6, $0x3280, v5;
	(pc) =	sbr.rel .LBB2_1-.Ltmp0, $4  }
0x32: {  	s4 =	simm.s32 $0x3;
	s5 =	simm.s32 $0x4;
	s1 =	sadd.s32 s1, s7;
	v6 =	vsel vm6, $0x3680, v6;
	v7 =	vsel vm6, $0x3A80, v7;
	v8 =	vsel vm6, $0x3E80, v8  }
0x33: {  	[dreg:$0x5] =	wrdreg s25;
	s26 =	smax.u32 s2, $0x1;
	s7 =	simm.s32 $0x5;
	v0 =	vsel vm7, $0x2300, v0;
	v1 =	vsel vm7, $0x1300, v1;
	v2 =	vsel vm7, $0x2700, v2  }
0x34: {  	s25 =	simm.s32 $0x9A80;
	s2 =	simm.s32 $0x10280;
	[dreg:$0x4] =	wrdreg s1;
	v3 =	vsel vm7, $0x2B00, v3;
	v4 =	vsel vm7, $0x2F00, v4;
	v5 =	vsel vm7, $0x3300, v5  }
0x35: {  	[dreg:$0x6] =	wrdreg s26;
	s26 =	simm.s32 $0xBA80;
	s1 =	simm.s32 $0x2;
	v6 =	vsel vm7, $0x3700, v6;
	v7 =	vsel vm7, $0x3B00, v7;
	v8 =	vsel vm7, $0x3F00, v8  }
.LBB2_9:
0x36: {  	s6 =	rddreg [dreg:$0x5];
	s7 =	simm.s32 $0x1000;
	s9 =	simm.s32 $0x20000  }
0x37: {  	[hbm4b:s6+s7] =	stream.strided.scatter [tilespmem:s2], [sflag:$0x5], $0x2000, s9, s7, $0x38;
	[tilespmem:$0x12280] =	vst v63  }
0x38: {  	s7 =	simm.s32 $0x5  }
0x39: {  	_ =	swait.ge [sflag:s7], $0x2000  }
0x3a: {  	s10 =	rddreg [dreg:$0x7]  }
0x3b: {  	s11 =	rddreg [dreg:$0x6];
	s9 =	sadd.s32 $0x1, s10  }
0x3c: {  	p0 =	sne.s32 s9, s11  }
.Ltmp1:
0x3d: {  	_ = 	snop;
	(pc) =	sbr.rel @!p0 .LBB2_10-.Ltmp1, $3  }
0x3e: {  	_ =	sdelay $0x1  }
0x3f: {  	[sflag:s7] =	ssyncset.done $0x0  }
0x40: {  	[sflag:s7] =	ssyncadd.s32 $0xFFFFE000  }
.LBB2_1:
0x41: {  	[dreg:$0x7] =	wrdreg s9  }
0x42: {  	s6 =	rddreg [dreg:$0x4]  }
0x43: {  	[tilespmem:s3], [sflag:$0x5] =	stream.linear.gather [hbm4b:s6+s3], $0x200, $0x38;
	[tilespmem:$0x12280] =	vst v63  }
0x44: {  	_ =	swait.ge [sflag:s7], $0x200  }
0x45: {  	[sflag:s7] =	ssyncset.done $0x0  }
0x46: {  	[sflag:s7] =	ssyncadd.s32 $0xFFFFFE00  }
0x47: {  	v10 =	vld [tilespmem:$0x0];
	_ =	sdelay $0x4  }
0x48: {  	(v2sf) =	vpush v10, $0x0;
	_ =	sdelay $0x3  }
0x49: {  	(v2sf) =	vpush v10, $0x1;
	_ =	sdelay $0x2  }
0x4a: {  	(v2sf) =	vpush v10, $0x2;
	_ =	sdelay $0x7  }
0x4b: {  	s10 =	spop (v2sf)  }
0x4c: {  	(v2sf) =	vpush v10, $0x3;
	s6 =	sand.u32 $0xFFFFF80, s10  }
0x4d: {  	s6 =	sadd.s32 s0, s6  }
0x4e: {  	v9 =	vld [tilespmem:$0x10];
	[tilespmem:s8], [sflag:$0x1] =	stream.linear.gather [hbm4b:s6+s3], $0x400, $0x38  }
0x4f: {  	s11 =	simm.s32 $0x2280;
	s9 =	spop (v2sf);
	s6 =	sadd.s32 $0xF4280, s6  }
0x50: {  	(v2sf) =	vpush v10, $0x4;
	[tilespmem:s11], [sflag:$0x1] =	stream.linear.gather [hbm4b:s6+s3], $0x400, $0x38;
	[tilespmem:$0x12280] =	vst v63  }
0x51: {  	s6 =	sand.u32 $0xFFFFF80, s9  }
0x52: {  	s10 =	simm.s32 $0x680;
	s9 =	spop (v2sf);
	s6 =	sadd.s32 s0, s6  }
0x53: {  	(v2sf) =	vpush v10, $0x5;
	[tilespmem:s10], [sflag:$0x1] =	stream.linear.gather [hbm4b:s6+s3], $0x400, $0x38;
	[tilespmem:$0x12280] =	vst v63  }
0x54: {  	s11 =	simm.s32 $0x2680;
	s6 =	sadd.s32 $0xF4280, s6  }
0x55: {  	[tilespmem:s11], [sflag:$0x1] =	stream.linear.gather [hbm4b:s6+s3], $0x400, $0x38;
	[tilespmem:$0x12280] =	vst v63  }
0x56: {  	s6 =	sand.u32 $0xFFFFF80, s9  }
0x57: {  	s10 =	simm.s32 $0xA80;
	s6 =	sadd.s32 s0, s6  }
0x58: {  	[tilespmem:s10], [sflag:$0x1] =	stream.linear.gather [hbm4b:s6+s3], $0x400, $0x38;
	[tilespmem:$0x12280] =	vst v63  }
0x59: {  	s11 =	simm.s32 $0x2A80;
	s6 =	sadd.s32 $0xF4280, s6  }
0x5a: {  	[tilespmem:s11], [sflag:$0x1] =	stream.linear.gather [hbm4b:s6+s3], $0x400, $0x38;
	[tilespmem:$0x12280] =	vst v63  }
0x5b: {  	s9 =	spop (v2sf)  }
0x5c: {  	(v2sf) =	vpush v10, $0x6;
	s6 =	sand.u32 $0xFFFFF80, s9  }
0x5d: {  	s10 =	simm.s32 $0xE80;
	s6 =	sadd.s32 s0, s6  }
0x5e: {  	[tilespmem:s10], [sflag:$0x1] =	stream.linear.gather [hbm4b:s6+s3], $0x400, $0x38;
	[tilespmem:$0x12280] =	vst v63  }
0x5f: {  	s11 =	simm.s32 $0x2E80;
	s9 =	spop (v2sf);
	s6 =	sadd.s32 $0xF4280, s6  }
0x60: {  	(v2sf) =	vpush v10, $0x7;
	[tilespmem:s11], [sflag:$0x1] =	stream.linear.gather [hbm4b:s6+s3], $0x400, $0x38;
	[tilespmem:$0x12280] =	vst v63  }
0x61: {  	s6 =	sand.u32 $0xFFFFF80, s9  }
0x62: {  	s10 =	simm.s32 $0x1280;
	s9 =	spop (v2sf);
	s6 =	sadd.s32 s0, s6  }
0x63: {  	(v2sf) =	vpush v10, $0x8;
	[tilespmem:s10], [sflag:$0x1] =	stream.linear.gather [hbm4b:s6+s3], $0x400, $0x38;
	[tilespmem:$0x12280] =	vst v63  }
0x64: {  	s11 =	simm.s32 $0x3280;
	s6 =	sadd.s32 $0xF4280, s6  }
0x65: {  	[tilespmem:s11], [sflag:$0x1] =	stream.linear.gather [hbm4b:s6+s3], $0x400, $0x38;
	[tilespmem:$0x12280] =	vst v63  }
0x66: {  	s6 =	sand.u32 $0xFFFFF80, s9  }
0x67: {  	s10 =	simm.s32 $0x1680;
	s6 =	sadd.s32 s0, s6  }
0x68: {  	[tilespmem:s10], [sflag:$0x1] =	stream.linear.gather [hbm4b:s6+s3], $0x400, $0x38;
	[tilespmem:$0x12280] =	vst v63  }
0x69: {  	s11 =	simm.s32 $0x3680;
	s6 =	sadd.s32 $0xF4280, s6  }
0x6a: {  	[tilespmem:s11], [sflag:$0x1] =	stream.linear.gather [hbm4b:s6+s3], $0x400, $0x38;
	[tilespmem:$0x12280] =	vst v63  }
0x6b: {  	s9 =	spop (v2sf)  }
0x6c: {  	(v2sf) =	vpush v10, $0x9;
	s6 =	sand.u32 $0xFFFFF80, s9  }
0x6d: {  	s10 =	simm.s32 $0x1A80;
	s6 =	sadd.s32 s0, s6  }
0x6e: {  	[tilespmem:s10], [sflag:$0x1] =	stream.linear.gather [hbm4b:s6+s3], $0x400, $0x38;
	[tilespmem:$0x12280] =	vst v63  }
0x6f: {  	s11 =	simm.s32 $0x3A80;
	s9 =	spop (v2sf);
	s6 =	sadd.s32 $0xF4280, s6  }
0x70: {  	(v2sf) =	vpush v10, $0xA;
	[tilespmem:s11], [sflag:$0x1] =	stream.linear.gather [hbm4b:s6+s3], $0x400, $0x38;
	[tilespmem:$0x12280] =	vst v63  }
0x71: {  	s6 =	sand.u32 $0xFFFFF80, s9  }
0x72: {  	s10 =	simm.s32 $0x1E80;
	s7 =	spop (v2sf);
	s6 =	sadd.s32 s0, s6  }
0x73: {  	(v2sf) =	vpush v10, $0xB;
	[tilespmem:s10], [sflag:$0x1] =	stream.linear.gather [hbm4b:s6+s3], $0x400, $0x38;
	[tilespmem:$0x12280] =	vst v63  }
0x74: {  	s11 =	simm.s32 $0x3E80;
	s6 =	sadd.s32 $0xF4280, s6  }
0x75: {  	[tilespmem:s11], [sflag:$0x1] =	stream.linear.gather [hbm4b:s6+s3], $0x400, $0x38;
	[tilespmem:$0x12280] =	vst v63  }
0x76: {  	s6 =	sand.u32 $0xFFFFF80, s7  }
0x77: {  	s6 =	sadd.s32 s0, s6  }
0x78: {  	[tilespmem:s24], [sflag:$0x2] =	stream.linear.gather [hbm4b:s6+s3], $0x400, $0x38;
	[tilespmem:$0x12280] =	vst v63  }
0x79: {  	s9 =	simm.s32 $0x6280;
	s6 =	sadd.s32 $0xF4280, s6  }
0x7a: {  	[tilespmem:s9], [sflag:$0x2] =	stream.linear.gather [hbm4b:s6+s3], $0x400, $0x38;
	[tilespmem:$0x12280] =	vst v63  }
0x7b: {  	s10 =	spop (v2sf)  }
0x7c: {  	(v2sf) =	vpush v10, $0xC;
	s6 =	sand.u32 $0xFFFFF80, s10  }
0x7d: {  	s11 =	simm.s32 $0x4680;
	s6 =	sadd.s32 s0, s6  }
0x7e: {  	[tilespmem:s11], [sflag:$0x2] =	stream.linear.gather [hbm4b:s6+s3], $0x400, $0x38;
	[tilespmem:$0x12280] =	vst v63  }
0x7f: {  	s9 =	simm.s32 $0x6680;
	s10 =	spop (v2sf);
	s6 =	sadd.s32 $0xF4280, s6  }
0x80: {  	(v2sf) =	vpush v10, $0xD;
	[tilespmem:s9], [sflag:$0x2] =	stream.linear.gather [hbm4b:s6+s3], $0x400, $0x38;
	[tilespmem:$0x12280] =	vst v63  }
0x81: {  	s6 =	sand.u32 $0xFFFFF80, s10  }
0x82: {  	s11 =	simm.s32 $0x4A80;
	s10 =	spop (v2sf);
	s6 =	sadd.s32 s0, s6  }
0x83: {  	(v2sf) =	vpush v10, $0xE;
	[tilespmem:s11], [sflag:$0x2] =	stream.linear.gather [hbm4b:s6+s3], $0x400, $0x38;
	[tilespmem:$0x12280] =	vst v63  }
0x84: {  	s9 =	simm.s32 $0x6A80;
	s6 =	sadd.s32 $0xF4280, s6  }
0x85: {  	[tilespmem:s9], [sflag:$0x2] =	stream.linear.gather [hbm4b:s6+s3], $0x400, $0x38;
	[tilespmem:$0x12280] =	vst v63  }
0x86: {  	s6 =	sand.u32 $0xFFFFF80, s10  }
0x87: {  	s11 =	simm.s32 $0x4E80;
	s6 =	sadd.s32 s0, s6  }
0x88: {  	[tilespmem:s11], [sflag:$0x2] =	stream.linear.gather [hbm4b:s6+s3], $0x400, $0x38;
	[tilespmem:$0x12280] =	vst v63  }
0x89: {  	s9 =	simm.s32 $0x6E80;
	s6 =	sadd.s32 $0xF4280, s6  }
0x8a: {  	[tilespmem:s9], [sflag:$0x2] =	stream.linear.gather [hbm4b:s6+s3], $0x400, $0x38;
	[tilespmem:$0x12280] =	vst v63  }
0x8b: {  	s10 =	spop (v2sf)  }
0x8c: {  	(v2sf) =	vpush v10, $0xF;
	s6 =	sand.u32 $0xFFFFF80, s10  }
0x8d: {  	s11 =	simm.s32 $0x5280;
	s6 =	sadd.s32 s0, s6  }
0x8e: {  	[tilespmem:s11], [sflag:$0x2] =	stream.linear.gather [hbm4b:s6+s3], $0x400, $0x38;
	[tilespmem:$0x12280] =	vst v63  }
0x8f: {  	s9 =	simm.s32 $0x7280;
	s10 =	spop (v2sf);
	s6 =	sadd.s32 $0xF4280, s6  }
0x90: {  	(v2sf) =	vpush v9, $0x0;
	[tilespmem:s9], [sflag:$0x2] =	stream.linear.gather [hbm4b:s6+s3], $0x400, $0x38;
	[tilespmem:$0x12280] =	vst v63  }
0x91: {  	s6 =	sand.u32 $0xFFFFF80, s10  }
0x92: {  	s11 =	simm.s32 $0x5680;
	s10 =	spop (v2sf);
	s6 =	sadd.s32 s0, s6  }
0x93: {  	(v2sf) =	vpush v9, $0x1;
	[tilespmem:s11], [sflag:$0x2] =	stream.linear.gather [hbm4b:s6+s3], $0x400, $0x38;
	[tilespmem:$0x12280] =	vst v63  }
0x94: {  	s9 =	simm.s32 $0x7680;
	s6 =	sadd.s32 $0xF4280, s6  }
0x95: {  	[tilespmem:s9], [sflag:$0x2] =	stream.linear.gather [hbm4b:s6+s3], $0x400, $0x38;
	[tilespmem:$0x12280] =	vst v63  }
0x96: {  	s6 =	sand.u32 $0xFFFFF80, s10  }
0x97: {  	s11 =	simm.s32 $0x5A80;
	s6 =	sadd.s32 s0, s6  }
0x98: {  	[tilespmem:s11], [sflag:$0x2] =	stream.linear.gather [hbm4b:s6+s3], $0x400, $0x38;
	[tilespmem:$0x12280] =	vst v63  }
0x99: {  	s9 =	simm.s32 $0x7A80;
	s6 =	sadd.s32 $0xF4280, s6  }
0x9a: {  	[tilespmem:s9], [sflag:$0x2] =	stream.linear.gather [hbm4b:s6+s3], $0x400, $0x38;
	[tilespmem:$0x12280] =	vst v63  }
0x9b: {  	s10 =	spop (v2sf)  }
0x9c: {  	(v2sf) =	vpush v9, $0x2;
	s6 =	sand.u32 $0xFFFFF80, s10  }
0x9d: {  	s11 =	simm.s32 $0x5E80;
	s6 =	sadd.s32 s0, s6  }
0x9e: {  	[tilespmem:s11], [sflag:$0x2] =	stream.linear.gather [hbm4b:s6+s3], $0x400, $0x38;
	[tilespmem:$0x12280] =	vst v63  }
0x9f: {  	s9 =	simm.s32 $0x7E80;
	s10 =	spop (v2sf);
	s6 =	sadd.s32 $0xF4280, s6  }
0xa0: {  	(v2sf) =	vpush v9, $0x3;
	[tilespmem:s9], [sflag:$0x2] =	stream.linear.gather [hbm4b:s6+s3], $0x400, $0x38;
	[tilespmem:$0x12280] =	vst v63  }
0xa1: {  	s6 =	sand.u32 $0xFFFFF80, s10  }
0xa2: {  	s11 =	spop (v2sf);
	s6 =	sadd.s32 s0, s6  }
0xa3: {  	(v2sf) =	vpush v9, $0x4;
	[tilespmem:s12], [sflag:$0x3] =	stream.linear.gather [hbm4b:s6+s3], $0x400, $0x38;
	[tilespmem:$0x12280] =	vst v63  }
0xa4: {  	s6 =	sadd.s32 $0xF4280, s6  }
0xa5: {  	[tilespmem:s13], [sflag:$0x3] =	stream.linear.gather [hbm4b:s6+s3], $0x400, $0x38;
	[tilespmem:$0x12280] =	vst v63  }
0xa6: {  	s6 =	sand.u32 $0xFFFFF80, s11  }
0xa7: {  	s6 =	sadd.s32 s0, s6  }
0xa8: {  	[tilespmem:s14], [sflag:$0x3] =	stream.linear.gather [hbm4b:s6+s3], $0x400, $0x38;
	[tilespmem:$0x12280] =	vst v63  }
0xa9: {  	s6 =	sadd.s32 $0xF4280, s6  }
0xaa: {  	[tilespmem:s15], [sflag:$0x3] =	stream.linear.gather [hbm4b:s6+s3], $0x400, $0x38;
	[tilespmem:$0x12280] =	vst v63  }
0xab: {  	s7 =	spop (v2sf)  }
0xac: {  	(v2sf) =	vpush v9, $0x5;
	s6 =	sand.u32 $0xFFFFF80, s7  }
0xad: {  	s6 =	sadd.s32 s0, s6  }
0xae: {  	[tilespmem:s16], [sflag:$0x3] =	stream.linear.gather [hbm4b:s6+s3], $0x400, $0x38;
	[tilespmem:$0x12280] =	vst v63  }
0xaf: {  	s9 =	spop (v2sf);
	s6 =	sadd.s32 $0xF4280, s6  }
0xb0: {  	(v2sf) =	vpush v9, $0x6;
	[tilespmem:s17], [sflag:$0x3] =	stream.linear.gather [hbm4b:s6+s3], $0x400, $0x38;
	[tilespmem:$0x12280] =	vst v63  }
0xb1: {  	s6 =	sand.u32 $0xFFFFF80, s9  }
0xb2: {  	s10 =	spop (v2sf);
	s6 =	sadd.s32 s0, s6  }
0xb3: {  	(v2sf) =	vpush v9, $0x7;
	[tilespmem:s18], [sflag:$0x3] =	stream.linear.gather [hbm4b:s6+s3], $0x400, $0x38;
	[tilespmem:$0x12280] =	vst v63  }
0xb4: {  	s6 =	sadd.s32 $0xF4280, s6  }
0xb5: {  	[tilespmem:s19], [sflag:$0x3] =	stream.linear.gather [hbm4b:s6+s3], $0x400, $0x38;
	[tilespmem:$0x12280] =	vst v63  }
0xb6: {  	s6 =	sand.u32 $0xFFFFF80, s10  }
0xb7: {  	s6 =	sadd.s32 s0, s6  }
0xb8: {  	[tilespmem:s20], [sflag:$0x3] =	stream.linear.gather [hbm4b:s6+s3], $0x400, $0x38;
	[tilespmem:$0x12280] =	vst v63  }
0xb9: {  	s6 =	sadd.s32 $0xF4280, s6  }
0xba: {  	[tilespmem:s21], [sflag:$0x3] =	stream.linear.gather [hbm4b:s6+s3], $0x400, $0x38;
	[tilespmem:$0x12280] =	vst v63  }
0xbb: {  	s11 =	spop (v2sf)  }
0xbc: {  	(v2sf) =	vpush v9, $0x8;
	s6 =	sand.u32 $0xFFFFF80, s11  }
0xbd: {  	s6 =	sadd.s32 s0, s6  }
0xbe: {  	[tilespmem:s22], [sflag:$0x3] =	stream.linear.gather [hbm4b:s6+s3], $0x400, $0x38;
	[tilespmem:$0x12280] =	vst v63  }
0xbf: {  	s7 =	spop (v2sf);
	s6 =	sadd.s32 $0xF4280, s6  }
0xc0: {  	(v2sf) =	vpush v9, $0x9;
	[tilespmem:s23], [sflag:$0x3] =	stream.linear.gather [hbm4b:s6+s3], $0x400, $0x38;
	[tilespmem:$0x12280] =	vst v63  }
0xc1: {  	s6 =	sand.u32 $0xFFFFF80, s7  }
0xc2: {  	s9 =	spop (v2sf);
	s6 =	sadd.s32 s0, s6  }
0xc3: {  	(v2sf) =	vpush v9, $0xA;
	[tilespmem:s25], [sflag:$0x3] =	stream.linear.gather [hbm4b:s6+s3], $0x400, $0x38;
	[tilespmem:$0x12280] =	vst v63  }
0xc4: {  	s6 =	sadd.s32 $0xF4280, s6  }
0xc5: {  	[tilespmem:s26], [sflag:$0x3] =	stream.linear.gather [hbm4b:s6+s3], $0x400, $0x38;
	[tilespmem:$0x12280] =	vst v63  }
0xc6: {  	s6 =	sand.u32 $0xFFFFF80, s9  }
0xc7: {  	s6 =	sadd.s32 s0, s6  }
0xc8: {  	[tilespmem:s28], [sflag:$0x3] =	stream.linear.gather [hbm4b:s6+s3], $0x400, $0x38;
	[tilespmem:$0x12280] =	vst v63  }
0xc9: {  	s6 =	sadd.s32 $0xF4280, s6  }
0xca: {  	[tilespmem:s29], [sflag:$0x3] =	stream.linear.gather [hbm4b:s6+s3], $0x400, $0x38;
	[tilespmem:$0x12280] =	vst v63  }
0xcb: {  	s10 =	spop (v2sf)  }
0xcc: {  	(v2sf) =	vpush v9, $0xB;
	s6 =	sand.u32 $0xFFFFF80, s10  }
0xcd: {  	s6 =	sadd.s32 s0, s6  }
0xce: {  	[tilespmem:s30], [sflag:$0x4] =	stream.linear.gather [hbm4b:s6+s3], $0x400, $0x38;
	[tilespmem:$0x12280] =	vst v63  }
0xcf: {  	s11 =	simm.s32 $0xE280;
	s9 =	spop (v2sf);
	s6 =	sadd.s32 $0xF4280, s6  }
0xd0: {  	(v2sf) =	vpush v9, $0xC;
	[tilespmem:s11], [sflag:$0x4] =	stream.linear.gather [hbm4b:s6+s3], $0x400, $0x38;
	[tilespmem:$0x12280] =	vst v63  }
0xd1: {  	s6 =	sand.u32 $0xFFFFF80, s9  }
0xd2: {  	s10 =	simm.s32 $0xC680;
	s9 =	spop (v2sf);
	s6 =	sadd.s32 s0, s6  }
0xd3: {  	(v2sf) =	vpush v9, $0xD;
	[tilespmem:s10], [sflag:$0x4] =	stream.linear.gather [hbm4b:s6+s3], $0x400, $0x38;
	[tilespmem:$0x12280] =	vst v63  }
0xd4: {  	s11 =	simm.s32 $0xE680;
	s6 =	sadd.s32 $0xF4280, s6  }
0xd5: {  	[tilespmem:s11], [sflag:$0x4] =	stream.linear.gather [hbm4b:s6+s3], $0x400, $0x38;
	[tilespmem:$0x12280] =	vst v63  }
0xd6: {  	s6 =	sand.u32 $0xFFFFF80, s9  }
0xd7: {  	s10 =	simm.s32 $0xCA80;
	s6 =	sadd.s32 s0, s6  }
0xd8: {  	[tilespmem:s10], [sflag:$0x4] =	stream.linear.gather [hbm4b:s6+s3], $0x400, $0x38;
	[tilespmem:$0x12280] =	vst v63  }
0xd9: {  	s11 =	simm.s32 $0xEA80;
	s6 =	sadd.s32 $0xF4280, s6  }
0xda: {  	[tilespmem:s11], [sflag:$0x4] =	stream.linear.gather [hbm4b:s6+s3], $0x400, $0x38;
	[tilespmem:$0x12280] =	vst v63  }
0xdb: {  	s9 =	spop (v2sf);
	(v2sf) =	vpush v9, $0xE  }
0xdc: {  	s6 =	sand.u32 $0xFFFFF80, s9  }
0xdd: {  	s10 =	simm.s32 $0xCE80;
	s6 =	sadd.s32 s0, s6  }
0xde: {  	[tilespmem:s10], [sflag:$0x4] =	stream.linear.gather [hbm4b:s6+s3], $0x400, $0x38;
	[tilespmem:$0x12280] =	vst v63  }
0xdf: {  	s11 =	simm.s32 $0xEE80;
	s7 =	spop (v2sf);
	(v2sf) =	vpush v9, $0xF;
	s6 =	sadd.s32 $0xF4280, s6  }
0xe0: {  	[tilespmem:s11], [sflag:$0x4] =	stream.linear.gather [hbm4b:s6+s3], $0x400, $0x38;
	[tilespmem:$0x12280] =	vst v63  }
0xe1: {  	s6 =	sand.u32 $0xFFFFF80, s7  }
0xe2: {  	s9 =	simm.s32 $0xD280;
	s10 =	spop (v2sf);
	s6 =	sadd.s32 s0, s6  }
0xe3: {  	[tilespmem:s9], [sflag:$0x4] =	stream.linear.gather [hbm4b:s6+s3], $0x400, $0x38;
	[tilespmem:$0x12280] =	vst v63  }
0xe4: {  	s11 =	simm.s32 $0xF280;
	s7 =	sand.u32 $0xFFFFF80, s10;
	s6 =	sadd.s32 $0xF4280, s6  }
0xe5: {  	[tilespmem:s11], [sflag:$0x4] =	stream.linear.gather [hbm4b:s6+s3], $0x400, $0x38;
	[tilespmem:$0x12280] =	vst v63  }
0xe6: {  	s9 =	simm.s32 $0xD680;
	s6 =	sadd.s32 s0, s7  }
0xe7: {  	[tilespmem:s9], [sflag:$0x4] =	stream.linear.gather [hbm4b:s6+s3], $0x400, $0x38;
	[tilespmem:$0x12280] =	vst v63  }
0xe8: {  	s11 =	simm.s32 $0xF680;
	s6 =	sadd.s32 $0xF4280, s6  }
0xe9: {  	[tilespmem:s11], [sflag:$0x4] =	stream.linear.gather [hbm4b:s6+s3], $0x400, $0x38;
	[tilespmem:$0x12280] =	vst v63  }
0xea: {  	s10 =	spop (v2sf)  }
0xeb: {  	s9 =	sand.u32 $0xFFFFF80, s10  }
0xec: {  	s10 =	simm.s32 $0xDA80;
	s6 =	sadd.s32 s0, s9  }
0xed: {  	[tilespmem:s10], [sflag:$0x4] =	stream.linear.gather [hbm4b:s6+s3], $0x400, $0x38;
	[tilespmem:$0x12280] =	vst v63  }
0xee: {  	s11 =	simm.s32 $0xFA80;
	s9 =	spop (v2sf);
	s6 =	sadd.s32 $0xF4280, s6  }
0xef: {  	[tilespmem:s11], [sflag:$0x4] =	stream.linear.gather [hbm4b:s6+s3], $0x400, $0x38;
	[tilespmem:$0x12280] =	vst v63  }
0xf0: {  	s6 =	sand.u32 $0xFFFFF80, s9  }
.Ltmp2:
0xf1: {  	s10 =	simm.s32 $0xDE80;
	s6 =	sadd.s32 s0, s6;
	(pc) =	sbr.rel .LBB2_2-.Ltmp2, $4  }
0xf2: {  	[tilespmem:s10], [sflag:$0x4] =	stream.linear.gather [hbm4b:s6+s3], $0x400, $0x38;
	[tilespmem:$0x12280] =	vst v63  }
0xf3: {  	s11 =	simm.s32 $0xFE80;
	s6 =	sadd.s32 $0xF4280, s6  }
0xf4: {  	[tilespmem:s11], [sflag:$0x4] =	stream.linear.gather [hbm4b:s6+s3], $0x400, $0x38;
	[tilespmem:$0x12280] =	vst v63  }
0xf5: {  	s7 =	simm.s32 $0x20;
	s6 =	simm.s32 $0x1F  }
.LBB2_8:
0xf6: {  	_ =	swait.ge [sflag:s5], $0x4000  }
0xf7: {  	(v2sf) =	vpush v10, $0x8;
	_ =	sdelay $0xe  }
0xf8: {  	s9 =	spop (v2sf)  }
0xf9: {  	s9 =	sand.u32 $0x7F, s9  }
0xfa: {  	s10 =	sadd.s32 $0xFFFFFFF9, s6;
	v10 =	vor.u32 s9, v0  }
0xfb: {  	v12 =	vmov s10  }
0xfc: {  	v13 =	vshll.u32 v12, $0x3  }
0xfd: {  	[sflag:s5] =	ssyncset.done $0x0;
	v12 =	vand.u32 $0x78, v12;
	v13 =	vand.u32 $0xC00, v13  }
0xfe: {  	v46 =	vbroadcast v11, $0x9;
	[sflag:s5] =	ssyncadd.s32 $0xFFFFC000;
	v12 =	vor.u32 v13, v12  }
0xff: {  	v12 =	vor.u32 v1, v12;
	v10 =	vld.idx.msk [tilespmem:v10+s30+$0x0], $0xffff  }
0x100: {  	s10 =	sadd.s32 $0xFFFFFFFA, s6;
	v13 =	vor.u32 v2, v46  }
0x101: {  	v14 =	vmov s10  }
0x102: {  	v15 =	vshll.u32 v14, $0x3  }
0x103: {  	v14 =	vand.u32 $0x79, v14;
	v15 =	vand.u32 $0xC00, v15  }
0x104: {  	v47 =	vbroadcast v11, $0xA;
	[tilespmem:v12+s2+$0x0] =	vst.idx.msk $0xffff, v10;
	v10 =	vor.u32 v15, v14  }
0x105: {  	v13 =	vld.idx.msk [tilespmem:v13+s30+$0x0], $0xffff;
	v10 =	vor.u32 v1, v10  }
0x106: {  	s11 =	sadd.s32 $0xFFFFFFFB, s6;
	v12 =	vor.u32 v3, v47  }
0x107: {  	v48 =	vmov s11  }
0x108: {  	v49 =	vshll.u32 v48, $0x3  }
0x109: {  	v14 =	vand.u32 $0x7A, v48;
	v15 =	vand.u32 $0xC00, v49  }
0x10a: {  	v50 =	vbroadcast v11, $0xB;
	[tilespmem:v10+s2+$0x0] =	vst.idx.msk $0xffff, v13;
	v10 =	vor.u32 v15, v14  }
0x10b: {  	v12 =	vld.idx.msk [tilespmem:v12+s30+$0x0], $0xffff;
	v10 =	vor.u32 v1, v10  }
0x10c: {  	s10 =	sadd.s32 $0xFFFFFFFC, s6;
	v13 =	vor.u32 v4, v50  }
0x10d: {  	v51 =	vmov s10  }
0x10e: {  	v52 =	vshll.u32 v51, $0x3  }
0x10f: {  	v14 =	vand.u32 $0x7B, v51;
	v15 =	vand.u32 $0xC00, v52  }
0x110: {  	v53 =	vbroadcast v11, $0xC;
	[tilespmem:v10+s2+$0x0] =	vst.idx.msk $0xffff, v12;
	v10 =	vor.u32 v15, v14  }
0x111: {  	v13 =	vld.idx.msk [tilespmem:v13+s30+$0x0], $0xffff;
	v10 =	vor.u32 v1, v10  }
0x112: {  	s11 =	sadd.s32 $0xFFFFFFFD, s6;
	v12 =	vor.u32 v5, v53  }
0x113: {  	v54 =	vmov s11  }
0x114: {  	v55 =	vshll.u32 v54, $0x3  }
0x115: {  	v14 =	vand.u32 $0x7C, v54;
	v15 =	vand.u32 $0xC00, v55  }
0x116: {  	v56 =	vbroadcast v11, $0xD;
	[tilespmem:v10+s2+$0x0] =	vst.idx.msk $0xffff, v13;
	v10 =	vor.u32 v15, v14  }
0x117: {  	v12 =	vld.idx.msk [tilespmem:v12+s30+$0x0], $0xffff;
	v10 =	vor.u32 v1, v10  }
0x118: {  	s10 =	sadd.s32 $0xFFFFFFFE, s6;
	v13 =	vor.u32 v6, v56  }
0x119: {  	v57 =	vmov s10  }
0x11a: {  	v58 =	vshll.u32 v57, $0x3  }
0x11b: {  	v14 =	vand.u32 $0x7D, v57;
	v15 =	vand.u32 $0xC00, v58  }
0x11c: {  	v59 =	vbroadcast v11, $0xE;
	[tilespmem:v10+s2+$0x0] =	vst.idx.msk $0xffff, v12;
	v10 =	vor.u32 v15, v14  }
0x11d: {  	(v2sf) =	vpush @!p0 v9, $0x8;
	v13 =	vld.idx.msk [tilespmem:v13+s30+$0x0], $0xffff;
	v10 =	vor.u32 v1, v10  }
0x11e: {  	s11 =	sadd.s32 $0xFFFFFFFF, s6;
	v12 =	vor.u32 v7, v59  }
0x11f: {  	v60 =	vmov s11  }
0x120: {  	v61 =	vshll.u32 v60, $0x3  }
0x121: {  	v14 =	vand.u32 $0x7E, v60;
	v15 =	vand.u32 $0xC00, v61  }
0x122: {  	v11 =	vbroadcast v11, $0xF;
	[tilespmem:v10+s2+$0x0] =	vst.idx.msk $0xffff, v13;
	v10 =	vor.u32 v15, v14  }
0x123: {  	(v2sf) =	vpush @!p0 v9, $0x9;
	v12 =	vld.idx.msk [tilespmem:v12+s30+$0x0], $0xffff;
	v10 =	vor.u32 v1, v10  }
0x124: {  	v11 =	vor.u32 v8, v11  }
0x125: {  	v62 =	vmov s6  }
0x126: {  	v63 =	vshll.u32 v62, $0x3  }
0x127: {  	v13 =	vand.u32 $0x7F, v62;
	v14 =	vand.u32 $0xC00, v63  }
0x128: {  	[tilespmem:v10+s2+$0x0] =	vst.idx.msk $0xffff, v12;
	v10 =	vor.u32 v14, v13  }
0x129: {  	(v2sf) =	vpush @!p0 v9, $0xA;
	v11 =	vld.idx.msk [tilespmem:v11+s30+$0x0], $0xffff;
	v10 =	vor.u32 v1, v10;
	_ =	sdelay $0x2  }
0x12a: {  	s9 =	spop @!p0 (v2sf)  }
0x12b: {  	s9 =	sand.u32 @!p0 $0xFFFFF80, s9  }
0x12c: {  	s11 =	simm.s32 @!p0 $0xC280;
	s10 =	sadd.s32 @!p0 s0, s9;
	s9 =	simm.s32 @!p0 $0x0;
	[tilespmem:v10+s2+$0x0] =	vst.idx.msk $0xffff, v11  }
0x12d: {  	(v2sf) =	vpush @!p0 v9, $0xB;
	[tilespmem:s11], [sflag:$0x4] =	stream.linear.gather @!p0 [hbm4b:s10+s9], $0x400, $0x38;
	[tilespmem:$0x12280] =	vst v63  }
0x12e: {  	s10 =	sadd.s32 @!p0 $0xF4280, s10;
	s11 =	simm.s32 @!p0 $0xE280  }
0x12f: {  	[tilespmem:s11], [sflag:$0x4] =	stream.linear.gather @!p0 [hbm4b:s10+s9], $0x400, $0x38;
	[tilespmem:$0x12280] =	vst v63  }
0x130: {  	s10 =	spop @!p0 (v2sf)  }
0x131: {  	s10 =	sand.u32 @!p0 $0xFFFFF80, s10  }
0x132: {  	s11 =	simm.s32 @!p0 $0xC680;
	s10 =	sadd.s32 @!p0 s0, s10  }
0x133: {  	(v2sf) =	vpush @!p0 v9, $0xC;
	[tilespmem:s11], [sflag:$0x4] =	stream.linear.gather @!p0 [hbm4b:s10+s9], $0x400, $0x38;
	[tilespmem:$0x12280] =	vst v63  }
0x134: {  	s10 =	sadd.s32 @!p0 $0xF4280, s10;
	s11 =	simm.s32 @!p0 $0xE680  }
0x135: {  	[tilespmem:s11], [sflag:$0x4] =	stream.linear.gather @!p0 [hbm4b:s10+s9], $0x400, $0x38;
	[tilespmem:$0x12280] =	vst v63  }
0x136: {  	s10 =	spop @!p0 (v2sf)  }
0x137: {  	s10 =	sand.u32 @!p0 $0xFFFFF80, s10  }
0x138: {  	s11 =	simm.s32 @!p0 $0xCA80;
	s10 =	sadd.s32 @!p0 s0, s10  }
0x139: {  	(v2sf) =	vpush @!p0 v9, $0xD;
	[tilespmem:s11], [sflag:$0x4] =	stream.linear.gather @!p0 [hbm4b:s10+s9], $0x400, $0x38;
	[tilespmem:$0x12280] =	vst v63  }
0x13a: {  	s10 =	sadd.s32 @!p0 $0xF4280, s10;
	s11 =	simm.s32 @!p0 $0xEA80  }
0x13b: {  	[tilespmem:s11], [sflag:$0x4] =	stream.linear.gather @!p0 [hbm4b:s10+s9], $0x400, $0x38;
	[tilespmem:$0x12280] =	vst v63  }
0x13c: {  	s10 =	spop @!p0 (v2sf)  }
0x13d: {  	s10 =	sand.u32 @!p0 $0xFFFFF80, s10  }
0x13e: {  	s11 =	simm.s32 @!p0 $0xCE80;
	s10 =	sadd.s32 @!p0 s0, s10  }
0x13f: {  	(v2sf) =	vpush @!p0 v9, $0xE;
	[tilespmem:s11], [sflag:$0x4] =	stream.linear.gather @!p0 [hbm4b:s10+s9], $0x400, $0x38;
	[tilespmem:$0x12280] =	vst v63  }
0x140: {  	s10 =	sadd.s32 @!p0 $0xF4280, s10;
	s11 =	simm.s32 @!p0 $0xEE80  }
0x141: {  	[tilespmem:s11], [sflag:$0x4] =	stream.linear.gather @!p0 [hbm4b:s10+s9], $0x400, $0x38;
	[tilespmem:$0x12280] =	vst v63  }
0x142: {  	s10 =	spop @!p0 (v2sf)  }
0x143: {  	s10 =	sand.u32 @!p0 $0xFFFFF80, s10  }
0x144: {  	s11 =	simm.s32 @!p0 $0xD280;
	s10 =	sadd.s32 @!p0 s0, s10  }
0x145: {  	(v2sf) =	vpush @!p0 v9, $0xF;
	[tilespmem:s11], [sflag:$0x4] =	stream.linear.gather @!p0 [hbm4b:s10+s9], $0x400, $0x38;
	[tilespmem:$0x12280] =	vst v63  }
0x146: {  	s10 =	sadd.s32 @!p0 $0xF4280, s10;
	s11 =	simm.s32 @!p0 $0xF280  }
0x147: {  	[tilespmem:s11], [sflag:$0x4] =	stream.linear.gather @!p0 [hbm4b:s10+s9], $0x400, $0x38;
	[tilespmem:$0x12280] =	vst v63  }
0x148: {  	s10 =	spop @!p0 (v2sf)  }
0x149: {  	s10 =	sand.u32 @!p0 $0xFFFFF80, s10  }
0x14a: {  	s11 =	simm.s32 @!p0 $0xD680;
	s10 =	sadd.s32 @!p0 s0, s10  }
0x14b: {  	[tilespmem:s11], [sflag:$0x4] =	stream.linear.gather @!p0 [hbm4b:s10+s9], $0x400, $0x38;
	[tilespmem:$0x12280] =	vst v63  }
0x14c: {  	s10 =	sadd.s32 @!p0 $0xF4280, s10;
	s11 =	simm.s32 @!p0 $0xF680  }
0x14d: {  	[tilespmem:s11], [sflag:$0x4] =	stream.linear.gather @!p0 [hbm4b:s10+s9], $0x400, $0x38;
	[tilespmem:$0x12280] =	vst v63  }
0x14e: {  	s10 =	spop @!p0 (v2sf)  }
0x14f: {  	s10 =	sand.u32 @!p0 $0xFFFFF80, s10  }
0x150: {  	s6 =	sadd.s32 @!p0 $0x20, s6;
	s11 =	simm.s32 @!p0 $0xDA80;
	s10 =	sadd.s32 @!p0 s0, s10  }
0x151: {  	[tilespmem:s11], [sflag:$0x4] =	stream.linear.gather @!p0 [hbm4b:s10+s9], $0x400, $0x38;
	[tilespmem:$0x12280] =	vst v63  }
0x152: {  	p1 =	sne.s32 @!p0 s6, $0x21F;
	s10 =	sadd.s32 @!p0 $0xF4280, s10;
	s11 =	simm.s32 @!p0 $0xFA80  }
0x153: {  	[tilespmem:s11], [sflag:$0x4] =	stream.linear.gather @!p0 [hbm4b:s10+s9], $0x400, $0x38;
	[tilespmem:$0x12280] =	vst v63  }
0x154: {  	p1 =	por p0, !p1;
	s10 =	spop @!p0 (v2sf)  }
.Ltmp3:
0x155: {  	s10 =	sand.u32 @!p0 $0xFFFFF80, s10;
	(pc) =	sbr.rel @p1 .LBB2_9-.Ltmp3, $4  }
0x156: {  	s11 =	simm.s32 @!p0 $0xDE80;
	s10 =	sadd.s32 @!p0 s0, s10  }
0x157: {  	[tilespmem:s11], [sflag:$0x4] =	stream.linear.gather @!p0 [hbm4b:s10+s9], $0x400, $0x38;
	[tilespmem:$0x12280] =	vst v63  }
0x158: {  	s7 =	sadd.s32 @!p0 $0x20, s7;
	s10 =	sadd.s32 @!p0 $0xF4280, s10;
	s11 =	simm.s32 @!p0 $0xFE80  }
0x159: {  	[tilespmem:s11], [sflag:$0x4] =	stream.linear.gather @!p0 [hbm4b:s10+s9], $0x400, $0x38;
	[tilespmem:$0x12280] =	vst v63  }
.LBB2_2:
0x15a: {  	v13 =	vld [tilespmem:s7+$0xFFFFFFE0];
	_ =	sdelay $0x1  }
0x15b: {  	v10 =	vld [tilespmem:s7+$0xFFFFFFF0]  }
0x15c: {  	v11 =	vld [tilespmem:s7+$0x0]  }
0x15d: {  	v9 =	vld [tilespmem:s7+$0x10];
	_ =	swait.ge [sflag:s31], $0x4000  }
0x15e: {  	(v2sf) =	vpush v13, $0x0;
	_ =	sdelay $0xe  }
0x15f: {  	s9 =	spop (v2sf)  }
0x160: {  	s9 =	sand.u32 $0x7F, s9  }
0x161: {  	s10 =	sadd.s32 $0xFFFFFFE1, s6;
	v14 =	vor.u32 s9, v0  }
0x162: {  	v12 =	vmov s10  }
0x163: {  	v15 =	vshll.u32 v12, $0x3  }
0x164: {  	[sflag:s31] =	ssyncset.done $0x0;
	v16 =	vand.u32 $0x60, v12;
	v15 =	vand.u32 $0xC00, v15;
	v12 =	vand.u32 $0x7F, v13  }
0x165: {  	[sflag:s31] =	ssyncadd.s32 $0xFFFFC000;
	v15 =	vor.u32 v15, v16;
	v48 =	vbroadcast v12, $0x1  }
0x166: {  	v15 =	vor.u32 v1, v15;
	v14 =	vld.idx.msk [tilespmem:v14+s8+$0x0], $0xffff  }
0x167: {  	s11 =	sadd.s32 $0xFFFFFFE2, s6;
	v16 =	vor.u32 v2, v48  }
0x168: {  	v17 =	vmov s11  }
0x169: {  	v18 =	vshll.u32 v17, $0x3  }
0x16a: {  	v17 =	vand.u32 $0x61, v17;
	v18 =	vand.u32 $0xC00, v18  }
0x16b: {  	[tilespmem:v15+s2+$0x0] =	vst.idx.msk $0xffff, v14;
	v14 =	vor.u32 v18, v17;
	v15 =	vbroadcast v12, $0x2  }
0x16c: {  	v16 =	vld.idx.msk [tilespmem:v16+s8+$0x0], $0xffff;
	v14 =	vor.u32 v1, v14  }
0x16d: {  	s10 =	sadd.s32 $0xFFFFFFE3, s6;
	v15 =	vor.u32 v3, v15  }
0x16e: {  	v49 =	vmov s10  }
0x16f: {  	v50 =	vshll.u32 v49, $0x3  }
0x170: {  	v17 =	vand.u32 $0x62, v49;
	v18 =	vand.u32 $0xC00, v50  }
0x171: {  	v51 =	vbroadcast v12, $0x3;
	[tilespmem:v14+s2+$0x0] =	vst.idx.msk $0xffff, v16;
	v14 =	vor.u32 v18, v17  }
0x172: {  	v15 =	vld.idx.msk [tilespmem:v15+s8+$0x0], $0xffff;
	v14 =	vor.u32 v1, v14  }
0x173: {  	s11 =	sadd.s32 $0xFFFFFFE4, s6;
	v16 =	vor.u32 v4, v51  }
0x174: {  	v52 =	vmov s11  }
0x175: {  	v53 =	vshll.u32 v52, $0x3  }
0x176: {  	v17 =	vand.u32 $0x63, v52;
	v18 =	vand.u32 $0xC00, v53  }
0x177: {  	[tilespmem:v14+s2+$0x0] =	vst.idx.msk $0xffff, v15;
	v14 =	vor.u32 v18, v17;
	v15 =	vbroadcast v12, $0x4  }
0x178: {  	v16 =	vld.idx.msk [tilespmem:v16+s8+$0x0], $0xffff;
	v14 =	vor.u32 v1, v14  }
0x179: {  	s10 =	sadd.s32 $0xFFFFFFE5, s6;
	v15 =	vor.u32 v5, v15  }
0x17a: {  	v54 =	vmov s10  }
0x17b: {  	v55 =	vshll.u32 v54, $0x3  }
0x17c: {  	v17 =	vand.u32 $0x64, v54;
	v18 =	vand.u32 $0xC00, v55  }
0x17d: {  	v56 =	vbroadcast v12, $0x5;
	[tilespmem:v14+s2+$0x0] =	vst.idx.msk $0xffff, v16;
	v14 =	vor.u32 v18, v17  }
0x17e: {  	v15 =	vld.idx.msk [tilespmem:v15+s8+$0x0], $0xffff;
	v14 =	vor.u32 v1, v14  }
0x17f: {  	s11 =	sadd.s32 $0xFFFFFFE6, s6;
	v16 =	vor.u32 v6, v56  }
0x180: {  	v57 =	vmov s11  }
0x181: {  	v58 =	vshll.u32 v57, $0x3  }
0x182: {  	v17 =	vand.u32 $0x65, v57;
	v18 =	vand.u32 $0xC00, v58  }
0x183: {  	[tilespmem:v14+s2+$0x0] =	vst.idx.msk $0xffff, v15;
	v14 =	vor.u32 v18, v17;
	v15 =	vbroadcast v12, $0x6  }
0x184: {  	v16 =	vld.idx.msk [tilespmem:v16+s8+$0x0], $0xffff;
	v14 =	vor.u32 v1, v14  }
0x185: {  	s10 =	sadd.s32 $0xFFFFFFE7, s6;
	v15 =	vor.u32 v7, v15  }
0x186: {  	v59 =	vmov s10  }
0x187: {  	v60 =	vshll.u32 v59, $0x3  }
0x188: {  	v17 =	vand.u32 $0x66, v59;
	v18 =	vand.u32 $0xC00, v60  }
0x189: {  	v61 =	vbroadcast v12, $0x7;
	[tilespmem:v14+s2+$0x0] =	vst.idx.msk $0xffff, v16;
	v14 =	vor.u32 v18, v17  }
0x18a: {  	v15 =	vld.idx.msk [tilespmem:v15+s8+$0x0], $0xffff;
	v14 =	vor.u32 v1, v14  }
0x18b: {  	s11 =	sadd.s32 $0xFFFFFFE8, s6;
	v16 =	vor.u32 v8, v61  }
0x18c: {  	v62 =	vmov s11  }
0x18d: {  	v63 =	vshll.u32 v62, $0x3  }
0x18e: {  	v17 =	vand.u32 $0x67, v62;
	v18 =	vand.u32 $0xC00, v63  }
0x18f: {  	[tilespmem:v14+s2+$0x0] =	vst.idx.msk $0xffff, v15;
	v14 =	vor.u32 v18, v17  }
0x190: {  	p0 =	seq.s32 s6, $0x1FF;
	v15 =	vld.idx.msk [tilespmem:v16+s8+$0x0], $0xffff;
	v14 =	vor.u32 v1, v14  }
.Ltmp4:
0x191: {  	_ = 	snop;
	(pc) =	sbr.rel @p0 .LBB2_4-.Ltmp4, $2  }
0x192: {  	_ =	sdelay $0x2  }
0x193: {  	[tilespmem:v14+s2+$0x0] =	vst.idx.msk $0xffff, v15  }
0x194: {  	(v2sf) =	vpush v11, $0x0;
	_ =	sdelay $0x5  }
0x195: {  	(v2sf) =	vpush v11, $0x1;
	_ =	sdelay $0x3  }
0x196: {  	(v2sf) =	vpush v11, $0x2;
	_ =	sdelay $0x4  }
0x197: {  	s9 =	spop (v2sf)  }
0x198: {  	s9 =	sand.u32 $0xFFFFF80, s9  }
0x199: {  	(v2sf) =	vpush v11, $0x3;
	s9 =	sadd.s32 s0, s9  }
0x19a: {  	[tilespmem:s8], [sflag:$0x1] =	stream.linear.gather [hbm4b:s9+s3], $0x400, $0x38;
	[tilespmem:$0x12280] =	vst v63  }
0x19b: {  	s10 =	simm.s32 $0x2280;
	s9 =	sadd.s32 $0xF4280, s9  }
0x19c: {  	[tilespmem:s10], [sflag:$0x1] =	stream.linear.gather [hbm4b:s9+s3], $0x400, $0x38;
	[tilespmem:$0x12280] =	vst v63  }
0x19d: {  	s10 =	spop (v2sf)  }
0x19e: {  	s9 =	sand.u32 $0xFFFFF80, s10  }
0x19f: {  	s11 =	simm.s32 $0x680;
	(v2sf) =	vpush v11, $0x4;
	s9 =	sadd.s32 s0, s9  }
0x1a0: {  	[tilespmem:s11], [sflag:$0x1] =	stream.linear.gather [hbm4b:s9+s3], $0x400, $0x38;
	[tilespmem:$0x12280] =	vst v63  }
0x1a1: {  	s10 =	spop (v2sf);
	s9 =	sadd.s32 $0xF4280, s9;
	s11 =	simm.s32 $0x2680  }
0x1a2: {  	[tilespmem:s11], [sflag:$0x1] =	stream.linear.gather [hbm4b:s9+s3], $0x400, $0x38;
	[tilespmem:$0x12280] =	vst v63  }
0x1a3: {  	(v2sf) =	vpush v11, $0x5;
	s9 =	sand.u32 $0xFFFFF80, s10  }
0x1a4: {  	s11 =	simm.s32 $0xA80;
	s9 =	sadd.s32 s0, s9  }
0x1a5: {  	[tilespmem:s11], [sflag:$0x1] =	stream.linear.gather [hbm4b:s9+s3], $0x400, $0x38;
	[tilespmem:$0x12280] =	vst v63  }
0x1a6: {  	s9 =	sadd.s32 $0xF4280, s9;
	s11 =	simm.s32 $0x2A80  }
0x1a7: {  	[tilespmem:s11], [sflag:$0x1] =	stream.linear.gather [hbm4b:s9+s3], $0x400, $0x38;
	[tilespmem:$0x12280] =	vst v63  }
0x1a8: {  	s10 =	spop (v2sf)  }
0x1a9: {  	s9 =	sand.u32 $0xFFFFF80, s10  }
0x1aa: {  	s11 =	simm.s32 $0xE80;
	(v2sf) =	vpush v11, $0x6;
	s9 =	sadd.s32 s0, s9  }
0x1ab: {  	[tilespmem:s11], [sflag:$0x1] =	stream.linear.gather [hbm4b:s9+s3], $0x400, $0x38;
	[tilespmem:$0x12280] =	vst v63  }
0x1ac: {  	s9 =	sadd.s32 $0xF4280, s9;
	s11 =	simm.s32 $0x2E80  }
0x1ad: {  	[tilespmem:s11], [sflag:$0x1] =	stream.linear.gather [hbm4b:s9+s3], $0x400, $0x38;
	[tilespmem:$0x12280] =	vst v63  }
0x1ae: {  	s10 =	spop (v2sf)  }
0x1af: {  	s9 =	sand.u32 $0xFFFFF80, s10  }
0x1b0: {  	s11 =	simm.s32 $0x1280;
	(v2sf) =	vpush v11, $0x7;
	s9 =	sadd.s32 s0, s9  }
0x1b1: {  	[tilespmem:s11], [sflag:$0x1] =	stream.linear.gather [hbm4b:s9+s3], $0x400, $0x38;
	[tilespmem:$0x12280] =	vst v63  }
0x1b2: {  	s10 =	spop (v2sf);
	s9 =	sadd.s32 $0xF4280, s9;
	s11 =	simm.s32 $0x3280  }
0x1b3: {  	[tilespmem:s11], [sflag:$0x1] =	stream.linear.gather [hbm4b:s9+s3], $0x400, $0x38;
	[tilespmem:$0x12280] =	vst v63  }
0x1b4: {  	s9 =	sand.u32 $0xFFFFF80, s10  }
0x1b5: {  	s11 =	simm.s32 $0x1680;
	s9 =	sadd.s32 s0, s9  }
0x1b6: {  	[tilespmem:s11], [sflag:$0x1] =	stream.linear.gather [hbm4b:s9+s3], $0x400, $0x38;
	[tilespmem:$0x12280] =	vst v63  }
0x1b7: {  	s9 =	sadd.s32 $0xF4280, s9;
	s11 =	simm.s32 $0x3680  }
0x1b8: {  	[tilespmem:s11], [sflag:$0x1] =	stream.linear.gather [hbm4b:s9+s3], $0x400, $0x38;
	[tilespmem:$0x12280] =	vst v63  }
0x1b9: {  	s10 =	spop (v2sf)  }
0x1ba: {  	s9 =	sand.u32 $0xFFFFF80, s10  }
0x1bb: {  	s11 =	simm.s32 $0x1A80;
	s9 =	sadd.s32 s0, s9  }
0x1bc: {  	[tilespmem:s11], [sflag:$0x1] =	stream.linear.gather [hbm4b:s9+s3], $0x400, $0x38;
	[tilespmem:$0x12280] =	vst v63  }
0x1bd: {  	s9 =	sadd.s32 $0xF4280, s9;
	s11 =	simm.s32 $0x3A80  }
0x1be: {  	[tilespmem:s11], [sflag:$0x1] =	stream.linear.gather [hbm4b:s9+s3], $0x400, $0x38;
	[tilespmem:$0x12280] =	vst v63  }
0x1bf: {  	s10 =	spop (v2sf)  }
0x1c0: {  	s9 =	sand.u32 $0xFFFFF80, s10  }
0x1c1: {  	s11 =	simm.s32 $0x1E80;
	s9 =	sadd.s32 s0, s9  }
0x1c2: {  	[tilespmem:s11], [sflag:$0x1] =	stream.linear.gather [hbm4b:s9+s3], $0x400, $0x38;
	[tilespmem:$0x12280] =	vst v63  }
0x1c3: {  	s9 =	sadd.s32 $0xF4280, s9;
	s11 =	simm.s32 $0x3E80  }
0x1c4: {  	[tilespmem:s11], [sflag:$0x1] =	stream.linear.gather [hbm4b:s9+s3], $0x400, $0x38;
	[tilespmem:$0x12280] =	vst v63  }
.LBB2_4:
0x1c5: {  	_ =	swait.ge [sflag:s1], $0x4000  }
0x1c6: {  	(v2sf) =	vpush v13, $0x8;
	_ =	sdelay $0xe  }
0x1c7: {  	s9 =	spop (v2sf)  }
0x1c8: {  	s9 =	sand.u32 $0x7F, s9  }
0x1c9: {  	s10 =	sadd.s32 $0xFFFFFFE9, s6;
	v37 =	vor.u32 s9, v0  }
0x1ca: {  	v14 =	vmov s10  }
0x1cb: {  	v15 =	vshll.u32 v14, $0x3  }
0x1cc: {  	[sflag:s1] =	ssyncset.done $0x0;
	v14 =	vand.u32 $0x68, v14;
	v15 =	vand.u32 $0xC00, v15  }
0x1cd: {  	v38 =	vbroadcast v12, $0x9;
	[sflag:s1] =	ssyncadd.s32 $0xFFFFC000;
	v14 =	vor.u32 v15, v14  }
0x1ce: {  	v14 =	vor.u32 v1, v14;
	v13 =	vld.idx.msk [tilespmem:v37+s24+$0x0], $0xffff  }
0x1cf: {  	s11 =	sadd.s32 $0xFFFFFFEA, s6;
	v15 =	vor.u32 v2, v38  }
0x1d0: {  	v16 =	vmov s11  }
0x1d1: {  	v17 =	vshll.u32 v16, $0x3  }
0x1d2: {  	v16 =	vand.u32 $0x69, v16;
	v17 =	vand.u32 $0xC00, v17  }
0x1d3: {  	v40 =	vbroadcast v12, $0xA;
	v39 =	vor.u32 v17, v16;
	[tilespmem:v14+s2+$0x0] =	vst.idx.msk $0xffff, v13  }
0x1d4: {  	v13 =	vor.u32 v1, v39;
	v15 =	vld.idx.msk [tilespmem:v15+s24+$0x0], $0xffff  }
0x1d5: {  	s10 =	sadd.s32 $0xFFFFFFEB, s6;
	v14 =	vor.u32 v3, v40  }
0x1d6: {  	v41 =	vmov s10  }
0x1d7: {  	v42 =	vshll.u32 v41, $0x3  }
0x1d8: {  	v16 =	vand.u32 $0x6A, v41;
	v17 =	vand.u32 $0xC00, v42  }
0x1d9: {  	v44 =	vbroadcast v12, $0xB;
	v43 =	vor.u32 v17, v16;
	[tilespmem:v13+s2+$0x0] =	vst.idx.msk $0xffff, v15  }
0x1da: {  	v13 =	vor.u32 v1, v43;
	v14 =	vld.idx.msk [tilespmem:v14+s24+$0x0], $0xffff  }
0x1db: {  	s11 =	sadd.s32 $0xFFFFFFEC, s6;
	v15 =	vor.u32 v4, v44  }
0x1dc: {  	v45 =	vmov s11  }
0x1dd: {  	v46 =	vshll.u32 v45, $0x3  }
0x1de: {  	v16 =	vand.u32 $0x6B, v45;
	v17 =	vand.u32 $0xC00, v46  }
0x1df: {  	v48 =	vbroadcast v12, $0xC;
	v47 =	vor.u32 v17, v16;
	[tilespmem:v13+s2+$0x0] =	vst.idx.msk $0xffff, v14  }
0x1e0: {  	v13 =	vor.u32 v1, v47;
	v15 =	vld.idx.msk [tilespmem:v15+s24+$0x0], $0xffff  }
0x1e1: {  	s10 =	sadd.s32 $0xFFFFFFED, s6;
	v14 =	vor.u32 v5, v48  }
0x1e2: {  	v49 =	vmov s10  }
0x1e3: {  	v50 =	vshll.u32 v49, $0x3  }
0x1e4: {  	v16 =	vand.u32 $0x6C, v49;
	v17 =	vand.u32 $0xC00, v50  }
0x1e5: {  	v52 =	vbroadcast v12, $0xD;
	v51 =	vor.u32 v17, v16;
	[tilespmem:v13+s2+$0x0] =	vst.idx.msk $0xffff, v15  }
0x1e6: {  	v13 =	vor.u32 v1, v51;
	v14 =	vld.idx.msk [tilespmem:v14+s24+$0x0], $0xffff  }
0x1e7: {  	s11 =	sadd.s32 $0xFFFFFFEE, s6;
	v15 =	vor.u32 v6, v52  }
0x1e8: {  	v53 =	vmov s11  }
0x1e9: {  	v54 =	vshll.u32 v53, $0x3  }
0x1ea: {  	v16 =	vand.u32 $0x6D, v53;
	v17 =	vand.u32 $0xC00, v54  }
0x1eb: {  	v56 =	vbroadcast v12, $0xE;
	v55 =	vor.u32 v17, v16;
	[tilespmem:v13+s2+$0x0] =	vst.idx.msk $0xffff, v14  }
0x1ec: {  	v13 =	vor.u32 v1, v55;
	v15 =	vld.idx.msk [tilespmem:v15+s24+$0x0], $0xffff  }
0x1ed: {  	s10 =	sadd.s32 $0xFFFFFFEF, s6;
	v14 =	vor.u32 v7, v56  }
0x1ee: {  	v57 =	vmov s10  }
0x1ef: {  	v58 =	vshll.u32 v57, $0x3  }
0x1f0: {  	v16 =	vand.u32 $0x6E, v57;
	v17 =	vand.u32 $0xC00, v58  }
0x1f1: {  	v60 =	vbroadcast v12, $0xF;
	v59 =	vor.u32 v17, v16;
	[tilespmem:v13+s2+$0x0] =	vst.idx.msk $0xffff, v15  }
0x1f2: {  	v13 =	vor.u32 v1, v59;
	v14 =	vld.idx.msk [tilespmem:v14+s24+$0x0], $0xffff  }
0x1f3: {  	v12 =	vor.u32 v8, v60;
	s11 =	sadd.s32 $0xFFFFFFF0, s6  }
0x1f4: {  	v61 =	vmov s11  }
0x1f5: {  	v62 =	vshll.u32 v61, $0x3  }
0x1f6: {  	v16 =	vand.u32 $0xC00, v62;
	v15 =	vand.u32 $0x6F, v61  }
0x1f7: {  	v63 =	vor.u32 v16, v15;
	[tilespmem:v13+s2+$0x0] =	vst.idx.msk $0xffff, v14  }
0x1f8: {  	v13 =	vor.u32 v1, v63;
	v12 =	vld.idx.msk [tilespmem:v12+s24+$0x0], $0xffff  }
.Ltmp5:
0x1f9: {  	_ = 	snop;
	(pc) =	sbr.rel @p0 .LBB2_6-.Ltmp5, $2  }
0x1fa: {  	_ =	sdelay $0x2  }
0x1fb: {  	[tilespmem:v13+s2+$0x0] =	vst.idx.msk $0xffff, v12  }
0x1fc: {  	(v2sf) =	vpush v11, $0x8;
	_ =	sdelay $0x5  }
0x1fd: {  	(v2sf) =	vpush v11, $0x9;
	_ =	sdelay $0x3  }
0x1fe: {  	(v2sf) =	vpush v11, $0xA;
	_ =	sdelay $0x4  }
0x1ff: {  	s9 =	spop (v2sf)  }
0x200: {  	s9 =	sand.u32 $0xFFFFF80, s9  }
0x201: {  	(v2sf) =	vpush v11, $0xB;
	s9 =	sadd.s32 s0, s9  }
0x202: {  	[tilespmem:s24], [sflag:$0x2] =	stream.linear.gather [hbm4b:s9+s3], $0x400, $0x38;
	[tilespmem:$0x12280] =	vst v63  }
0x203: {  	s10 =	simm.s32 $0x6280;
	s9 =	sadd.s32 $0xF4280, s9  }
0x204: {  	[tilespmem:s10], [sflag:$0x2] =	stream.linear.gather [hbm4b:s9+s3], $0x400, $0x38;
	[tilespmem:$0x12280] =	vst v63  }
0x205: {  	s10 =	spop (v2sf)  }
0x206: {  	s9 =	sand.u32 $0xFFFFF80, s10  }
0x207: {  	s11 =	simm.s32 $0x4680;
	(v2sf) =	vpush v11, $0xC;
	s9 =	sadd.s32 s0, s9  }
0x208: {  	[tilespmem:s11], [sflag:$0x2] =	stream.linear.gather [hbm4b:s9+s3], $0x400, $0x38;
	[tilespmem:$0x12280] =	vst v63  }
0x209: {  	s10 =	spop (v2sf);
	s9 =	sadd.s32 $0xF4280, s9;
	s11 =	simm.s32 $0x6680  }
0x20a: {  	[tilespmem:s11], [sflag:$0x2] =	stream.linear.gather [hbm4b:s9+s3], $0x400, $0x38;
	[tilespmem:$0x12280] =	vst v63  }
0x20b: {  	(v2sf) =	vpush v11, $0xD;
	s9 =	sand.u32 $0xFFFFF80, s10  }
0x20c: {  	s11 =	simm.s32 $0x4A80;
	s9 =	sadd.s32 s0, s9  }
0x20d: {  	[tilespmem:s11], [sflag:$0x2] =	stream.linear.gather [hbm4b:s9+s3], $0x400, $0x38;
	[tilespmem:$0x12280] =	vst v63  }
0x20e: {  	s9 =	sadd.s32 $0xF4280, s9;
	s11 =	simm.s32 $0x6A80  }
0x20f: {  	[tilespmem:s11], [sflag:$0x2] =	stream.linear.gather [hbm4b:s9+s3], $0x400, $0x38;
	[tilespmem:$0x12280] =	vst v63  }
0x210: {  	s10 =	spop (v2sf)  }
0x211: {  	s9 =	sand.u32 $0xFFFFF80, s10  }
0x212: {  	s11 =	simm.s32 $0x4E80;
	(v2sf) =	vpush v11, $0xE;
	s9 =	sadd.s32 s0, s9  }
0x213: {  	[tilespmem:s11], [sflag:$0x2] =	stream.linear.gather [hbm4b:s9+s3], $0x400, $0x38;
	[tilespmem:$0x12280] =	vst v63  }
0x214: {  	s9 =	sadd.s32 $0xF4280, s9;
	s11 =	simm.s32 $0x6E80  }
0x215: {  	[tilespmem:s11], [sflag:$0x2] =	stream.linear.gather [hbm4b:s9+s3], $0x400, $0x38;
	[tilespmem:$0x12280] =	vst v63  }
0x216: {  	s10 =	spop (v2sf)  }
0x217: {  	s9 =	sand.u32 $0xFFFFF80, s10  }
0x218: {  	s11 =	simm.s32 $0x5280;
	(v2sf) =	vpush v11, $0xF;
	s9 =	sadd.s32 s0, s9  }
0x219: {  	[tilespmem:s11], [sflag:$0x2] =	stream.linear.gather [hbm4b:s9+s3], $0x400, $0x38;
	[tilespmem:$0x12280] =	vst v63  }
0x21a: {  	s10 =	spop (v2sf);
	s9 =	sadd.s32 $0xF4280, s9;
	s11 =	simm.s32 $0x7280  }
0x21b: {  	[tilespmem:s11], [sflag:$0x2] =	stream.linear.gather [hbm4b:s9+s3], $0x400, $0x38;
	[tilespmem:$0x12280] =	vst v63  }
0x21c: {  	s9 =	sand.u32 $0xFFFFF80, s10  }
0x21d: {  	s11 =	simm.s32 $0x5680;
	s9 =	sadd.s32 s0, s9  }
0x21e: {  	[tilespmem:s11], [sflag:$0x2] =	stream.linear.gather [hbm4b:s9+s3], $0x400, $0x38;
	[tilespmem:$0x12280] =	vst v63  }
0x21f: {  	s9 =	sadd.s32 $0xF4280, s9;
	s11 =	simm.s32 $0x7680  }
0x220: {  	[tilespmem:s11], [sflag:$0x2] =	stream.linear.gather [hbm4b:s9+s3], $0x400, $0x38;
	[tilespmem:$0x12280] =	vst v63  }
0x221: {  	s10 =	spop (v2sf)  }
0x222: {  	s9 =	sand.u32 $0xFFFFF80, s10  }
0x223: {  	s11 =	simm.s32 $0x5A80;
	s9 =	sadd.s32 s0, s9  }
0x224: {  	[tilespmem:s11], [sflag:$0x2] =	stream.linear.gather [hbm4b:s9+s3], $0x400, $0x38;
	[tilespmem:$0x12280] =	vst v63  }
0x225: {  	s9 =	sadd.s32 $0xF4280, s9;
	s11 =	simm.s32 $0x7A80  }
0x226: {  	[tilespmem:s11], [sflag:$0x2] =	stream.linear.gather [hbm4b:s9+s3], $0x400, $0x38;
	[tilespmem:$0x12280] =	vst v63  }
0x227: {  	s10 =	spop (v2sf)  }
0x228: {  	s9 =	sand.u32 $0xFFFFF80, s10  }
0x229: {  	s11 =	simm.s32 $0x5E80;
	s9 =	sadd.s32 s0, s9  }
0x22a: {  	[tilespmem:s11], [sflag:$0x2] =	stream.linear.gather [hbm4b:s9+s3], $0x400, $0x38;
	[tilespmem:$0x12280] =	vst v63  }
0x22b: {  	s9 =	sadd.s32 $0xF4280, s9;
	s11 =	simm.s32 $0x7E80  }
0x22c: {  	[tilespmem:s11], [sflag:$0x2] =	stream.linear.gather [hbm4b:s9+s3], $0x400, $0x38;
	[tilespmem:$0x12280] =	vst v63  }
.LBB2_6:
0x22d: {  	_ =	swait.ge [sflag:s4], $0x4000  }
0x22e: {  	(v2sf) =	vpush v10, $0x0;
	_ =	sdelay $0xe  }
0x22f: {  	s9 =	spop (v2sf)  }
0x230: {  	s9 =	sand.u32 $0x7F, s9  }
0x231: {  	s10 =	sadd.s32 $0xFFFFFFF1, s6;
	v12 =	vor.u32 s9, v0  }
0x232: {  	v11 =	vmov s10  }
0x233: {  	v13 =	vshll.u32 v11, $0x3  }
0x234: {  	[sflag:s4] =	ssyncset.done $0x0;
	v14 =	vand.u32 $0x70, v11;
	v11 =	vand.u32 $0x7F, v10;
	v13 =	vand.u32 $0xC00, v13  }
0x235: {  	[sflag:s4] =	ssyncadd.s32 $0xFFFFC000;
	v38 =	vbroadcast v11, $0x1;
	v13 =	vor.u32 v13, v14  }
0x236: {  	v13 =	vor.u32 v1, v13;
	v12 =	vld.idx.msk [tilespmem:v12+s12+$0x0], $0xffff  }
0x237: {  	s11 =	sadd.s32 $0xFFFFFFF2, s6;
	v14 =	vor.u32 v2, v38  }
0x238: {  	v15 =	vmov s11  }
0x239: {  	v16 =	vshll.u32 v15, $0x3  }
0x23a: {  	v15 =	vand.u32 $0x71, v15;
	v16 =	vand.u32 $0xC00, v16  }
0x23b: {  	v40 =	vbroadcast v11, $0x2;
	v39 =	vor.u32 v16, v15;
	[tilespmem:v13+s2+$0x0] =	vst.idx.msk $0xffff, v12  }
0x23c: {  	v12 =	vor.u32 v1, v39;
	v14 =	vld.idx.msk [tilespmem:v14+s12+$0x0], $0xffff  }
0x23d: {  	s10 =	sadd.s32 $0xFFFFFFF3, s6;
	v13 =	vor.u32 v3, v40  }
0x23e: {  	v41 =	vmov s10  }
0x23f: {  	v42 =	vshll.u32 v41, $0x3  }
0x240: {  	v15 =	vand.u32 $0x72, v41;
	v16 =	vand.u32 $0xC00, v42  }
0x241: {  	v44 =	vbroadcast v11, $0x3;
	v43 =	vor.u32 v16, v15;
	[tilespmem:v12+s2+$0x0] =	vst.idx.msk $0xffff, v14  }
0x242: {  	v12 =	vor.u32 v1, v43;
	v13 =	vld.idx.msk [tilespmem:v13+s12+$0x0], $0xffff  }
0x243: {  	s11 =	sadd.s32 $0xFFFFFFF4, s6;
	v14 =	vor.u32 v4, v44  }
0x244: {  	v45 =	vmov s11  }
0x245: {  	v46 =	vshll.u32 v45, $0x3  }
0x246: {  	v15 =	vand.u32 $0x73, v45;
	v16 =	vand.u32 $0xC00, v46  }
0x247: {  	v48 =	vbroadcast v11, $0x4;
	v47 =	vor.u32 v16, v15;
	[tilespmem:v12+s2+$0x0] =	vst.idx.msk $0xffff, v13  }
0x248: {  	v12 =	vor.u32 v1, v47;
	v14 =	vld.idx.msk [tilespmem:v14+s12+$0x0], $0xffff  }
0x249: {  	s10 =	sadd.s32 $0xFFFFFFF5, s6;
	v13 =	vor.u32 v5, v48  }
0x24a: {  	v49 =	vmov s10  }
0x24b: {  	v50 =	vshll.u32 v49, $0x3  }
0x24c: {  	v15 =	vand.u32 $0x74, v49;
	v16 =	vand.u32 $0xC00, v50  }
0x24d: {  	v52 =	vbroadcast v11, $0x5;
	v51 =	vor.u32 v16, v15;
	[tilespmem:v12+s2+$0x0] =	vst.idx.msk $0xffff, v14  }
0x24e: {  	v12 =	vor.u32 v1, v51;
	v13 =	vld.idx.msk [tilespmem:v13+s12+$0x0], $0xffff  }
0x24f: {  	s11 =	sadd.s32 $0xFFFFFFF6, s6;
	v14 =	vor.u32 v6, v52  }
0x250: {  	v53 =	vmov s11  }
0x251: {  	v54 =	vshll.u32 v53, $0x3  }
0x252: {  	v15 =	vand.u32 $0x75, v53;
	v16 =	vand.u32 $0xC00, v54  }
0x253: {  	v56 =	vbroadcast v11, $0x6;
	v55 =	vor.u32 v16, v15;
	[tilespmem:v12+s2+$0x0] =	vst.idx.msk $0xffff, v13  }
0x254: {  	v12 =	vor.u32 v1, v55;
	v14 =	vld.idx.msk [tilespmem:v14+s12+$0x0], $0xffff  }
0x255: {  	s10 =	sadd.s32 $0xFFFFFFF7, s6;
	v13 =	vor.u32 v7, v56  }
0x256: {  	v57 =	vmov s10  }
0x257: {  	v58 =	vshll.u32 v57, $0x3  }
0x258: {  	v15 =	vand.u32 $0x76, v57;
	v16 =	vand.u32 $0xC00, v58  }
0x259: {  	v60 =	vbroadcast v11, $0x7;
	v59 =	vor.u32 v16, v15;
	[tilespmem:v12+s2+$0x0] =	vst.idx.msk $0xffff, v14  }
0x25a: {  	v12 =	vor.u32 v1, v59;
	v13 =	vld.idx.msk [tilespmem:v13+s12+$0x0], $0xffff  }
0x25b: {  	s11 =	sadd.s32 $0xFFFFFFF8, s6;
	v14 =	vor.u32 v8, v60  }
0x25c: {  	v61 =	vmov s11  }
0x25d: {  	v62 =	vshll.u32 v61, $0x3  }
0x25e: {  	v15 =	vand.u32 $0x77, v61;
	v16 =	vand.u32 $0xC00, v62  }
0x25f: {  	v63 =	vor.u32 v16, v15;
	[tilespmem:v12+s2+$0x0] =	vst.idx.msk $0xffff, v13  }
0x260: {  	v12 =	vor.u32 v1, v63;
	v13 =	vld.idx.msk [tilespmem:v14+s12+$0x0], $0xffff  }
.Ltmp6:
0x261: {  	_ = 	snop;
	(pc) =	sbr.rel @p0 .LBB2_8-.Ltmp6, $2  }
0x262: {  	_ =	sdelay $0x2  }
0x263: {  	[tilespmem:v12+s2+$0x0] =	vst.idx.msk $0xffff, v13  }
0x264: {  	(v2sf) =	vpush v9, $0x0;
	_ =	sdelay $0x3  }
0x265: {  	(v2sf) =	vpush v9, $0x1;
	_ =	sdelay $0x4  }
0x266: {  	(v2sf) =	vpush v9, $0x2;
	_ =	sdelay $0x5  }
0x267: {  	s9 =	spop (v2sf)  }
0x268: {  	(v2sf) =	vpush v9, $0x3;
	s9 =	sand.u32 $0xFFFFF80, s9  }
0x269: {  	s9 =	sadd.s32 s0, s9  }
0x26a: {  	[tilespmem:s12], [sflag:$0x3] =	stream.linear.gather [hbm4b:s9+s3], $0x400, $0x38;
	[tilespmem:$0x12280] =	vst v63  }
0x26b: {  	s11 =	spop (v2sf);
	s9 =	sadd.s32 $0xF4280, s9  }
0x26c: {  	(v2sf) =	vpush v9, $0x4;
	[tilespmem:s13], [sflag:$0x3] =	stream.linear.gather [hbm4b:s9+s3], $0x400, $0x38;
	[tilespmem:$0x12280] =	vst v63  }
0x26d: {  	s9 =	sand.u32 $0xFFFFF80, s11  }
0x26e: {  	s9 =	sadd.s32 s0, s9  }
0x26f: {  	[tilespmem:s14], [sflag:$0x3] =	stream.linear.gather [hbm4b:s9+s3], $0x400, $0x38;
	[tilespmem:$0x12280] =	vst v63  }
0x270: {  	s10 =	spop (v2sf);
	s9 =	sadd.s32 $0xF4280, s9  }
0x271: {  	(v2sf) =	vpush v9, $0x5;
	[tilespmem:s15], [sflag:$0x3] =	stream.linear.gather [hbm4b:s9+s3], $0x400, $0x38;
	[tilespmem:$0x12280] =	vst v63  }
0x272: {  	s9 =	sand.u32 $0xFFFFF80, s10  }
0x273: {  	s9 =	sadd.s32 s0, s9  }
0x274: {  	[tilespmem:s16], [sflag:$0x3] =	stream.linear.gather [hbm4b:s9+s3], $0x400, $0x38;
	[tilespmem:$0x12280] =	vst v63  }
0x275: {  	s9 =	sadd.s32 $0xF4280, s9  }
0x276: {  	[tilespmem:s17], [sflag:$0x3] =	stream.linear.gather [hbm4b:s9+s3], $0x400, $0x38;
	[tilespmem:$0x12280] =	vst v63  }
0x277: {  	s11 =	spop (v2sf)  }
0x278: {  	(v2sf) =	vpush v9, $0x6;
	s9 =	sand.u32 $0xFFFFF80, s11  }
0x279: {  	s9 =	sadd.s32 s0, s9  }
0x27a: {  	[tilespmem:s18], [sflag:$0x3] =	stream.linear.gather [hbm4b:s9+s3], $0x400, $0x38;
	[tilespmem:$0x12280] =	vst v63  }
0x27b: {  	s10 =	spop (v2sf);
	s9 =	sadd.s32 $0xF4280, s9  }
0x27c: {  	(v2sf) =	vpush v9, $0x7;
	[tilespmem:s19], [sflag:$0x3] =	stream.linear.gather [hbm4b:s9+s3], $0x400, $0x38;
	[tilespmem:$0x12280] =	vst v63  }
0x27d: {  	s9 =	sand.u32 $0xFFFFF80, s10  }
0x27e: {  	s9 =	sadd.s32 s0, s9  }
0x27f: {  	[tilespmem:s20], [sflag:$0x3] =	stream.linear.gather [hbm4b:s9+s3], $0x400, $0x38;
	[tilespmem:$0x12280] =	vst v63  }
0x280: {  	s11 =	spop (v2sf);
	s9 =	sadd.s32 $0xF4280, s9  }
0x281: {  	[tilespmem:s21], [sflag:$0x3] =	stream.linear.gather [hbm4b:s9+s3], $0x400, $0x38;
	[tilespmem:$0x12280] =	vst v63  }
0x282: {  	s9 =	sand.u32 $0xFFFFF80, s11  }
0x283: {  	s9 =	sadd.s32 s0, s9  }
0x284: {  	[tilespmem:s22], [sflag:$0x3] =	stream.linear.gather [hbm4b:s9+s3], $0x400, $0x38;
	[tilespmem:$0x12280] =	vst v63  }
0x285: {  	s9 =	sadd.s32 $0xF4280, s9  }
0x286: {  	[tilespmem:s23], [sflag:$0x3] =	stream.linear.gather [hbm4b:s9+s3], $0x400, $0x38;
	[tilespmem:$0x12280] =	vst v63  }
0x287: {  	s10 =	spop (v2sf)  }
0x288: {  	s9 =	sand.u32 $0xFFFFF80, s10  }
0x289: {  	s9 =	sadd.s32 s0, s9  }
0x28a: {  	[tilespmem:s25], [sflag:$0x3] =	stream.linear.gather [hbm4b:s9+s3], $0x400, $0x38;
	[tilespmem:$0x12280] =	vst v63  }
0x28b: {  	s11 =	spop (v2sf);
	s9 =	sadd.s32 $0xF4280, s9  }
0x28c: {  	[tilespmem:s26], [sflag:$0x3] =	stream.linear.gather [hbm4b:s9+s3], $0x400, $0x38;
	[tilespmem:$0x12280] =	vst v63  }
.Ltmp7:
0x28d: {  	s9 =	sand.u32 $0xFFFFF80, s11;
	(pc) =	sbr.rel .LBB2_8-.Ltmp7, $4  }
0x28e: {  	s9 =	sadd.s32 s0, s9  }
0x28f: {  	[tilespmem:s28], [sflag:$0x3] =	stream.linear.gather [hbm4b:s9+s3], $0x400, $0x38;
	[tilespmem:$0x12280] =	vst v63  }
0x290: {  	s9 =	sadd.s32 $0xF4280, s9  }
0x291: {  	[tilespmem:s29], [sflag:$0x3] =	stream.linear.gather [hbm4b:s9+s3], $0x400, $0x38;
	[tilespmem:$0x12280] =	vst v63  }
.LBB2_10:
0x292: {  	_ =	sfence.sel $0x180000  }
0x293: {  	[bflag:$0x0] =	sbarrier.arrive $0xFFFF  }
0x294: {  	_ =	strace $0x90000047  }
0x295: {  	s0 =	stileid.u32;
	[bflag:$0x2] =	sbarrier.arrive $0xFFFF  }
0x296: {  	p0 =	sne.s32 s0, $0x0;
	s0 =	rddreg [dreg:$0x3]  }
0x297: {  	s0 =	sadd.s32 @!p0 $0x100000, s0  }
0x298: {  	[sflag:s0] =	ssyncadd.tile.s32 @!p0 $0x1;
	_ =	shalt  }
.Lfunc_end2:
_tile_overlayer_lowered:
.L_overlay_start_2:
0x299: {  	(tag) =	ssettag $0x2  }
0x29a: {  	s0 =	rddreg [dreg:$0x0];
	s2 =	stileid.u32  }
0x29b: {  	s1 =	rddreg [dreg:$0x1];
	p0 =	sne.s32 s2, $0x0  }
0x29c: {  	s3 =	rddreg [dreg:$0x2];
	[bflag:$0x3] =	sbarrier.arrive $0xFFFF;
	s2 =	simm.s32 @!p0 $0x1C05  }
0x29d: {  	[timem:s3], [sflag:s2] =	dma.local @!p0 [hbm:s0], s1  }
0x29e: {  	s0 =	simm.s32 @!p0 $0x5  }
0x29f: {  	_ =	swait.ge @!p0 [sflag:s0], s1  }
0x2a0: {  	s1 =	ssub.s32 @!p0 $0x0, s1;
	[sflag:s0] =	ssyncset.done @!p0 $0x0  }
0x2a1: {  	[sflag:s0] =	ssyncadd.s32 @!p0 s1  }
0x2a2: {  	[bflag:$0x3] =	sbarrier.arrive $0xFFFF  }
0x2a3: {  	_ =	shalt  }

</sc_bundles>
